<compile_context>
chip_gen: v7x
topology: tpu7x:2x2x1
jax: 0.10.2.dev20260603
libtpu: 0.0.44.dev20260713+nightly
codegen_flags: <defaults>
</compile_context>

<pallas_src>
import functools

import jax
import jax.numpy as jnp
from jax import lax
from jax.experimental import pallas as pl
from jax.experimental.pallas import tpu as pltpu
from jax.experimental.pallas import tpu_sc as plsc

B = 32
D = 512
M = 1576
GROUP = 64
K = 50
KPAD = 64
NC = 2
NS = 16
EPS = 1e-8

QSC = 16
QTC = B - QSC
WPQ = (NC * NS) // QSC
RP = GROUP // WPQ


def _tc_body(q_ref, mc_ref, w_ref, ii_ref, cols_ref, ridx_ref, wb_ref):
    q = q_ref[...]
    mc = mc_ref[...]
    qn = jnp.maximum(jnp.sqrt(jnp.sum(q * q, axis=1, keepdims=True)), EPS)
    mn = jnp.maximum(jnp.sqrt(jnp.sum(mc * mc, axis=1, keepdims=True)), EPS)
    cos = lax.dot_general(
        q / qn, mc / mn,
        dimension_numbers=(((1,), (1,)), ((), ())),
        preferred_element_type=jnp.float32,
        precision=lax.Precision.HIGHEST,
    )

    col = lax.broadcasted_iota(jnp.int32, (B, M), 1)
    vals = []
    idxs = []
    for _ in range(K):
        mx = jnp.max(cos, axis=1, keepdims=True)
        am = jnp.min(jnp.where(cos >= mx, col, M), axis=1, keepdims=True)
        vals.append(mx)
        idxs.append(am)
        cos = jnp.where(col == am, -jnp.inf, cos)
    v = jnp.concatenate(vals, axis=1)
    ii = jnp.concatenate(idxs, axis=1)
    ii_ref[...] = ii

    e = jnp.exp(v - v[:, 0:1])
    sm = e / jnp.sum(e, axis=1, keepdims=True)

    w = w_ref[0]
    cols = jnp.concatenate(
        [sm * w,
         jnp.full((B, 1), 1.0, dtype=jnp.float32) - w,
         jnp.zeros((B, KPAD - K - 1), dtype=jnp.float32)],
        axis=1)
    cols_ref[...] = cols
    wb_ref[...] = jnp.broadcast_to(cols[:, :, None], (B, KPAD, 16))

    g = lax.broadcasted_iota(jnp.int32, (B, K, GROUP), 2)
    ridx_ref[...] = ii[:, :, None] * GROUP + g


def _tc_stage(q, mc, w):
    return pl.pallas_call(
        _tc_body,
        out_shape=[
            jax.ShapeDtypeStruct((B, K), jnp.int32),
            jax.ShapeDtypeStruct((B, KPAD), jnp.float32),
            jax.ShapeDtypeStruct((B, K, GROUP), jnp.int32),
            jax.ShapeDtypeStruct((B, KPAD, 16), jnp.float32),
        ],
        in_specs=[
            pl.BlockSpec(memory_space=pltpu.VMEM),
            pl.BlockSpec(memory_space=pltpu.VMEM),
            pl.BlockSpec(memory_space=pltpu.SMEM),
        ],
    )(q, mc, w)


_SC_MESH = plsc.VectorSubcoreMesh(core_axis_name="c", subcore_axis_name="s",
                                  num_cores=NC, num_subcores=NS)


@functools.partial(
    pl.kernel,
    out_type=jax.ShapeDtypeStruct((QSC, GROUP, D), jnp.float32),
    mesh=_SC_MESH,
    scratch_types=[
        pltpu.VMEM((K, RP), jnp.int32),
        pltpu.VMEM((KPAD * 16,), jnp.float32),
        pltpu.VMEM((RP, D), jnp.float32),
        pltpu.VMEM((RP, D), jnp.float32),
        pltpu.VMEM((RP, D), jnp.float32),
        pltpu.SemaphoreType.DMA,
        pltpu.SemaphoreType.DMA,
    ],
)
def _sc_stage(fp_hbm, ridx_hbm, wb_hbm, enc_hbm, out_hbm,
              ridx_v, wb_v, acc_v, buf0, buf1, sem0, sem1):
    wid = lax.axis_index("s") * NC + lax.axis_index("c")
    bq = wid // WPQ
    h = wid - bq * WPQ

    pltpu.sync_copy(ridx_hbm.at[bq, :, h], ridx_v)
    pltpu.sync_copy(wb_hbm.at[bq], wb_v)

    pltpu.sync_copy(enc_hbm.at[bq, pl.ds(h * RP, RP)], buf0)
    w_enc = wb_v[pl.ds(K * 16, 16)]

    def init_row(r, _):
        for kk in range(D // 16):
            acc_v[r, pl.ds(kk * 16, 16)] = buf0[r, pl.ds(kk * 16, 16)] * w_enc
        return 0
    lax.fori_loop(0, RP, init_row, 0)

    def start_gather(j, buf, sem):
        pltpu.async_copy(fp_hbm.at[ridx_v.at[j]], buf, sem)

    def wait_gather(buf, sem):
        pltpu.make_async_copy(fp_hbm.at[ridx_v.at[0]], buf, sem).wait()

    def accumulate(buf, j):
        wsplat = wb_v[pl.ds(j * 16, 16)]

        def rowf(r, _):
            for kk in range(D // 16):
                plsc.addupdate(acc_v.at[r, pl.ds(kk * 16, 16)],
                               buf[r, pl.ds(kk * 16, 16)] * wsplat)
            return 0
        lax.fori_loop(0, RP, rowf, 0)

    start_gather(0, buf0, sem0)
    start_gather(1, buf1, sem1)

    def body(jj, _):
        j0 = 2 * jj
        wait_gather(buf0, sem0)
        accumulate(buf0, j0)

        @pl.when(jj < K // 2 - 1)
        def _():
            start_gather(j0 + 2, buf0, sem0)

        wait_gather(buf1, sem1)
        accumulate(buf1, j0 + 1)

        @pl.when(jj < K // 2 - 1)
        def _():
            start_gather(j0 + 3, buf1, sem1)
        return 0
    lax.fori_loop(0, K // 2, body, 0)

    pltpu.sync_copy(acc_v, out_hbm.at[bq, pl.ds(h * RP, RP)])


def _tc_gather_body(ii_ref, cols_ref, fp_ref, enc_ref, out_ref):
    b = pl.program_id(0)
    j = pl.program_id(1)
    wj = cols_ref[b, j]

    @pl.when(j == 0)
    def _():
        out_ref[...] = enc_ref[...] * cols_ref[b, K]

    out_ref[...] = out_ref[...] + fp_ref[...] * wj


def _tc_gather(ii, cols, fp, enc):
    grid_spec = pltpu.PrefetchScalarGridSpec(
        num_scalar_prefetch=2,
        grid=(QTC, K),
        in_specs=[
            pl.BlockSpec((GROUP, D), lambda b, j, ii, cols: (ii[b, j], 0)),
            pl.BlockSpec((1, GROUP, D), lambda b, j, ii, cols: (b, 0, 0)),
        ],
        out_specs=pl.BlockSpec((1, GROUP, D), lambda b, j, ii, cols: (b, 0, 0)),
    )
    return pl.pallas_call(
        _tc_gather_body,
        grid_spec=grid_spec,
        out_shape=jax.ShapeDtypeStruct((QTC, GROUP, D), jnp.float32),
    )(ii, cols, fp, enc)


def kernel(enc_outputs, calculate_memory_context, memory_fingerprint,
           memory_context, weight, k):
    del k
    ii, cols, ridx, wb = _tc_stage(calculate_memory_context, memory_context,
                                   weight)
    out_tc = _tc_gather(ii[:QTC], cols[:QTC], memory_fingerprint,
                        enc_outputs[:QTC])
    out_sc = _sc_stage(memory_fingerprint,
                       ridx[QTC:].reshape(QSC, K, WPQ, RP),
                       wb[QTC:].reshape(QSC, KPAD * 16),
                       enc_outputs[QTC:])
    return jnp.concatenate([out_tc, out_sc], axis=0)

# --- scband reference (transcript-rebuilt; emitter-appended) ---
"""Pipeline reference for scband-memory-fingerprint-64776696758288 (READ-ONLY COPY).

The authoritative reference and input builder live on the scoring server;
editing this copy changes nothing except your own understanding.
"""

import jax, jax.numpy as jnp
import numpy as np

NUM_WORDS = 512
D_FP = 512
GROUP = 64
B = 32
D_CTX = 512
ROWS = 197 * NUM_WORDS  # 100864
M = ROWS // GROUP       # 1576 (exact since 512*197/64 = 1576)


def setup_inputs(seed: int = 0) -> dict:
    key = jax.random.key(seed)
    k1, k2, k3, k4, k5 = jax.random.split(key, 5)
    enc_outputs = jax.random.normal(k1, (B, GROUP, D_FP), dtype=jnp.float32)
    calculate_memory_context = jax.random.normal(k2, (B, D_CTX), dtype=jnp.float32)
    # kaiming_uniform_ (a=0, fan_in=D_FP): bound = sqrt(6/fan_in)
    bound = float(np.sqrt(6.0 / D_FP))
    memory_fingerprint = jax.random.uniform(k3, (ROWS, D_FP), minval=-bound, maxval=bound, dtype=jnp.float32)
    # original loads memory_context from a pickle; materialize a plausible learned table here
    memory_context = jax.random.normal(k4, (M, D_CTX), dtype=jnp.float32)
    # original draws torch.randn(1) inside forward; use a deterministic equivalent
    weight = jax.random.normal(k5, (1,), dtype=jnp.float32)
    return {
        "enc_outputs": enc_outputs,
        "calculate_memory_context": calculate_memory_context,
        "memory_fingerprint": memory_fingerprint,
        "memory_context": memory_context,
        "weight": weight,
        "k": 50,
    }


def reference(enc_outputs, calculate_memory_context, memory_fingerprint, memory_context, weight, k):
    eps = 1e-8
    qn = jnp.maximum(jnp.linalg.norm(calculate_memory_context, axis=1, keepdims=True), eps)
    mn = jnp.maximum(jnp.linalg.norm(memory_context, axis=1, keepdims=True), eps)
    cos_sim = (calculate_memory_context / qn) @ (memory_context / mn).T  # [B, M]
    k_static = 50
    top_k_values, top_k_indices = jax.lax.top_k(cos_sim, k_static)
    softmax_weights = jax.nn.softmax(top_k_values, axis=1)
    k_zero = (jnp.asarray(k) - jnp.asarray(k)).astype(top_k_indices.dtype)
    idx = top_k_indices.reshape(-1) + k_zero
    row_idx = (64 * idx)[:, None] + jnp.arange(64, dtype=idx.dtype)[None, :]
    values = jnp.take(memory_fingerprint, row_idx.reshape(-1), axis=0)
    num_samples = top_k_indices.shape[0]
    num_indices = top_k_indices.shape[1]
    values_grouped = values.reshape(num_samples, num_indices, 64, memory_fingerprint.shape[1])
    memory_fingerprint_total = jnp.sum(values_grouped * softmax_weights[:, :, None, None], axis=1)
    w = jnp.broadcast_to(weight, enc_outputs.shape)
    enc_output = memory_fingerprint_total * w + enc_outputs * (1.0 - w)
    return enc_output

if __name__ == "__main__":
    import jax
    _d = setup_inputs()
    print(jax.jit(kernel)(*tuple(_d.values())))

</pallas_src>

<mosaic_0001>
#map = affine_map<(d0, d1) -> (0, 0)>
#map1 = affine_map<(d0, d1) -> (0, 0, 0, 0)>
#map2 = affine_map<(d0, d1) -> (0, 0, 0)>
module attributes {stable_mosaic.version = 14 : i64} {
  func.func @_sc_stage(%arg0: i32, %arg1: i32, %arg2: memref<100864x512xf32, #tpu.memory_space<hbm>>, %arg3: memref<16x50x2x32xi32, #tpu.memory_space<hbm>>, %arg4: memref<16x1024xf32, #tpu.memory_space<hbm>>, %arg5: memref<16x64x512xf32, #tpu.memory_space<hbm>>, %arg6: memref<16x64x512xf32, #tpu.memory_space<hbm>>, %arg7: memref<50x32xi32, #tpu.memory_space<vmem>>, %arg8: memref<1024xf32, #tpu.memory_space<vmem>>, %arg9: memref<32x512xf32, #tpu.memory_space<vmem>>, %arg10: memref<32x512xf32, #tpu.memory_space<vmem>>, %arg11: memref<32x512xf32, #tpu.memory_space<vmem>>, %arg12: memref<!tpu.dma_semaphore, #tpu.memory_space<semaphore_mem>>, %arg13: memref<!tpu.dma_semaphore, #tpu.memory_space<semaphore_mem>>) attributes {dimension_semantics = [#tpu.dimension_semantics<core_parallel>, #tpu.dimension_semantics<subcore_parallel>], iteration_bounds = array<i64: 2, 16>, scalar_prefetch = 0 : i64, scratch_operands = 7 : i64, tpu.core_type = #tpu.core_type<sc_vector_subcore>, window_params = [{transform_indices = #map}, {transform_indices = #map1}, {transform_indices = #map}, {transform_indices = #map2}, {transform_indices = #map2}]} {
    %mul3A = arith.constant 2 : i32
    %mul3A_0 = arith.muli %arg1, %mul3A : i32
    %add3A = arith.addi %mul3A_0, %arg0 : i32
    %jit3A = arith.constant 2 : i32
    %div3A = arith.divsi %add3A, %jit3A : i32
    %sign3A = arith.constant 0 : i32
    %sign3A_1 = arith.cmpi sgt, %add3A, %sign3A : i32
    %sign3A_2 = arith.extui %sign3A_1 : i1 to i32
    %sign3A_3 = arith.constant 0 : i32
    %sign3A_4 = arith.cmpi slt, %add3A, %sign3A_3 : i32
    %sign3A_5 = arith.extui %sign3A_4 : i1 to i32
    %sign3A_6 = arith.subi %sign3A_2, %sign3A_5 : i32
    %sign3A_7 = arith.constant 0 : i32
    %sign3A_8 = arith.cmpi sgt, %jit3A, %sign3A_7 : i32
    %sign3A_9 = arith.extui %sign3A_8 : i1 to i32
    %sign3A_10 = arith.constant 0 : i32
    %sign3A_11 = arith.cmpi slt, %jit3A, %sign3A_10 : i32
    %sign3A_12 = arith.extui %sign3A_11 : i1 to i32
    %sign3A_13 = arith.subi %sign3A_9, %sign3A_12 : i32
    %ne3A = arith.cmpi ne, %sign3A_6, %sign3A_13 : i32
    %rem3A = arith.remsi %add3A, %jit3A : i32
    %ne3A_14 = arith.constant 0 : i32
    %ne3A_15 = arith.cmpi ne, %rem3A, %ne3A_14 : i32
    %and3A = arith.andi %ne3A, %ne3A_15 : i1
    %sub3A = arith.constant 1 : i32
    %sub3A_16 = arith.subi %div3A, %sub3A : i32
    %select_n3A = arith.select %and3A, %sub3A_16, %div3A : i32
    %mul3A_17 = arith.constant 2 : i32
    %mul3A_18 = arith.muli %select_n3A, %mul3A_17 : i32
    %sub3A_19 = arith.subi %add3A, %mul3A_18 : i32
    "tpu.region"() ({
      %run_scoped3A = tpu.sem_alloc : memref<!tpu.dma_semaphore, #tpu.memory_space<semaphore_mem>>
      %dma_start3A_52 = arith.constant 0 : i32
      %dma_start3A_53 = arith.constant 0 : i32
      %dma_start3A_54 = tpu.memref_slice %arg3[%select_n3A, %dma_start3A_52, %sub3A_19, %dma_start3A_53] : memref<16x50x2x32xi32, #tpu.memory_space<hbm>> -> memref<1x50x1x32xi32, #tpu.memory_space<hbm>>
      %dma_start3A_55 = tpu.memref_squeeze %dma_start3A_54 : memref<1x50x1x32xi32, #tpu.memory_space<hbm>> -> memref<50x32xi32, #tpu.memory_space<hbm>>
      %dma_start3A_56 = arith.constant 0 : i32
      %dma_start3A_57 = arith.constant 0 : i32
      %dma_start3A_58 = tpu.memref_slice %arg3[%select_n3A, %dma_start3A_56, %sub3A_19, %dma_start3A_57] : memref<16x50x2x32xi32, #tpu.memory_space<hbm>> -> memref<1x50x1x32xi32, #tpu.memory_space<hbm>>
      %dma_start3A_59 = tpu.memref_squeeze %dma_start3A_58 : memref<1x50x1x32xi32, #tpu.memory_space<hbm>> -> memref<50x32xi32, #tpu.memory_space<hbm>>
      tpu.enqueue_dma source(%dma_start3A_59 : memref<50x32xi32, #tpu.memory_space<hbm>>) target(%arg7 : memref<50x32xi32, #tpu.memory_space<vmem>>) target_semaphore(%run_scoped3A : memref<!tpu.dma_semaphore, #tpu.memory_space<semaphore_mem>>)
      %dma_wait3A = arith.constant 0 : i32
      %dma_wait3A_60 = arith.constant 0 : i32
      %dma_wait3A_61 = tpu.memref_slice %arg3[%select_n3A, %dma_wait3A, %sub3A_19, %dma_wait3A_60] : memref<16x50x2x32xi32, #tpu.memory_space<hbm>> -> memref<1x50x1x32xi32, #tpu.memory_space<hbm>>
      %dma_wait3A_62 = tpu.memref_squeeze %dma_wait3A_61 : memref<1x50x1x32xi32, #tpu.memory_space<hbm>> -> memref<50x32xi32, #tpu.memory_space<hbm>>
      %dma_wait3A_63 = arith.constant 0 : i32
      %dma_wait3A_64 = arith.constant 0 : i32
      %dma_wait3A_65 = tpu.memref_slice %arg3[%select_n3A, %dma_wait3A_63, %sub3A_19, %dma_wait3A_64] : memref<16x50x2x32xi32, #tpu.memory_space<hbm>> -> memref<1x50x1x32xi32, #tpu.memory_space<hbm>>
      %dma_wait3A_66 = tpu.memref_squeeze %dma_wait3A_65 : memref<1x50x1x32xi32, #tpu.memory_space<hbm>> -> memref<50x32xi32, #tpu.memory_space<hbm>>
      tpu.wait_dma2 semaphore(%run_scoped3A : memref<!tpu.dma_semaphore, #tpu.memory_space<semaphore_mem>>) src(%dma_wait3A_66 : memref<50x32xi32, #tpu.memory_space<hbm>>) dst(%arg7 : memref<50x32xi32, #tpu.memory_space<vmem>>)
      tpu.yield
    }) : () -> ()
    "tpu.region"() ({
      %run_scoped3A = tpu.sem_alloc : memref<!tpu.dma_semaphore, #tpu.memory_space<semaphore_mem>>
      %dma_start3A_52 = arith.constant 0 : i32
      %dma_start3A_53 = tpu.memref_slice %arg4[%select_n3A, %dma_start3A_52] : memref<16x1024xf32, #tpu.memory_space<hbm>> -> memref<1x1024xf32, #tpu.memory_space<hbm>>
      %dma_start3A_54 = tpu.memref_squeeze %dma_start3A_53 : memref<1x1024xf32, #tpu.memory_space<hbm>> -> memref<1024xf32, #tpu.memory_space<hbm>>
      %dma_start3A_55 = arith.constant 0 : i32
      %dma_start3A_56 = tpu.memref_slice %arg4[%select_n3A, %dma_start3A_55] : memref<16x1024xf32, #tpu.memory_space<hbm>> -> memref<1x1024xf32, #tpu.memory_space<hbm>>
      %dma_start3A_57 = tpu.memref_squeeze %dma_start3A_56 : memref<1x1024xf32, #tpu.memory_space<hbm>> -> memref<1024xf32, #tpu.memory_space<hbm>>
      tpu.enqueue_dma source(%dma_start3A_57 : memref<1024xf32, #tpu.memory_space<hbm>>) target(%arg8 : memref<1024xf32, #tpu.memory_space<vmem>>) target_semaphore(%run_scoped3A : memref<!tpu.dma_semaphore, #tpu.memory_space<semaphore_mem>>)
      %dma_wait3A = arith.constant 0 : i32
      %dma_wait3A_58 = tpu.memref_slice %arg4[%select_n3A, %dma_wait3A] : memref<16x1024xf32, #tpu.memory_space<hbm>> -> memref<1x1024xf32, #tpu.memory_space<hbm>>
      %dma_wait3A_59 = tpu.memref_squeeze %dma_wait3A_58 : memref<1x1024xf32, #tpu.memory_space<hbm>> -> memref<1024xf32, #tpu.memory_space<hbm>>
      %dma_wait3A_60 = arith.constant 0 : i32
      %dma_wait3A_61 = tpu.memref_slice %arg4[%select_n3A, %dma_wait3A_60] : memref<16x1024xf32, #tpu.memory_space<hbm>> -> memref<1x1024xf32, #tpu.memory_space<hbm>>
      %dma_wait3A_62 = tpu.memref_squeeze %dma_wait3A_61 : memref<1x1024xf32, #tpu.memory_space<hbm>> -> memref<1024xf32, #tpu.memory_space<hbm>>
      tpu.wait_dma2 semaphore(%run_scoped3A : memref<!tpu.dma_semaphore, #tpu.memory_space<semaphore_mem>>) src(%dma_wait3A_62 : memref<1024xf32, #tpu.memory_space<hbm>>) dst(%arg8 : memref<1024xf32, #tpu.memory_space<vmem>>)
      tpu.yield
    }) : () -> ()
    %mul3A_20 = arith.constant 32 : i32
    %mul3A_21 = arith.muli %sub3A_19, %mul3A_20 : i32
    "tpu.region"() ({
      %run_scoped3A = tpu.sem_alloc : memref<!tpu.dma_semaphore, #tpu.memory_space<semaphore_mem>>
      %dma_start3A_52 = arith.constant 0 : i32
      %dma_start3A_53 = tpu.memref_slice %arg5[%select_n3A, %mul3A_21, %dma_start3A_52] : memref<16x64x512xf32, #tpu.memory_space<hbm>> -> memref<1x32x512xf32, #tpu.memory_space<hbm>>
      %dma_start3A_54 = tpu.memref_squeeze %dma_start3A_53 : memref<1x32x512xf32, #tpu.memory_space<hbm>> -> memref<32x512xf32, #tpu.memory_space<hbm>>
      %dma_start3A_55 = arith.constant 0 : i32
      %dma_start3A_56 = tpu.memref_slice %arg5[%select_n3A, %mul3A_21, %dma_start3A_55] : memref<16x64x512xf32, #tpu.memory_space<hbm>> -> memref<1x32x512xf32, #tpu.memory_space<hbm>>
      %dma_start3A_57 = tpu.memref_squeeze %dma_start3A_56 : memref<1x32x512xf32, #tpu.memory_space<hbm>> -> memref<32x512xf32, #tpu.memory_space<hbm>>
      tpu.enqueue_dma source(%dma_start3A_57 : memref<32x512xf32, #tpu.memory_space<hbm>>) target(%arg10 : memref<32x512xf32, #tpu.memory_space<vmem>>) target_semaphore(%run_scoped3A : memref<!tpu.dma_semaphore, #tpu.memory_space<semaphore_mem>>)
      %dma_wait3A = arith.constant 0 : i32
      %dma_wait3A_58 = tpu.memref_slice %arg5[%select_n3A, %mul3A_21, %dma_wait3A] : memref<16x64x512xf32, #tpu.memory_space<hbm>> -> memref<1x32x512xf32, #tpu.memory_space<hbm>>
      %dma_wait3A_59 = tpu.memref_squeeze %dma_wait3A_58 : memref<1x32x512xf32, #tpu.memory_space<hbm>> -> memref<32x512xf32, #tpu.memory_space<hbm>>
      %dma_wait3A_60 = arith.constant 0 : i32
      %dma_wait3A_61 = tpu.memref_slice %arg5[%select_n3A, %mul3A_21, %dma_wait3A_60] : memref<16x64x512xf32, #tpu.memory_space<hbm>> -> memref<1x32x512xf32, #tpu.memory_space<hbm>>
      %dma_wait3A_62 = tpu.memref_squeeze %dma_wait3A_61 : memref<1x32x512xf32, #tpu.memory_space<hbm>> -> memref<32x512xf32, #tpu.memory_space<hbm>>
      tpu.wait_dma2 semaphore(%run_scoped3A : memref<!tpu.dma_semaphore, #tpu.memory_space<semaphore_mem>>) src(%dma_wait3A_62 : memref<32x512xf32, #tpu.memory_space<hbm>>) dst(%arg10 : memref<32x512xf32, #tpu.memory_space<vmem>>)
      tpu.yield
    }) : () -> ()
    %get3A = arith.constant 800 : index
    %get3A_22 = tpu.vector_load %arg8[%get3A] {strides = array<i32>} : memref<1024xf32, #tpu.memory_space<vmem>>, vector<16xf32>,
    %get3A_23 = vector.shape_cast %get3A_22 : vector<16xf32> to vector<16xf32>
    %scan3A = arith.constant 0 : i32
    %scan3A_24 = arith.constant 0 : i32
    %scan3A_25 = arith.constant 32 : i32
    %scan3A_26 = arith.addi %scan3A_24, %scan3A_25 : i32
    %scan3A_27 = arith.constant 1 : i32
    %scan3A_28 = scf.for %scan3A_52 = %scan3A_24 to %scan3A_26 step %scan3A_27 iter_args(%scan3A_53 = %scan3A) -> (i32)  : i32 {
      %get3A_54 = arith.index_cast %scan3A_52 : i32 to index
      %get3A_55 = arith.constant 0 : index
      %get3A_56 = tpu.vector_load %arg10[%get3A_54, %get3A_55] {strides = array<i32>} : memref<32x512xf32, #tpu.memory_space<vmem>>, vector<1x16xf32>,
      %get3A_57 = vector.shape_cast %get3A_56 : vector<1x16xf32> to vector<16xf32>
      %mul3A_58 = arith.mulf %get3A_57, %get3A_23 : vector<16xf32>
      %swap3A = arith.index_cast %scan3A_52 : i32 to index
      %swap3A_59 = arith.constant 0 : index
      %swap3A_60 = tpu.vector_load %arg9[%swap3A, %swap3A_59] {strides = array<i32>} : memref<32x512xf32, #tpu.memory_space<vmem>>, vector<1x16xf32>,
      %swap3A_61 = vector.shape_cast %swap3A_60 : vector<1x16xf32> to vector<16xf32>
      %swap3A_62 = vector.shape_cast %mul3A_58 : vector<16xf32> to vector<1x16xf32>
      tpu.vector_store %arg9[%swap3A, %swap3A_59], %swap3A_62 {strides = array<i32>} : memref<32x512xf32, #tpu.memory_space<vmem>>, vector<1x16xf32>,
      %get3A_63 = arith.index_cast %scan3A_52 : i32 to index
      %get3A_64 = arith.constant 16 : index
      %get3A_65 = tpu.vector_load %arg10[%get3A_63, %get3A_64] {strides = array<i32>} : memref<32x512xf32, #tpu.memory_space<vmem>>, vector<1x16xf32>,
      %get3A_66 = vector.shape_cast %get3A_65 : vector<1x16xf32> to vector<16xf32>
      %mul3A_67 = arith.mulf %get3A_66, %get3A_23 : vector<16xf32>
      %swap3A_68 = arith.index_cast %scan3A_52 : i32 to index
      %swap3A_69 = arith.constant 16 : index
      %swap3A_70 = tpu.vector_load %arg9[%swap3A_68, %swap3A_69] {strides = array<i32>} : memref<32x512xf32, #tpu.memory_space<vmem>>, vector<1x16xf32>,
      %swap3A_71 = vector.shape_cast %swap3A_70 : vector<1x16xf32> to vector<16xf32>
      %swap3A_72 = vector.shape_cast %mul3A_67 : vector<16xf32> to vector<1x16xf32>
      tpu.vector_store %arg9[%swap3A_68, %swap3A_69], %swap3A_72 {strides = array<i32>} : memref<32x512xf32, #tpu.memory_space<vmem>>, vector<1x16xf32>,
      %get3A_73 = arith.index_cast %scan3A_52 : i32 to index
      %get3A_74 = arith.constant 32 : index
      %get3A_75 = tpu.vector_load %arg10[%get3A_73, %get3A_74] {strides = array<i32>} : memref<32x512xf32, #tpu.memory_space<vmem>>, vector<1x16xf32>,
      %get3A_76 = vector.shape_cast %get3A_75 : vector<1x16xf32> to vector<16xf32>
      %mul3A_77 = arith.mulf %get3A_76, %get3A_23 : vector<16xf32>
      %swap3A_78 = arith.index_cast %scan3A_52 : i32 to index
      %swap3A_79 = arith.constant 32 : index
      %swap3A_80 = tpu.vector_load %arg9[%swap3A_78, %swap3A_79] {strides = array<i32>} : memref<32x512xf32, #tpu.memory_space<vmem>>, vector<1x16xf32>,
      %swap3A_81 = vector.shape_cast %swap3A_80 : vector<1x16xf32> to vector<16xf32>
      %swap3A_82 = vector.shape_cast %mul3A_77 : vector<16xf32> to vector<1x16xf32>
      tpu.vector_store %arg9[%swap3A_78, %swap3A_79], %swap3A_82 {strides = array<i32>} : memref<32x512xf32, #tpu.memory_space<vmem>>, vector<1x16xf32>,
      %get3A_83 = arith.index_cast %scan3A_52 : i32 to index
      %get3A_84 = arith.constant 48 : index
      %get3A_85 = tpu.vector_load %arg10[%get3A_83, %get3A_84] {strides = array<i32>} : memref<32x512xf32, #tpu.memory_space<vmem>>, vector<1x16xf32>,
      %get3A_86 = vector.shape_cast %get3A_85 : vector<1x16xf32> to vector<16xf32>
      %mul3A_87 = arith.mulf %get3A_86, %get3A_23 : vector<16xf32>
      %swap3A_88 = arith.index_cast %scan3A_52 : i32 to index
      %swap3A_89 = arith.constant 48 : index
      %swap3A_90 = tpu.vector_load %arg9[%swap3A_88, %swap3A_89] {strides = array<i32>} : memref<32x512xf32, #tpu.memory_space<vmem>>, vector<1x16xf32>,
      %swap3A_91 = vector.shape_cast %swap3A_90 : vector<1x16xf32> to vector<16xf32>
      %swap3A_92 = vector.shape_cast %mul3A_87 : vector<16xf32> to vector<1x16xf32>
      tpu.vector_store %arg9[%swap3A_88, %swap3A_89], %swap3A_92 {strides = array<i32>} : memref<32x512xf32, #tpu.memory_space<vmem>>, vector<1x16xf32>,
      %get3A_93 = arith.index_cast %scan3A_52 : i32 to index
      %get3A_94 = arith.constant 64 : index
      %get3A_95 = tpu.vector_load %arg10[%get3A_93, %get3A_94] {strides = array<i32>} : memref<32x512xf32, #tpu.memory_space<vmem>>, vector<1x16xf32>,
      %get3A_96 = vector.shape_cast %get3A_95 : vector<1x16xf32> to vector<16xf32>
      %mul3A_97 = arith.mulf %get3A_96, %get3A_23 : vector<16xf32>
      %swap3A_98 = arith.index_cast %scan3A_52 : i32 to index
      %swap3A_99 = arith.constant 64 : index
      %swap3A_100 = tpu.vector_load %arg9[%swap3A_98, %swap3A_99] {strides = array<i32>} : memref<32x512xf32, #tpu.memory_space<vmem>>, vector<1x16xf32>,
      %swap3A_101 = vector.shape_cast %swap3A_100 : vector<1x16xf32> to vector<16xf32>
      %swap3A_102 = vector.shape_cast %mul3A_97 : vector<16xf32> to vector<1x16xf32>
      tpu.vector_store %arg9[%swap3A_98, %swap3A_99], %swap3A_102 {strides = array<i32>} : memref<32x512xf32, #tpu.memory_space<vmem>>, vector<1x16xf32>,
      %get3A_103 = arith.index_cast %scan3A_52 : i32 to index
      %get3A_104 = arith.constant 80 : index
      %get3A_105 = tpu.vector_load %arg10[%get3A_103, %get3A_104] {strides = array<i32>} : memref<32x512xf32, #tpu.memory_space<vmem>>, vector<1x16xf32>,
      %get3A_106 = vector.shape_cast %get3A_105 : vector<1x16xf32> to vector<16xf32>
      %mul3A_107 = arith.mulf %get3A_106, %get3A_23 : vector<16xf32>
      %swap3A_108 = arith.index_cast %scan3A_52 : i32 to index
      %swap3A_109 = arith.constant 80 : index
      %swap3A_110 = tpu.vector_load %arg9[%swap3A_108, %swap3A_109] {strides = array<i32>} : memref<32x512xf32, #tpu.memory_space<vmem>>, vector<1x16xf32>,
      %swap3A_111 = vector.shape_cast %swap3A_110 : vector<1x16xf32> to vector<16xf32>
      %swap3A_112 = vector.shape_cast %mul3A_107 : vector<16xf32> to vector<1x16xf32>
      tpu.vector_store %arg9[%swap3A_108, %swap3A_109], %swap3A_112 {strides = array<i32>} : memref<32x512xf32, #tpu.memory_space<vmem>>, vector<1x16xf32>,
      %get3A_113 = arith.index_cast %scan3A_52 : i32 to index
      %get3A_114 = arith.constant 96 : index
      %get3A_115 = tpu.vector_load %arg10[%get3A_113, %get3A_114] {strides = array<i32>} : memref<32x512xf32, #tpu.memory_space<vmem>>, vector<1x16xf32>,
      %get3A_116 = vector.shape_cast %get3A_115 : vector<1x16xf32> to vector<16xf32>
      %mul3A_117 = arith.mulf %get3A_116, %get3A_23 : vector<16xf32>
      %swap3A_118 = arith.index_cast %scan3A_52 : i32 to index
      %swap3A_119 = arith.constant 96 : index
      %swap3A_120 = tpu.vector_load %arg9[%swap3A_118, %swap3A_119] {strides = array<i32>} : memref<32x512xf32, #tpu.memory_space<vmem>>, vector<1x16xf32>,
      %swap3A_121 = vector.shape_cast %swap3A_120 : vector<1x16xf32> to vector<16xf32>
      %swap3A_122 = vector.shape_cast %mul3A_117 : vector<16xf32> to vector<1x16xf32>
      tpu.vector_store %arg9[%swap3A_118, %swap3A_119], %swap3A_122 {strides = array<i32>} : memref<32x512xf32, #tpu.memory_space<vmem>>, vector<1x16xf32>,
      %get3A_123 = arith.index_cast %scan3A_52 : i32 to index
      %get3A_124 = arith.constant 112 : index
      %get3A_125 = tpu.vector_load %arg10[%get3A_123, %get3A_124] {strides = array<i32>} : memref<32x512xf32, #tpu.memory_space<vmem>>, vector<1x16xf32>,
      %get3A_126 = vector.shape_cast %get3A_125 : vector<1x16xf32> to vector<16xf32>
      %mul3A_127 = arith.mulf %get3A_126, %get3A_23 : vector<16xf32>
      %swap3A_128 = arith.index_cast %scan3A_52 : i32 to index
      %swap3A_129 = arith.constant 112 : index
      %swap3A_130 = tpu.vector_load %arg9[%swap3A_128, %swap3A_129] {strides = array<i32>} : memref<32x512xf32, #tpu.memory_space<vmem>>, vector<1x16xf32>,
      %swap3A_131 = vector.shape_cast %swap3A_130 : vector<1x16xf32> to vector<16xf32>
      %swap3A_132 = vector.shape_cast %mul3A_127 : vector<16xf32> to vector<1x16xf32>
      tpu.vector_store %arg9[%swap3A_128, %swap3A_129], %swap3A_132 {strides = array<i32>} : memref<32x512xf32, #tpu.memory_space<vmem>>, vector<1x16xf32>,
      %get3A_133 = arith.index_cast %scan3A_52 : i32 to index
      %get3A_134 = arith.constant 128 : index
      %get3A_135 = tpu.vector_load %arg10[%get3A_133, %get3A_134] {strides = array<i32>} : memref<32x512xf32, #tpu.memory_space<vmem>>, vector<1x16xf32>,
      %get3A_136 = vector.shape_cast %get3A_135 : vector<1x16xf32> to vector<16xf32>
      %mul3A_137 = arith.mulf %get3A_136, %get3A_23 : vector<16xf32>
      %swap3A_138 = arith.index_cast %scan3A_52 : i32 to index
      %swap3A_139 = arith.constant 128 : index
      %swap3A_140 = tpu.vector_load %arg9[%swap3A_138, %swap3A_139] {strides = array<i32>} : memref<32x512xf32, #tpu.memory_space<vmem>>, vector<1x16xf32>,
      %swap3A_141 = vector.shape_cast %swap3A_140 : vector<1x16xf32> to vector<16xf32>
      %swap3A_142 = vector.shape_cast %mul3A_137 : vector<16xf32> to vector<1x16xf32>
      tpu.vector_store %arg9[%swap3A_138, %swap3A_139], %swap3A_142 {strides = array<i32>} : memref<32x512xf32, #tpu.memory_space<vmem>>, vector<1x16xf32>,
      %get3A_143 = arith.index_cast %scan3A_52 : i32 to index
      %get3A_144 = arith.constant 144 : index
      %get3A_145 = tpu.vector_load %arg10[%get3A_143, %get3A_144] {strides = array<i32>} : memref<32x512xf32, #tpu.memory_space<vmem>>, vector<1x16xf32>,
      %get3A_146 = vector.shape_cast %get3A_145 : vector<1x16xf32> to vector<16xf32>
      %mul3A_147 = arith.mulf %get3A_146, %get3A_23 : vector<16xf32>
      %swap3A_148 = arith.index_cast %scan3A_52 : i32 to index
      %swap3A_149 = arith.constant 144 : index
      %swap3A_150 = tpu.vector_load %arg9[%swap3A_148, %swap3A_149] {strides = array<i32>} : memref<32x512xf32, #tpu.memory_space<vmem>>, vector<1x16xf32>,
      %swap3A_151 = vector.shape_cast %swap3A_150 : vector<1x16xf32> to vector<16xf32>
      %swap3A_152 = vector.shape_cast %mul3A_147 : vector<16xf32> to vector<1x16xf32>
      tpu.vector_store %arg9[%swap3A_148, %swap3A_149], %swap3A_152 {strides = array<i32>} : memref<32x512xf32, #tpu.memory_space<vmem>>, vector<1x16xf32>,
      %get3A_153 = arith.index_cast %scan3A_52 : i32 to index
      %get3A_154 = arith.constant 160 : index
      %get3A_155 = tpu.vector_load %arg10[%get3A_153, %get3A_154] {strides = array<i32>} : memref<32x512xf32, #tpu.memory_space<vmem>>, vector<1x16xf32>,
      %get3A_156 = vector.shape_cast %get3A_155 : vector<1x16xf32> to vector<16xf32>
      %mul3A_157 = arith.mulf %get3A_156, %get3A_23 : vector<16xf32>
      %swap3A_158 = arith.index_cast %scan3A_52 : i32 to index
      %swap3A_159 = arith.constant 160 : index
      %swap3A_160 = tpu.vector_load %arg9[%swap3A_158, %swap3A_159] {strides = array<i32>} : memref<32x512xf32, #tpu.memory_space<vmem>>, vector<1x16xf32>,
      %swap3A_161 = vector.shape_cast %swap3A_160 : vector<1x16xf32> to vector<16xf32>
      %swap3A_162 = vector.shape_cast %mul3A_157 : vector<16xf32> to vector<1x16xf32>
      tpu.vector_store %arg9[%swap3A_158, %swap3A_159], %swap3A_162 {strides = array<i32>} : memref<32x512xf32, #tpu.memory_space<vmem>>, vector<1x16xf32>,
      %get3A_163 = arith.index_cast %scan3A_52 : i32 to index
      %get3A_164 = arith.constant 176 : index
      %get3A_165 = tpu.vector_load %arg10[%get3A_163, %get3A_164] {strides = array<i32>} : memref<32x512xf32, #tpu.memory_space<vmem>>, vector<1x16xf32>,
      %get3A_166 = vector.shape_cast %get3A_165 : vector<1x16xf32> to vector<16xf32>
      %mul3A_167 = arith.mulf %get3A_166, %get3A_23 : vector<16xf32>
      %swap3A_168 = arith.index_cast %scan3A_52 : i32 to index
      %swap3A_169 = arith.constant 176 : index
      %swap3A_170 = tpu.vector_load %arg9[%swap3A_168, %swap3A_169] {strides = array<i32>} : memref<32x512xf32, #tpu.memory_space<vmem>>, vector<1x16xf32>,
      %swap3A_171 = vector.shape_cast %swap3A_170 : vector<1x16xf32> to vector<16xf32>
      %swap3A_172 = vector.shape_cast %mul3A_167 : vector<16xf32> to vector<1x16xf32>
      tpu.vector_store %arg9[%swap3A_168, %swap3A_169], %swap3A_172 {strides = array<i32>} : memref<32x512xf32, #tpu.memory_space<vmem>>, vector<1x16xf32>,
      %get3A_173 = arith.index_cast %scan3A_52 : i32 to index
      %get3A_174 = arith.constant 192 : index
      %get3A_175 = tpu.vector_load %arg10[%get3A_173, %get3A_174] {strides = array<i32>} : memref<32x512xf32, #tpu.memory_space<vmem>>, vector<1x16xf32>,
      %get3A_176 = vector.shape_cast %get3A_175 : vector<1x16xf32> to vector<16xf32>
      %mul3A_177 = arith.mulf %get3A_176, %get3A_23 : vector<16xf32>
      %swap3A_178 = arith.index_cast %scan3A_52 : i32 to index
      %swap3A_179 = arith.constant 192 : index
      %swap3A_180 = tpu.vector_load %arg9[%swap3A_178, %swap3A_179] {strides = array<i32>} : memref<32x512xf32, #tpu.memory_space<vmem>>, vector<1x16xf32>,
      %swap3A_181 = vector.shape_cast %swap3A_180 : vector<1x16xf32> to vector<16xf32>
      %swap3A_182 = vector.shape_cast %mul3A_177 : vector<16xf32> to vector<1x16xf32>
      tpu.vector_store %arg9[%swap3A_178, %swap3A_179], %swap3A_182 {strides = array<i32>} : memref<32x512xf32, #tpu.memory_space<vmem>>, vector<1x16xf32>,
      %get3A_183 = arith.index_cast %scan3A_52 : i32 to index
      %get3A_184 = arith.constant 208 : index
      %get3A_185 = tpu.vector_load %arg10[%get3A_183, %get3A_184] {strides = array<i32>} : memref<32x512xf32, #tpu.memory_space<vmem>>, vector<1x16xf32>,
      %get3A_186 = vector.shape_cast %get3A_185 : vector<1x16xf32> to vector<16xf32>
      %mul3A_187 = arith.mulf %get3A_186, %get3A_23 : vector<16xf32>
      %swap3A_188 = arith.index_cast %scan3A_52 : i32 to index
      %swap3A_189 = arith.constant 208 : index
      %swap3A_190 = tpu.vector_load %arg9[%swap3A_188, %swap3A_189] {strides = array<i32>} : memref<32x512xf32, #tpu.memory_space<vmem>>, vector<1x16xf32>,
      %swap3A_191 = vector.shape_cast %swap3A_190 : vector<1x16xf32> to vector<16xf32>
      %swap3A_192 = vector.shape_cast %mul3A_187 : vector<16xf32> to vector<1x16xf32>
      tpu.vector_store %arg9[%swap3A_188, %swap3A_189], %swap3A_192 {strides = array<i32>} : memref<32x512xf32, #tpu.memory_space<vmem>>, vector<1x16xf32>,
      %get3A_193 = arith.index_cast %scan3A_52 : i32 to index
      %get3A_194 = arith.constant 224 : index
      %get3A_195 = tpu.vector_load %arg10[%get3A_193, %get3A_194] {strides = array<i32>} : memref<32x512xf32, #tpu.memory_space<vmem>>, vector<1x16xf32>,
      %get3A_196 = vector.shape_cast %get3A_195 : vector<1x16xf32> to vector<16xf32>
      %mul3A_197 = arith.mulf %get3A_196, %get3A_23 : vector<16xf32>
      %swap3A_198 = arith.index_cast %scan3A_52 : i32 to index
      %swap3A_199 = arith.constant 224 : index
      %swap3A_200 = tpu.vector_load %arg9[%swap3A_198, %swap3A_199] {strides = array<i32>} : memref<32x512xf32, #tpu.memory_space<vmem>>, vector<1x16xf32>,
      %swap3A_201 = vector.shape_cast %swap3A_200 : vector<1x16xf32> to vector<16xf32>
      %swap3A_202 = vector.shape_cast %mul3A_197 : vector<16xf32> to vector<1x16xf32>
      tpu.vector_store %arg9[%swap3A_198, %swap3A_199], %swap3A_202 {strides = array<i32>} : memref<32x512xf32, #tpu.memory_space<vmem>>, vector<1x16xf32>,
      %get3A_203 = arith.index_cast %scan3A_52 : i32 to index
      %get3A_204 = arith.constant 240 : index
      %get3A_205 = tpu.vector_load %arg10[%get3A_203, %get3A_204] {strides = array<i32>} : memref<32x512xf32, #tpu.memory_space<vmem>>, vector<1x16xf32>,
      %get3A_206 = vector.shape_cast %get3A_205 : vector<1x16xf32> to vector<16xf32>
      %mul3A_207 = arith.mulf %get3A_206, %get3A_23 : vector<16xf32>
      %swap3A_208 = arith.index_cast %scan3A_52 : i32 to index
      %swap3A_209 = arith.constant 240 : index
      %swap3A_210 = tpu.vector_load %arg9[%swap3A_208, %swap3A_209] {strides = array<i32>} : memref<32x512xf32, #tpu.memory_space<vmem>>, vector<1x16xf32>,
      %swap3A_211 = vector.shape_cast %swap3A_210 : vector<1x16xf32> to vector<16xf32>
      %swap3A_212 = vector.shape_cast %mul3A_207 : vector<16xf32> to vector<1x16xf32>
      tpu.vector_store %arg9[%swap3A_208, %swap3A_209], %swap3A_212 {strides = array<i32>} : memref<32x512xf32, #tpu.memory_space<vmem>>, vector<1x16xf32>,
      %get3A_213 = arith.index_cast %scan3A_52 : i32 to index
      %get3A_214 = arith.constant 256 : index
      %get3A_215 = tpu.vector_load %arg10[%get3A_213, %get3A_214] {strides = array<i32>} : memref<32x512xf32, #tpu.memory_space<vmem>>, vector<1x16xf32>,
      %get3A_216 = vector.shape_cast %get3A_215 : vector<1x16xf32> to vector<16xf32>
      %mul3A_217 = arith.mulf %get3A_216, %get3A_23 : vector<16xf32>
      %swap3A_218 = arith.index_cast %scan3A_52 : i32 to index
      %swap3A_219 = arith.constant 256 : index
      %swap3A_220 = tpu.vector_load %arg9[%swap3A_218, %swap3A_219] {strides = array<i32>} : memref<32x512xf32, #tpu.memory_space<vmem>>, vector<1x16xf32>,
      %swap3A_221 = vector.shape_cast %swap3A_220 : vector<1x16xf32> to vector<16xf32>
      %swap3A_222 = vector.shape_cast %mul3A_217 : vector<16xf32> to vector<1x16xf32>
      tpu.vector_store %arg9[%swap3A_218, %swap3A_219], %swap3A_222 {strides = array<i32>} : memref<32x512xf32, #tpu.memory_space<vmem>>, vector<1x16xf32>,
      %get3A_223 = arith.index_cast %scan3A_52 : i32 to index
      %get3A_224 = arith.constant 272 : index
      %get3A_225 = tpu.vector_load %arg10[%get3A_223, %get3A_224] {strides = array<i32>} : memref<32x512xf32, #tpu.memory_space<vmem>>, vector<1x16xf32>,
      %get3A_226 = vector.shape_cast %get3A_225 : vector<1x16xf32> to vector<16xf32>
      %mul3A_227 = arith.mulf %get3A_226, %get3A_23 : vector<16xf32>
      %swap3A_228 = arith.index_cast %scan3A_52 : i32 to index
      %swap3A_229 = arith.constant 272 : index
      %swap3A_230 = tpu.vector_load %arg9[%swap3A_228, %swap3A_229] {strides = array<i32>} : memref<32x512xf32, #tpu.memory_space<vmem>>, vector<1x16xf32>,
      %swap3A_231 = vector.shape_cast %swap3A_230 : vector<1x16xf32> to vector<16xf32>
      %swap3A_232 = vector.shape_cast %mul3A_227 : vector<16xf32> to vector<1x16xf32>
      tpu.vector_store %arg9[%swap3A_228, %swap3A_229], %swap3A_232 {strides = array<i32>} : memref<32x512xf32, #tpu.memory_space<vmem>>, vector<1x16xf32>,
      %get3A_233 = arith.index_cast %scan3A_52 : i32 to index
      %get3A_234 = arith.constant 288 : index
      %get3A_235 = tpu.vector_load %arg10[%get3A_233, %get3A_234] {strides = array<i32>} : memref<32x512xf32, #tpu.memory_space<vmem>>, vector<1x16xf32>,
      %get3A_236 = vector.shape_cast %get3A_235 : vector<1x16xf32> to vector<16xf32>
      %mul3A_237 = arith.mulf %get3A_236, %get3A_23 : vector<16xf32>
      %swap3A_238 = arith.index_cast %scan3A_52 : i32 to index
      %swap3A_239 = arith.constant 288 : index
      %swap3A_240 = tpu.vector_load %arg9[%swap3A_238, %swap3A_239] {strides = array<i32>} : memref<32x512xf32, #tpu.memory_space<vmem>>, vector<1x16xf32>,
      %swap3A_241 = vector.shape_cast %swap3A_240 : vector<1x16xf32> to vector<16xf32>
      %swap3A_242 = vector.shape_cast %mul3A_237 : vector<16xf32> to vector<1x16xf32>
      tpu.vector_store %arg9[%swap3A_238, %swap3A_239], %swap3A_242 {strides = array<i32>} : memref<32x512xf32, #tpu.memory_space<vmem>>, vector<1x16xf32>,
      %get3A_243 = arith.index_cast %scan3A_52 : i32 to index
      %get3A_244 = arith.constant 304 : index
      %get3A_245 = tpu.vector_load %arg10[%get3A_243, %get3A_244] {strides = array<i32>} : memref<32x512xf32, #tpu.memory_space<vmem>>, vector<1x16xf32>,
      %get3A_246 = vector.shape_cast %get3A_245 : vector<1x16xf32> to vector<16xf32>
      %mul3A_247 = arith.mulf %get3A_246, %get3A_23 : vector<16xf32>
      %swap3A_248 = arith.index_cast %scan3A_52 : i32 to index
      %swap3A_249 = arith.constant 304 : index
      %swap3A_250 = tpu.vector_load %arg9[%swap3A_248, %swap3A_249] {strides = array<i32>} : memref<32x512xf32, #tpu.memory_space<vmem>>, vector<1x16xf32>,
      %swap3A_251 = vector.shape_cast %swap3A_250 : vector<1x16xf32> to vector<16xf32>
      %swap3A_252 = vector.shape_cast %mul3A_247 : vector<16xf32> to vector<1x16xf32>
      tpu.vector_store %arg9[%swap3A_248, %swap3A_249], %swap3A_252 {strides = array<i32>} : memref<32x512xf32, #tpu.memory_space<vmem>>, vector<1x16xf32>,
      %get3A_253 = arith.index_cast %scan3A_52 : i32 to index
      %get3A_254 = arith.constant 320 : index
      %get3A_255 = tpu.vector_load %arg10[%get3A_253, %get3A_254] {strides = array<i32>} : memref<32x512xf32, #tpu.memory_space<vmem>>, vector<1x16xf32>,
      %get3A_256 = vector.shape_cast %get3A_255 : vector<1x16xf32> to vector<16xf32>
      %mul3A_257 = arith.mulf %get3A_256, %get3A_23 : vector<16xf32>
      %swap3A_258 = arith.index_cast %scan3A_52 : i32 to index
      %swap3A_259 = arith.constant 320 : index
      %swap3A_260 = tpu.vector_load %arg9[%swap3A_258, %swap3A_259] {strides = array<i32>} : memref<32x512xf32, #tpu.memory_space<vmem>>, vector<1x16xf32>,
      %swap3A_261 = vector.shape_cast %swap3A_260 : vector<1x16xf32> to vector<16xf32>
      %swap3A_262 = vector.shape_cast %mul3A_257 : vector<16xf32> to vector<1x16xf32>
      tpu.vector_store %arg9[%swap3A_258, %swap3A_259], %swap3A_262 {strides = array<i32>} : memref<32x512xf32, #tpu.memory_space<vmem>>, vector<1x16xf32>,
      %get3A_263 = arith.index_cast %scan3A_52 : i32 to index
      %get3A_264 = arith.constant 336 : index
      %get3A_265 = tpu.vector_load %arg10[%get3A_263, %get3A_264] {strides = array<i32>} : memref<32x512xf32, #tpu.memory_space<vmem>>, vector<1x16xf32>,
      %get3A_266 = vector.shape_cast %get3A_265 : vector<1x16xf32> to vector<16xf32>
      %mul3A_267 = arith.mulf %get3A_266, %get3A_23 : vector<16xf32>
      %swap3A_268 = arith.index_cast %scan3A_52 : i32 to index
      %swap3A_269 = arith.constant 336 : index
      %swap3A_270 = tpu.vector_load %arg9[%swap3A_268, %swap3A_269] {strides = array<i32>} : memref<32x512xf32, #tpu.memory_space<vmem>>, vector<1x16xf32>,
      %swap3A_271 = vector.shape_cast %swap3A_270 : vector<1x16xf32> to vector<16xf32>
      %swap3A_272 = vector.shape_cast %mul3A_267 : vector<16xf32> to vector<1x16xf32>
      tpu.vector_store %arg9[%swap3A_268, %swap3A_269], %swap3A_272 {strides = array<i32>} : memref<32x512xf32, #tpu.memory_space<vmem>>, vector<1x16xf32>,
      %get3A_273 = arith.index_cast %scan3A_52 : i32 to index
      %get3A_274 = arith.constant 352 : index
      %get3A_275 = tpu.vector_load %arg10[%get3A_273, %get3A_274] {strides = array<i32>} : memref<32x512xf32, #tpu.memory_space<vmem>>, vector<1x16xf32>,
      %get3A_276 = vector.shape_cast %get3A_275 : vector<1x16xf32> to vector<16xf32>
      %mul3A_277 = arith.mulf %get3A_276, %get3A_23 : vector<16xf32>
      %swap3A_278 = arith.index_cast %scan3A_52 : i32 to index
      %swap3A_279 = arith.constant 352 : index
      %swap3A_280 = tpu.vector_load %arg9[%swap3A_278, %swap3A_279] {strides = array<i32>} : memref<32x512xf32, #tpu.memory_space<vmem>>, vector<1x16xf32>,
      %swap3A_281 = vector.shape_cast %swap3A_280 : vector<1x16xf32> to vector<16xf32>
      %swap3A_282 = vector.shape_cast %mul3A_277 : vector<16xf32> to vector<1x16xf32>
      tpu.vector_store %arg9[%swap3A_278, %swap3A_279], %swap3A_282 {strides = array<i32>} : memref<32x512xf32, #tpu.memory_space<vmem>>, vector<1x16xf32>,
      %get3A_283 = arith.index_cast %scan3A_52 : i32 to index
      %get3A_284 = arith.constant 368 : index
      %get3A_285 = tpu.vector_load %arg10[%get3A_283, %get3A_284] {strides = array<i32>} : memref<32x512xf32, #tpu.memory_space<vmem>>, vector<1x16xf32>,
      %get3A_286 = vector.shape_cast %get3A_285 : vector<1x16xf32> to vector<16xf32>
      %mul3A_287 = arith.mulf %get3A_286, %get3A_23 : vector<16xf32>
      %swap3A_288 = arith.index_cast %scan3A_52 : i32 to index
      %swap3A_289 = arith.constant 368 : index
      %swap3A_290 = tpu.vector_load %arg9[%swap3A_288, %swap3A_289] {strides = array<i32>} : memref<32x512xf32, #tpu.memory_space<vmem>>, vector<1x16xf32>,
      %swap3A_291 = vector.shape_cast %swap3A_290 : vector<1x16xf32> to vector<16xf32>
      %swap3A_292 = vector.shape_cast %mul3A_287 : vector<16xf32> to vector<1x16xf32>
      tpu.vector_store %arg9[%swap3A_288, %swap3A_289], %swap3A_292 {strides = array<i32>} : memref<32x512xf32, #tpu.memory_space<vmem>>, vector<1x16xf32>,
      %get3A_293 = arith.index_cast %scan3A_52 : i32 to index
      %get3A_294 = arith.constant 384 : index
      %get3A_295 = tpu.vector_load %arg10[%get3A_293, %get3A_294] {strides = array<i32>} : memref<32x512xf32, #tpu.memory_space<vmem>>, vector<1x16xf32>,
      %get3A_296 = vector.shape_cast %get3A_295 : vector<1x16xf32> to vector<16xf32>
      %mul3A_297 = arith.mulf %get3A_296, %get3A_23 : vector<16xf32>
      %swap3A_298 = arith.index_cast %scan3A_52 : i32 to index
      %swap3A_299 = arith.constant 384 : index
      %swap3A_300 = tpu.vector_load %arg9[%swap3A_298, %swap3A_299] {strides = array<i32>} : memref<32x512xf32, #tpu.memory_space<vmem>>, vector<1x16xf32>,
      %swap3A_301 = vector.shape_cast %swap3A_300 : vector<1x16xf32> to vector<16xf32>
      %swap3A_302 = vector.shape_cast %mul3A_297 : vector<16xf32> to vector<1x16xf32>
      tpu.vector_store %arg9[%swap3A_298, %swap3A_299], %swap3A_302 {strides = array<i32>} : memref<32x512xf32, #tpu.memory_space<vmem>>, vector<1x16xf32>,
      %get3A_303 = arith.index_cast %scan3A_52 : i32 to index
      %get3A_304 = arith.constant 400 : index
      %get3A_305 = tpu.vector_load %arg10[%get3A_303, %get3A_304] {strides = array<i32>} : memref<32x512xf32, #tpu.memory_space<vmem>>, vector<1x16xf32>,
      %get3A_306 = vector.shape_cast %get3A_305 : vector<1x16xf32> to vector<16xf32>
      %mul3A_307 = arith.mulf %get3A_306, %get3A_23 : vector<16xf32>
      %swap3A_308 = arith.index_cast %scan3A_52 : i32 to index
      %swap3A_309 = arith.constant 400 : index
      %swap3A_310 = tpu.vector_load %arg9[%swap3A_308, %swap3A_309] {strides = array<i32>} : memref<32x512xf32, #tpu.memory_space<vmem>>, vector<1x16xf32>,
      %swap3A_311 = vector.shape_cast %swap3A_310 : vector<1x16xf32> to vector<16xf32>
      %swap3A_312 = vector.shape_cast %mul3A_307 : vector<16xf32> to vector<1x16xf32>
      tpu.vector_store %arg9[%swap3A_308, %swap3A_309], %swap3A_312 {strides = array<i32>} : memref<32x512xf32, #tpu.memory_space<vmem>>, vector<1x16xf32>,
      %get3A_313 = arith.index_cast %scan3A_52 : i32 to index
      %get3A_314 = arith.constant 416 : index
      %get3A_315 = tpu.vector_load %arg10[%get3A_313, %get3A_314] {strides = array<i32>} : memref<32x512xf32, #tpu.memory_space<vmem>>, vector<1x16xf32>,
      %get3A_316 = vector.shape_cast %get3A_315 : vector<1x16xf32> to vector<16xf32>
      %mul3A_317 = arith.mulf %get3A_316, %get3A_23 : vector<16xf32>
      %swap3A_318 = arith.index_cast %scan3A_52 : i32 to index
      %swap3A_319 = arith.constant 416 : index
      %swap3A_320 = tpu.vector_load %arg9[%swap3A_318, %swap3A_319] {strides = array<i32>} : memref<32x512xf32, #tpu.memory_space<vmem>>, vector<1x16xf32>,
      %swap3A_321 = vector.shape_cast %swap3A_320 : vector<1x16xf32> to vector<16xf32>
      %swap3A_322 = vector.shape_cast %mul3A_317 : vector<16xf32> to vector<1x16xf32>
      tpu.vector_store %arg9[%swap3A_318, %swap3A_319], %swap3A_322 {strides = array<i32>} : memref<32x512xf32, #tpu.memory_space<vmem>>, vector<1x16xf32>,
      %get3A_323 = arith.index_cast %scan3A_52 : i32 to index
      %get3A_324 = arith.constant 432 : index
      %get3A_325 = tpu.vector_load %arg10[%get3A_323, %get3A_324] {strides = array<i32>} : memref<32x512xf32, #tpu.memory_space<vmem>>, vector<1x16xf32>,
      %get3A_326 = vector.shape_cast %get3A_325 : vector<1x16xf32> to vector<16xf32>
      %mul3A_327 = arith.mulf %get3A_326, %get3A_23 : vector<16xf32>
      %swap3A_328 = arith.index_cast %scan3A_52 : i32 to index
      %swap3A_329 = arith.constant 432 : index
      %swap3A_330 = tpu.vector_load %arg9[%swap3A_328, %swap3A_329] {strides = array<i32>} : memref<32x512xf32, #tpu.memory_space<vmem>>, vector<1x16xf32>,
      %swap3A_331 = vector.shape_cast %swap3A_330 : vector<1x16xf32> to vector<16xf32>
      %swap3A_332 = vector.shape_cast %mul3A_327 : vector<16xf32> to vector<1x16xf32>
      tpu.vector_store %arg9[%swap3A_328, %swap3A_329], %swap3A_332 {strides = array<i32>} : memref<32x512xf32, #tpu.memory_space<vmem>>, vector<1x16xf32>,
      %get3A_333 = arith.index_cast %scan3A_52 : i32 to index
      %get3A_334 = arith.constant 448 : index
      %get3A_335 = tpu.vector_load %arg10[%get3A_333, %get3A_334] {strides = array<i32>} : memref<32x512xf32, #tpu.memory_space<vmem>>, vector<1x16xf32>,
      %get3A_336 = vector.shape_cast %get3A_335 : vector<1x16xf32> to vector<16xf32>
      %mul3A_337 = arith.mulf %get3A_336, %get3A_23 : vector<16xf32>
      %swap3A_338 = arith.index_cast %scan3A_52 : i32 to index
      %swap3A_339 = arith.constant 448 : index
      %swap3A_340 = tpu.vector_load %arg9[%swap3A_338, %swap3A_339] {strides = array<i32>} : memref<32x512xf32, #tpu.memory_space<vmem>>, vector<1x16xf32>,
      %swap3A_341 = vector.shape_cast %swap3A_340 : vector<1x16xf32> to vector<16xf32>
      %swap3A_342 = vector.shape_cast %mul3A_337 : vector<16xf32> to vector<1x16xf32>
      tpu.vector_store %arg9[%swap3A_338, %swap3A_339], %swap3A_342 {strides = array<i32>} : memref<32x512xf32, #tpu.memory_space<vmem>>, vector<1x16xf32>,
      %get3A_343 = arith.index_cast %scan3A_52 : i32 to index
      %get3A_344 = arith.constant 464 : index
      %get3A_345 = tpu.vector_load %arg10[%get3A_343, %get3A_344] {strides = array<i32>} : memref<32x512xf32, #tpu.memory_space<vmem>>, vector<1x16xf32>,
      %get3A_346 = vector.shape_cast %get3A_345 : vector<1x16xf32> to vector<16xf32>
      %mul3A_347 = arith.mulf %get3A_346, %get3A_23 : vector<16xf32>
      %swap3A_348 = arith.index_cast %scan3A_52 : i32 to index
      %swap3A_349 = arith.constant 464 : index
      %swap3A_350 = tpu.vector_load %arg9[%swap3A_348, %swap3A_349] {strides = array<i32>} : memref<32x512xf32, #tpu.memory_space<vmem>>, vector<1x16xf32>,
      %swap3A_351 = vector.shape_cast %swap3A_350 : vector<1x16xf32> to vector<16xf32>
      %swap3A_352 = vector.shape_cast %mul3A_347 : vector<16xf32> to vector<1x16xf32>
      tpu.vector_store %arg9[%swap3A_348, %swap3A_349], %swap3A_352 {strides = array<i32>} : memref<32x512xf32, #tpu.memory_space<vmem>>, vector<1x16xf32>,
      %get3A_353 = arith.index_cast %scan3A_52 : i32 to index
      %get3A_354 = arith.constant 480 : index
      %get3A_355 = tpu.vector_load %arg10[%get3A_353, %get3A_354] {strides = array<i32>} : memref<32x512xf32, #tpu.memory_space<vmem>>, vector<1x16xf32>,
      %get3A_356 = vector.shape_cast %get3A_355 : vector<1x16xf32> to vector<16xf32>
      %mul3A_357 = arith.mulf %get3A_356, %get3A_23 : vector<16xf32>
      %swap3A_358 = arith.index_cast %scan3A_52 : i32 to index
      %swap3A_359 = arith.constant 480 : index
      %swap3A_360 = tpu.vector_load %arg9[%swap3A_358, %swap3A_359] {strides = array<i32>} : memref<32x512xf32, #tpu.memory_space<vmem>>, vector<1x16xf32>,
      %swap3A_361 = vector.shape_cast %swap3A_360 : vector<1x16xf32> to vector<16xf32>
      %swap3A_362 = vector.shape_cast %mul3A_357 : vector<16xf32> to vector<1x16xf32>
      tpu.vector_store %arg9[%swap3A_358, %swap3A_359], %swap3A_362 {strides = array<i32>} : memref<32x512xf32, #tpu.memory_space<vmem>>, vector<1x16xf32>,
      %get3A_363 = arith.index_cast %scan3A_52 : i32 to index
      %get3A_364 = arith.constant 496 : index
      %get3A_365 = tpu.vector_load %arg10[%get3A_363, %get3A_364] {strides = array<i32>} : memref<32x512xf32, #tpu.memory_space<vmem>>, vector<1x16xf32>,
      %get3A_366 = vector.shape_cast %get3A_365 : vector<1x16xf32> to vector<16xf32>
      %mul3A_367 = arith.mulf %get3A_366, %get3A_23 : vector<16xf32>
      %swap3A_368 = arith.index_cast %scan3A_52 : i32 to index
      %swap3A_369 = arith.constant 496 : index
      %swap3A_370 = tpu.vector_load %arg9[%swap3A_368, %swap3A_369] {strides = array<i32>} : memref<32x512xf32, #tpu.memory_space<vmem>>, vector<1x16xf32>,
      %swap3A_371 = vector.shape_cast %swap3A_370 : vector<1x16xf32> to vector<16xf32>
      %swap3A_372 = vector.shape_cast %mul3A_367 : vector<16xf32> to vector<1x16xf32>
      tpu.vector_store %arg9[%swap3A_368, %swap3A_369], %swap3A_372 {strides = array<i32>} : memref<32x512xf32, #tpu.memory_space<vmem>>, vector<1x16xf32>,
      %scan3A_373 = arith.constant 0 : i32
      scf.yield %scan3A_373 : i32
    }
    %scan3A_29 = arith.constant 32 : i32
    %dma_start3A = arith.constant 0 : i32
    %dma_start3A_30 = arith.constant 0 : i32
    %dma_start3A_31 = tpu.memref_slice %arg7[%dma_start3A, %dma_start3A_30] : memref<50x32xi32, #tpu.memory_space<vmem>> -> memref<1x32xi32, #tpu.memory_space<vmem>>
    %dma_start3A_32 = tpu.memref_squeeze %dma_start3A_31 : memref<1x32xi32, #tpu.memory_space<vmem>> -> memref<32xi32, #tpu.memory_space<vmem>>
    %dma_start3A_33 = arith.constant 0 : i32
    %dma_start3A_34 = arith.constant 0 : i32
    %dma_start3A_35 = tpu.memref_slice %arg2[%dma_start3A_33, %dma_start3A_34] : memref<100864x512xf32, #tpu.memory_space<hbm>> -> memref<100864x512xf32, #tpu.memory_space<hbm>>
    tpu.enqueue_indirect_dma source(%dma_start3A_35 : memref<100864x512xf32, #tpu.memory_space<hbm>>) target(%arg10 : memref<32x512xf32, #tpu.memory_space<vmem>>) offsets(%dma_start3A_32 : memref<32xi32, #tpu.memory_space<vmem>>) semaphore(%arg12 : memref<!tpu.dma_semaphore, #tpu.memory_space<semaphore_mem>>)
    %dma_start3A_36 = arith.constant 1 : i32
    %dma_start3A_37 = arith.constant 0 : i32
    %dma_start3A_38 = tpu.memref_slice %arg7[%dma_start3A_36, %dma_start3A_37] : memref<50x32xi32, #tpu.memory_space<vmem>> -> memref<1x32xi32, #tpu.memory_space<vmem>>
    %dma_start3A_39 = tpu.memref_squeeze %dma_start3A_38 : memref<1x32xi32, #tpu.memory_space<vmem>> -> memref<32xi32, #tpu.memory_space<vmem>>
    %dma_start3A_40 = arith.constant 0 : i32
    %dma_start3A_41 = arith.constant 0 : i32
    %dma_start3A_42 = tpu.memref_slice %arg2[%dma_start3A_40, %dma_start3A_41] : memref<100864x512xf32, #tpu.memory_space<hbm>> -> memref<100864x512xf32, #tpu.memory_space<hbm>>
    tpu.enqueue_indirect_dma source(%dma_start3A_42 : memref<100864x512xf32, #tpu.memory_space<hbm>>) target(%arg11 : memref<32x512xf32, #tpu.memory_space<vmem>>) offsets(%dma_start3A_39 : memref<32xi32, #tpu.memory_space<vmem>>) semaphore(%arg13 : memref<!tpu.dma_semaphore, #tpu.memory_space<semaphore_mem>>)
    %scan3A_43 = arith.constant 0 : i32
    %scan3A_44 = arith.constant 0 : i32
    %scan3A_45 = arith.constant 25 : i32
    %scan3A_46 = arith.addi %scan3A_44, %scan3A_45 : i32
    %scan3A_47 = arith.constant 1 : i32
    %scan3A_48 = scf.for %scan3A_52 = %scan3A_44 to %scan3A_46 step %scan3A_47 iter_args(%scan3A_53 = %scan3A_43) -> (i32)  : i32 {
      %mul3A_54 = arith.constant 2 : i32
      %mul3A_55 = arith.muli %mul3A_54, %scan3A_52 : i32
      %dma_wait3A = arith.constant 0 : i32
      %dma_wait3A_56 = arith.constant 0 : i32
      %dma_wait3A_57 = tpu.memref_slice %arg7[%dma_wait3A, %dma_wait3A_56] : memref<50x32xi32, #tpu.memory_space<vmem>> -> memref<1x32xi32, #tpu.memory_space<vmem>>
      %dma_wait3A_58 = tpu.memref_squeeze %dma_wait3A_57 : memref<1x32xi32, #tpu.memory_space<vmem>> -> memref<32xi32, #tpu.memory_space<vmem>>
      %dma_wait3A_59 = arith.constant 0 : i32
      %dma_wait3A_60 = arith.constant 0 : i32
      %dma_wait3A_61 = tpu.memref_slice %arg2[%dma_wait3A_59, %dma_wait3A_60] : memref<100864x512xf32, #tpu.memory_space<hbm>> -> memref<100864x512xf32, #tpu.memory_space<hbm>>
      tpu.wait_indirect_dma semaphore(%arg12 : memref<!tpu.dma_semaphore, #tpu.memory_space<semaphore_mem>>) src(%dma_wait3A_61 : memref<100864x512xf32, #tpu.memory_space<hbm>>) dst(%arg10 : memref<32x512xf32, #tpu.memory_space<vmem>>)
      %mul3A_62 = arith.constant 16 : i32
      %mul3A_63 = arith.muli %mul3A_55, %mul3A_62 : i32
      %get3A_64 = arith.index_cast %mul3A_63 : i32 to index
      %get3A_65 = tpu.vector_load %arg8[%get3A_64] {strides = array<i32>} : memref<1024xf32, #tpu.memory_space<vmem>>, vector<16xf32>,
      %get3A_66 = vector.shape_cast %get3A_65 : vector<16xf32> to vector<16xf32>
      %scan3A_67 = arith.constant 0 : i32
      %scan3A_68 = arith.constant 0 : i32
      %scan3A_69 = arith.constant 32 : i32
      %scan3A_70 = arith.addi %scan3A_68, %scan3A_69 : i32
      %scan3A_71 = arith.constant 1 : i32
      %scan3A_72 = scf.for %scan3A_103 = %scan3A_68 to %scan3A_70 step %scan3A_71 iter_args(%scan3A_104 = %scan3A_67) -> (i32)  : i32 {
        %get3A_105 = arith.index_cast %scan3A_103 : i32 to index
        %get3A_106 = arith.constant 0 : index
        %get3A_107 = tpu.vector_load %arg10[%get3A_105, %get3A_106] {strides = array<i32>} : memref<32x512xf32, #tpu.memory_space<vmem>>, vector<1x16xf32>,
        %get3A_108 = vector.shape_cast %get3A_107 : vector<1x16xf32> to vector<16xf32>
        %mul3A_109 = arith.mulf %get3A_108, %get3A_66 : vector<16xf32>
        %swap3A = arith.index_cast %scan3A_103 : i32 to index
        %swap3A_110 = arith.constant 0 : index
        %swap3A_111 = tpu.vector_load %arg9[%swap3A, %swap3A_110] {strides = array<i32>} : memref<32x512xf32, #tpu.memory_space<vmem>>, vector<1x16xf32>,
        %swap3A_112 = vector.shape_cast %swap3A_111 : vector<1x16xf32> to vector<16xf32>
        %swap3A_113 = vector.shape_cast %mul3A_109 : vector<16xf32> to vector<1x16xf32>
        tpu.vector_store %arg9[%swap3A, %swap3A_110], %swap3A_113 {add = true, strides = array<i32>} : memref<32x512xf32, #tpu.memory_space<vmem>>, vector<1x16xf32>,
        %get3A_114 = arith.index_cast %scan3A_103 : i32 to index
        %get3A_115 = arith.constant 16 : index
        %get3A_116 = tpu.vector_load %arg10[%get3A_114, %get3A_115] {strides = array<i32>} : memref<32x512xf32, #tpu.memory_space<vmem>>, vector<1x16xf32>,
        %get3A_117 = vector.shape_cast %get3A_116 : vector<1x16xf32> to vector<16xf32>
        %mul3A_118 = arith.mulf %get3A_117, %get3A_66 : vector<16xf32>
        %swap3A_119 = arith.index_cast %scan3A_103 : i32 to index
        %swap3A_120 = arith.constant 16 : index
        %swap3A_121 = tpu.vector_load %arg9[%swap3A_119, %swap3A_120] {strides = array<i32>} : memref<32x512xf32, #tpu.memory_space<vmem>>, vector<1x16xf32>,
        %swap3A_122 = vector.shape_cast %swap3A_121 : vector<1x16xf32> to vector<16xf32>
        %swap3A_123 = vector.shape_cast %mul3A_118 : vector<16xf32> to vector<1x16xf32>
        tpu.vector_store %arg9[%swap3A_119, %swap3A_120], %swap3A_123 {add = true, strides = array<i32>} : memref<32x512xf32, #tpu.memory_space<vmem>>, vector<1x16xf32>,
        %get3A_124 = arith.index_cast %scan3A_103 : i32 to index
        %get3A_125 = arith.constant 32 : index
        %get3A_126 = tpu.vector_load %arg10[%get3A_124, %get3A_125] {strides = array<i32>} : memref<32x512xf32, #tpu.memory_space<vmem>>, vector<1x16xf32>,
        %get3A_127 = vector.shape_cast %get3A_126 : vector<1x16xf32> to vector<16xf32>
        %mul3A_128 = arith.mulf %get3A_127, %get3A_66 : vector<16xf32>
        %swap3A_129 = arith.index_cast %scan3A_103 : i32 to index
        %swap3A_130 = arith.constant 32 : index
        %swap3A_131 = tpu.vector_load %arg9[%swap3A_129, %swap3A_130] {strides = array<i32>} : memref<32x512xf32, #tpu.memory_space<vmem>>, vector<1x16xf32>,
        %swap3A_132 = vector.shape_cast %swap3A_131 : vector<1x16xf32> to vector<16xf32>
        %swap3A_133 = vector.shape_cast %mul3A_128 : vector<16xf32> to vector<1x16xf32>
        tpu.vector_store %arg9[%swap3A_129, %swap3A_130], %swap3A_133 {add = true, strides = array<i32>} : memref<32x512xf32, #tpu.memory_space<vmem>>, vector<1x16xf32>,
        %get3A_134 = arith.index_cast %scan3A_103 : i32 to index
        %get3A_135 = arith.constant 48 : index
        %get3A_136 = tpu.vector_load %arg10[%get3A_134, %get3A_135] {strides = array<i32>} : memref<32x512xf32, #tpu.memory_space<vmem>>, vector<1x16xf32>,
        %get3A_137 = vector.shape_cast %get3A_136 : vector<1x16xf32> to vector<16xf32>
        %mul3A_138 = arith.mulf %get3A_137, %get3A_66 : vector<16xf32>
        %swap3A_139 = arith.index_cast %scan3A_103 : i32 to index
        %swap3A_140 = arith.constant 48 : index
        %swap3A_141 = tpu.vector_load %arg9[%swap3A_139, %swap3A_140] {strides = array<i32>} : memref<32x512xf32, #tpu.memory_space<vmem>>, vector<1x16xf32>,
        %swap3A_142 = vector.shape_cast %swap3A_141 : vector<1x16xf32> to vector<16xf32>
        %swap3A_143 = vector.shape_cast %mul3A_138 : vector<16xf32> to vector<1x16xf32>
        tpu.vector_store %arg9[%swap3A_139, %swap3A_140], %swap3A_143 {add = true, strides = array<i32>} : memref<32x512xf32, #tpu.memory_space<vmem>>, vector<1x16xf32>,
        %get3A_144 = arith.index_cast %scan3A_103 : i32 to index
        %get3A_145 = arith.constant 64 : index
        %get3A_146 = tpu.vector_load %arg10[%get3A_144, %get3A_145] {strides = array<i32>} : memref<32x512xf32, #tpu.memory_space<vmem>>, vector<1x16xf32>,
        %get3A_147 = vector.shape_cast %get3A_146 : vector<1x16xf32> to vector<16xf32>
        %mul3A_148 = arith.mulf %get3A_147, %get3A_66 : vector<16xf32>
        %swap3A_149 = arith.index_cast %scan3A_103 : i32 to index
        %swap3A_150 = arith.constant 64 : index
        %swap3A_151 = tpu.vector_load %arg9[%swap3A_149, %swap3A_150] {strides = array<i32>} : memref<32x512xf32, #tpu.memory_space<vmem>>, vector<1x16xf32>,
        %swap3A_152 = vector.shape_cast %swap3A_151 : vector<1x16xf32> to vector<16xf32>
        %swap3A_153 = vector.shape_cast %mul3A_148 : vector<16xf32> to vector<1x16xf32>
        tpu.vector_store %arg9[%swap3A_149, %swap3A_150], %swap3A_153 {add = true, strides = array<i32>} : memref<32x512xf32, #tpu.memory_space<vmem>>, vector<1x16xf32>,
        %get3A_154 = arith.index_cast %scan3A_103 : i32 to index
        %get3A_155 = arith.constant 80 : index
        %get3A_156 = tpu.vector_load %arg10[%get3A_154, %get3A_155] {strides = array<i32>} : memref<32x512xf32, #tpu.memory_space<vmem>>, vector<1x16xf32>,
        %get3A_157 = vector.shape_cast %get3A_156 : vector<1x16xf32> to vector<16xf32>
        %mul3A_158 = arith.mulf %get3A_157, %get3A_66 : vector<16xf32>
        %swap3A_159 = arith.index_cast %scan3A_103 : i32 to index
        %swap3A_160 = arith.constant 80 : index
        %swap3A_161 = tpu.vector_load %arg9[%swap3A_159, %swap3A_160] {strides = array<i32>} : memref<32x512xf32, #tpu.memory_space<vmem>>, vector<1x16xf32>,
        %swap3A_162 = vector.shape_cast %swap3A_161 : vector<1x16xf32> to vector<16xf32>
        %swap3A_163 = vector.shape_cast %mul3A_158 : vector<16xf32> to vector<1x16xf32>
        tpu.vector_store %arg9[%swap3A_159, %swap3A_160], %swap3A_163 {add = true, strides = array<i32>} : memref<32x512xf32, #tpu.memory_space<vmem>>, vector<1x16xf32>,
        %get3A_164 = arith.index_cast %scan3A_103 : i32 to index
        %get3A_165 = arith.constant 96 : index
        %get3A_166 = tpu.vector_load %arg10[%get3A_164, %get3A_165] {strides = array<i32>} : memref<32x512xf32, #tpu.memory_space<vmem>>, vector<1x16xf32>,
        %get3A_167 = vector.shape_cast %get3A_166 : vector<1x16xf32> to vector<16xf32>
        %mul3A_168 = arith.mulf %get3A_167, %get3A_66 : vector<16xf32>
        %swap3A_169 = arith.index_cast %scan3A_103 : i32 to index
        %swap3A_170 = arith.constant 96 : index
        %swap3A_171 = tpu.vector_load %arg9[%swap3A_169, %swap3A_170] {strides = array<i32>} : memref<32x512xf32, #tpu.memory_space<vmem>>, vector<1x16xf32>,
        %swap3A_172 = vector.shape_cast %swap3A_171 : vector<1x16xf32> to vector<16xf32>
        %swap3A_173 = vector.shape_cast %mul3A_168 : vector<16xf32> to vector<1x16xf32>
        tpu.vector_store %arg9[%swap3A_169, %swap3A_170], %swap3A_173 {add = true, strides = array<i32>} : memref<32x512xf32, #tpu.memory_space<vmem>>, vector<1x16xf32>,
        %get3A_174 = arith.index_cast %scan3A_103 : i32 to index
        %get3A_175 = arith.constant 112 : index
        %get3A_176 = tpu.vector_load %arg10[%get3A_174, %get3A_175] {strides = array<i32>} : memref<32x512xf32, #tpu.memory_space<vmem>>, vector<1x16xf32>,
        %get3A_177 = vector.shape_cast %get3A_176 : vector<1x16xf32> to vector<16xf32>
        %mul3A_178 = arith.mulf %get3A_177, %get3A_66 : vector<16xf32>
        %swap3A_179 = arith.index_cast %scan3A_103 : i32 to index
        %swap3A_180 = arith.constant 112 : index
        %swap3A_181 = tpu.vector_load %arg9[%swap3A_179, %swap3A_180] {strides = array<i32>} : memref<32x512xf32, #tpu.memory_space<vmem>>, vector<1x16xf32>,
        %swap3A_182 = vector.shape_cast %swap3A_181 : vector<1x16xf32> to vector<16xf32>
        %swap3A_183 = vector.shape_cast %mul3A_178 : vector<16xf32> to vector<1x16xf32>
        tpu.vector_store %arg9[%swap3A_179, %swap3A_180], %swap3A_183 {add = true, strides = array<i32>} : memref<32x512xf32, #tpu.memory_space<vmem>>, vector<1x16xf32>,
        %get3A_184 = arith.index_cast %scan3A_103 : i32 to index
        %get3A_185 = arith.constant 128 : index
        %get3A_186 = tpu.vector_load %arg10[%get3A_184, %get3A_185] {strides = array<i32>} : memref<32x512xf32, #tpu.memory_space<vmem>>, vector<1x16xf32>,
        %get3A_187 = vector.shape_cast %get3A_186 : vector<1x16xf32> to vector<16xf32>
        %mul3A_188 = arith.mulf %get3A_187, %get3A_66 : vector<16xf32>
        %swap3A_189 = arith.index_cast %scan3A_103 : i32 to index
        %swap3A_190 = arith.constant 128 : index
        %swap3A_191 = tpu.vector_load %arg9[%swap3A_189, %swap3A_190] {strides = array<i32>} : memref<32x512xf32, #tpu.memory_space<vmem>>, vector<1x16xf32>,
        %swap3A_192 = vector.shape_cast %swap3A_191 : vector<1x16xf32> to vector<16xf32>
        %swap3A_193 = vector.shape_cast %mul3A_188 : vector<16xf32> to vector<1x16xf32>
        tpu.vector_store %arg9[%swap3A_189, %swap3A_190], %swap3A_193 {add = true, strides = array<i32>} : memref<32x512xf32, #tpu.memory_space<vmem>>, vector<1x16xf32>,
        %get3A_194 = arith.index_cast %scan3A_103 : i32 to index
        %get3A_195 = arith.constant 144 : index
        %get3A_196 = tpu.vector_load %arg10[%get3A_194, %get3A_195] {strides = array<i32>} : memref<32x512xf32, #tpu.memory_space<vmem>>, vector<1x16xf32>,
        %get3A_197 = vector.shape_cast %get3A_196 : vector<1x16xf32> to vector<16xf32>
        %mul3A_198 = arith.mulf %get3A_197, %get3A_66 : vector<16xf32>
        %swap3A_199 = arith.index_cast %scan3A_103 : i32 to index
        %swap3A_200 = arith.constant 144 : index
        %swap3A_201 = tpu.vector_load %arg9[%swap3A_199, %swap3A_200] {strides = array<i32>} : memref<32x512xf32, #tpu.memory_space<vmem>>, vector<1x16xf32>,
        %swap3A_202 = vector.shape_cast %swap3A_201 : vector<1x16xf32> to vector<16xf32>
        %swap3A_203 = vector.shape_cast %mul3A_198 : vector<16xf32> to vector<1x16xf32>
        tpu.vector_store %arg9[%swap3A_199, %swap3A_200], %swap3A_203 {add = true, strides = array<i32>} : memref<32x512xf32, #tpu.memory_space<vmem>>, vector<1x16xf32>,
        %get3A_204 = arith.index_cast %scan3A_103 : i32 to index
        %get3A_205 = arith.constant 160 : index
        %get3A_206 = tpu.vector_load %arg10[%get3A_204, %get3A_205] {strides = array<i32>} : memref<32x512xf32, #tpu.memory_space<vmem>>, vector<1x16xf32>,
        %get3A_207 = vector.shape_cast %get3A_206 : vector<1x16xf32> to vector<16xf32>
        %mul3A_208 = arith.mulf %get3A_207, %get3A_66 : vector<16xf32>
        %swap3A_209 = arith.index_cast %scan3A_103 : i32 to index
        %swap3A_210 = arith.constant 160 : index
        %swap3A_211 = tpu.vector_load %arg9[%swap3A_209, %swap3A_210] {strides = array<i32>} : memref<32x512xf32, #tpu.memory_space<vmem>>, vector<1x16xf32>,
        %swap3A_212 = vector.shape_cast %swap3A_211 : vector<1x16xf32> to vector<16xf32>
        %swap3A_213 = vector.shape_cast %mul3A_208 : vector<16xf32> to vector<1x16xf32>
        tpu.vector_store %arg9[%swap3A_209, %swap3A_210], %swap3A_213 {add = true, strides = array<i32>} : memref<32x512xf32, #tpu.memory_space<vmem>>, vector<1x16xf32>,
        %get3A_214 = arith.index_cast %scan3A_103 : i32 to index
        %get3A_215 = arith.constant 176 : index
        %get3A_216 = tpu.vector_load %arg10[%get3A_214, %get3A_215] {strides = array<i32>} : memref<32x512xf32, #tpu.memory_space<vmem>>, vector<1x16xf32>,
        %get3A_217 = vector.shape_cast %get3A_216 : vector<1x16xf32> to vector<16xf32>
        %mul3A_218 = arith.mulf %get3A_217, %get3A_66 : vector<16xf32>
        %swap3A_219 = arith.index_cast %scan3A_103 : i32 to index
        %swap3A_220 = arith.constant 176 : index
        %swap3A_221 = tpu.vector_load %arg9[%swap3A_219, %swap3A_220] {strides = array<i32>} : memref<32x512xf32, #tpu.memory_space<vmem>>, vector<1x16xf32>,
        %swap3A_222 = vector.shape_cast %swap3A_221 : vector<1x16xf32> to vector<16xf32>
        %swap3A_223 = vector.shape_cast %mul3A_218 : vector<16xf32> to vector<1x16xf32>
        tpu.vector_store %arg9[%swap3A_219, %swap3A_220], %swap3A_223 {add = true, strides = array<i32>} : memref<32x512xf32, #tpu.memory_space<vmem>>, vector<1x16xf32>,
        %get3A_224 = arith.index_cast %scan3A_103 : i32 to index
        %get3A_225 = arith.constant 192 : index
        %get3A_226 = tpu.vector_load %arg10[%get3A_224, %get3A_225] {strides = array<i32>} : memref<32x512xf32, #tpu.memory_space<vmem>>, vector<1x16xf32>,
        %get3A_227 = vector.shape_cast %get3A_226 : vector<1x16xf32> to vector<16xf32>
        %mul3A_228 = arith.mulf %get3A_227, %get3A_66 : vector<16xf32>
        %swap3A_229 = arith.index_cast %scan3A_103 : i32 to index
        %swap3A_230 = arith.constant 192 : index
        %swap3A_231 = tpu.vector_load %arg9[%swap3A_229, %swap3A_230] {strides = array<i32>} : memref<32x512xf32, #tpu.memory_space<vmem>>, vector<1x16xf32>,
        %swap3A_232 = vector.shape_cast %swap3A_231 : vector<1x16xf32> to vector<16xf32>
        %swap3A_233 = vector.shape_cast %mul3A_228 : vector<16xf32> to vector<1x16xf32>
        tpu.vector_store %arg9[%swap3A_229, %swap3A_230], %swap3A_233 {add = true, strides = array<i32>} : memref<32x512xf32, #tpu.memory_space<vmem>>, vector<1x16xf32>,
        %get3A_234 = arith.index_cast %scan3A_103 : i32 to index
        %get3A_235 = arith.constant 208 : index
        %get3A_236 = tpu.vector_load %arg10[%get3A_234, %get3A_235] {strides = array<i32>} : memref<32x512xf32, #tpu.memory_space<vmem>>, vector<1x16xf32>,
        %get3A_237 = vector.shape_cast %get3A_236 : vector<1x16xf32> to vector<16xf32>
        %mul3A_238 = arith.mulf %get3A_237, %get3A_66 : vector<16xf32>
        %swap3A_239 = arith.index_cast %scan3A_103 : i32 to index
        %swap3A_240 = arith.constant 208 : index
        %swap3A_241 = tpu.vector_load %arg9[%swap3A_239, %swap3A_240] {strides = array<i32>} : memref<32x512xf32, #tpu.memory_space<vmem>>, vector<1x16xf32>,
        %swap3A_242 = vector.shape_cast %swap3A_241 : vector<1x16xf32> to vector<16xf32>
        %swap3A_243 = vector.shape_cast %mul3A_238 : vector<16xf32> to vector<1x16xf32>
        tpu.vector_store %arg9[%swap3A_239, %swap3A_240], %swap3A_243 {add = true, strides = array<i32>} : memref<32x512xf32, #tpu.memory_space<vmem>>, vector<1x16xf32>,
        %get3A_244 = arith.index_cast %scan3A_103 : i32 to index
        %get3A_245 = arith.constant 224 : index
        %get3A_246 = tpu.vector_load %arg10[%get3A_244, %get3A_245] {strides = array<i32>} : memref<32x512xf32, #tpu.memory_space<vmem>>, vector<1x16xf32>,
        %get3A_247 = vector.shape_cast %get3A_246 : vector<1x16xf32> to vector<16xf32>
        %mul3A_248 = arith.mulf %get3A_247, %get3A_66 : vector<16xf32>
        %swap3A_249 = arith.index_cast %scan3A_103 : i32 to index
        %swap3A_250 = arith.constant 224 : index
        %swap3A_251 = tpu.vector_load %arg9[%swap3A_249, %swap3A_250] {strides = array<i32>} : memref<32x512xf32, #tpu.memory_space<vmem>>, vector<1x16xf32>,
        %swap3A_252 = vector.shape_cast %swap3A_251 : vector<1x16xf32> to vector<16xf32>
        %swap3A_253 = vector.shape_cast %mul3A_248 : vector<16xf32> to vector<1x16xf32>
        tpu.vector_store %arg9[%swap3A_249, %swap3A_250], %swap3A_253 {add = true, strides = array<i32>} : memref<32x512xf32, #tpu.memory_space<vmem>>, vector<1x16xf32>,
        %get3A_254 = arith.index_cast %scan3A_103 : i32 to index
        %get3A_255 = arith.constant 240 : index
        %get3A_256 = tpu.vector_load %arg10[%get3A_254, %get3A_255] {strides = array<i32>} : memref<32x512xf32, #tpu.memory_space<vmem>>, vector<1x16xf32>,
        %get3A_257 = vector.shape_cast %get3A_256 : vector<1x16xf32> to vector<16xf32>
        %mul3A_258 = arith.mulf %get3A_257, %get3A_66 : vector<16xf32>
        %swap3A_259 = arith.index_cast %scan3A_103 : i32 to index
        %swap3A_260 = arith.constant 240 : index
        %swap3A_261 = tpu.vector_load %arg9[%swap3A_259, %swap3A_260] {strides = array<i32>} : memref<32x512xf32, #tpu.memory_space<vmem>>, vector<1x16xf32>,
        %swap3A_262 = vector.shape_cast %swap3A_261 : vector<1x16xf32> to vector<16xf32>
        %swap3A_263 = vector.shape_cast %mul3A_258 : vector<16xf32> to vector<1x16xf32>
        tpu.vector_store %arg9[%swap3A_259, %swap3A_260], %swap3A_263 {add = true, strides = array<i32>} : memref<32x512xf32, #tpu.memory_space<vmem>>, vector<1x16xf32>,
        %get3A_264 = arith.index_cast %scan3A_103 : i32 to index
        %get3A_265 = arith.constant 256 : index
        %get3A_266 = tpu.vector_load %arg10[%get3A_264, %get3A_265] {strides = array<i32>} : memref<32x512xf32, #tpu.memory_space<vmem>>, vector<1x16xf32>,
        %get3A_267 = vector.shape_cast %get3A_266 : vector<1x16xf32> to vector<16xf32>
        %mul3A_268 = arith.mulf %get3A_267, %get3A_66 : vector<16xf32>
        %swap3A_269 = arith.index_cast %scan3A_103 : i32 to index
        %swap3A_270 = arith.constant 256 : index
        %swap3A_271 = tpu.vector_load %arg9[%swap3A_269, %swap3A_270] {strides = array<i32>} : memref<32x512xf32, #tpu.memory_space<vmem>>, vector<1x16xf32>,
        %swap3A_272 = vector.shape_cast %swap3A_271 : vector<1x16xf32> to vector<16xf32>
        %swap3A_273 = vector.shape_cast %mul3A_268 : vector<16xf32> to vector<1x16xf32>
        tpu.vector_store %arg9[%swap3A_269, %swap3A_270], %swap3A_273 {add = true, strides = array<i32>} : memref<32x512xf32, #tpu.memory_space<vmem>>, vector<1x16xf32>,
        %get3A_274 = arith.index_cast %scan3A_103 : i32 to index
        %get3A_275 = arith.constant 272 : index
        %get3A_276 = tpu.vector_load %arg10[%get3A_274, %get3A_275] {strides = array<i32>} : memref<32x512xf32, #tpu.memory_space<vmem>>, vector<1x16xf32>,
        %get3A_277 = vector.shape_cast %get3A_276 : vector<1x16xf32> to vector<16xf32>
        %mul3A_278 = arith.mulf %get3A_277, %get3A_66 : vector<16xf32>
        %swap3A_279 = arith.index_cast %scan3A_103 : i32 to index
        %swap3A_280 = arith.constant 272 : index
        %swap3A_281 = tpu.vector_load %arg9[%swap3A_279, %swap3A_280] {strides = array<i32>} : memref<32x512xf32, #tpu.memory_space<vmem>>, vector<1x16xf32>,
        %swap3A_282 = vector.shape_cast %swap3A_281 : vector<1x16xf32> to vector<16xf32>
        %swap3A_283 = vector.shape_cast %mul3A_278 : vector<16xf32> to vector<1x16xf32>
        tpu.vector_store %arg9[%swap3A_279, %swap3A_280], %swap3A_283 {add = true, strides = array<i32>} : memref<32x512xf32, #tpu.memory_space<vmem>>, vector<1x16xf32>,
        %get3A_284 = arith.index_cast %scan3A_103 : i32 to index
        %get3A_285 = arith.constant 288 : index
        %get3A_286 = tpu.vector_load %arg10[%get3A_284, %get3A_285] {strides = array<i32>} : memref<32x512xf32, #tpu.memory_space<vmem>>, vector<1x16xf32>,
        %get3A_287 = vector.shape_cast %get3A_286 : vector<1x16xf32> to vector<16xf32>
        %mul3A_288 = arith.mulf %get3A_287, %get3A_66 : vector<16xf32>
        %swap3A_289 = arith.index_cast %scan3A_103 : i32 to index
        %swap3A_290 = arith.constant 288 : index
        %swap3A_291 = tpu.vector_load %arg9[%swap3A_289, %swap3A_290] {strides = array<i32>} : memref<32x512xf32, #tpu.memory_space<vmem>>, vector<1x16xf32>,
        %swap3A_292 = vector.shape_cast %swap3A_291 : vector<1x16xf32> to vector<16xf32>
        %swap3A_293 = vector.shape_cast %mul3A_288 : vector<16xf32> to vector<1x16xf32>
        tpu.vector_store %arg9[%swap3A_289, %swap3A_290], %swap3A_293 {add = true, strides = array<i32>} : memref<32x512xf32, #tpu.memory_space<vmem>>, vector<1x16xf32>,
        %get3A_294 = arith.index_cast %scan3A_103 : i32 to index
        %get3A_295 = arith.constant 304 : index
        %get3A_296 = tpu.vector_load %arg10[%get3A_294, %get3A_295] {strides = array<i32>} : memref<32x512xf32, #tpu.memory_space<vmem>>, vector<1x16xf32>,
        %get3A_297 = vector.shape_cast %get3A_296 : vector<1x16xf32> to vector<16xf32>
        %mul3A_298 = arith.mulf %get3A_297, %get3A_66 : vector<16xf32>
        %swap3A_299 = arith.index_cast %scan3A_103 : i32 to index
        %swap3A_300 = arith.constant 304 : index
        %swap3A_301 = tpu.vector_load %arg9[%swap3A_299, %swap3A_300] {strides = array<i32>} : memref<32x512xf32, #tpu.memory_space<vmem>>, vector<1x16xf32>,
        %swap3A_302 = vector.shape_cast %swap3A_301 : vector<1x16xf32> to vector<16xf32>
        %swap3A_303 = vector.shape_cast %mul3A_298 : vector<16xf32> to vector<1x16xf32>
        tpu.vector_store %arg9[%swap3A_299, %swap3A_300], %swap3A_303 {add = true, strides = array<i32>} : memref<32x512xf32, #tpu.memory_space<vmem>>, vector<1x16xf32>,
        %get3A_304 = arith.index_cast %scan3A_103 : i32 to index
        %get3A_305 = arith.constant 320 : index
        %get3A_306 = tpu.vector_load %arg10[%get3A_304, %get3A_305] {strides = array<i32>} : memref<32x512xf32, #tpu.memory_space<vmem>>, vector<1x16xf32>,
        %get3A_307 = vector.shape_cast %get3A_306 : vector<1x16xf32> to vector<16xf32>
        %mul3A_308 = arith.mulf %get3A_307, %get3A_66 : vector<16xf32>
        %swap3A_309 = arith.index_cast %scan3A_103 : i32 to index
        %swap3A_310 = arith.constant 320 : index
        %swap3A_311 = tpu.vector_load %arg9[%swap3A_309, %swap3A_310] {strides = array<i32>} : memref<32x512xf32, #tpu.memory_space<vmem>>, vector<1x16xf32>,
        %swap3A_312 = vector.shape_cast %swap3A_311 : vector<1x16xf32> to vector<16xf32>
        %swap3A_313 = vector.shape_cast %mul3A_308 : vector<16xf32> to vector<1x16xf32>
        tpu.vector_store %arg9[%swap3A_309, %swap3A_310], %swap3A_313 {add = true, strides = array<i32>} : memref<32x512xf32, #tpu.memory_space<vmem>>, vector<1x16xf32>,
        %get3A_314 = arith.index_cast %scan3A_103 : i32 to index
        %get3A_315 = arith.constant 336 : index
        %get3A_316 = tpu.vector_load %arg10[%get3A_314, %get3A_315] {strides = array<i32>} : memref<32x512xf32, #tpu.memory_space<vmem>>, vector<1x16xf32>,
        %get3A_317 = vector.shape_cast %get3A_316 : vector<1x16xf32> to vector<16xf32>
        %mul3A_318 = arith.mulf %get3A_317, %get3A_66 : vector<16xf32>
        %swap3A_319 = arith.index_cast %scan3A_103 : i32 to index
        %swap3A_320 = arith.constant 336 : index
        %swap3A_321 = tpu.vector_load %arg9[%swap3A_319, %swap3A_320] {strides = array<i32>} : memref<32x512xf32, #tpu.memory_space<vmem>>, vector<1x16xf32>,
        %swap3A_322 = vector.shape_cast %swap3A_321 : vector<1x16xf32> to vector<16xf32>
        %swap3A_323 = vector.shape_cast %mul3A_318 : vector<16xf32> to vector<1x16xf32>
        tpu.vector_store %arg9[%swap3A_319, %swap3A_320], %swap3A_323 {add = true, strides = array<i32>} : memref<32x512xf32, #tpu.memory_space<vmem>>, vector<1x16xf32>,
        %get3A_324 = arith.index_cast %scan3A_103 : i32 to index
        %get3A_325 = arith.constant 352 : index
        %get3A_326 = tpu.vector_load %arg10[%get3A_324, %get3A_325] {strides = array<i32>} : memref<32x512xf32, #tpu.memory_space<vmem>>, vector<1x16xf32>,
        %get3A_327 = vector.shape_cast %get3A_326 : vector<1x16xf32> to vector<16xf32>
        %mul3A_328 = arith.mulf %get3A_327, %get3A_66 : vector<16xf32>
        %swap3A_329 = arith.index_cast %scan3A_103 : i32 to index
        %swap3A_330 = arith.constant 352 : index
        %swap3A_331 = tpu.vector_load %arg9[%swap3A_329, %swap3A_330] {strides = array<i32>} : memref<32x512xf32, #tpu.memory_space<vmem>>, vector<1x16xf32>,
        %swap3A_332 = vector.shape_cast %swap3A_331 : vector<1x16xf32> to vector<16xf32>
        %swap3A_333 = vector.shape_cast %mul3A_328 : vector<16xf32> to vector<1x16xf32>
        tpu.vector_store %arg9[%swap3A_329, %swap3A_330], %swap3A_333 {add = true, strides = array<i32>} : memref<32x512xf32, #tpu.memory_space<vmem>>, vector<1x16xf32>,
        %get3A_334 = arith.index_cast %scan3A_103 : i32 to index
        %get3A_335 = arith.constant 368 : index
        %get3A_336 = tpu.vector_load %arg10[%get3A_334, %get3A_335] {strides = array<i32>} : memref<32x512xf32, #tpu.memory_space<vmem>>, vector<1x16xf32>,
        %get3A_337 = vector.shape_cast %get3A_336 : vector<1x16xf32> to vector<16xf32>
        %mul3A_338 = arith.mulf %get3A_337, %get3A_66 : vector<16xf32>
        %swap3A_339 = arith.index_cast %scan3A_103 : i32 to index
        %swap3A_340 = arith.constant 368 : index
        %swap3A_341 = tpu.vector_load %arg9[%swap3A_339, %swap3A_340] {strides = array<i32>} : memref<32x512xf32, #tpu.memory_space<vmem>>, vector<1x16xf32>,
        %swap3A_342 = vector.shape_cast %swap3A_341 : vector<1x16xf32> to vector<16xf32>
        %swap3A_343 = vector.shape_cast %mul3A_338 : vector<16xf32> to vector<1x16xf32>
        tpu.vector_store %arg9[%swap3A_339, %swap3A_340], %swap3A_343 {add = true, strides = array<i32>} : memref<32x512xf32, #tpu.memory_space<vmem>>, vector<1x16xf32>,
        %get3A_344 = arith.index_cast %scan3A_103 : i32 to index
        %get3A_345 = arith.constant 384 : index
        %get3A_346 = tpu.vector_load %arg10[%get3A_344, %get3A_345] {strides = array<i32>} : memref<32x512xf32, #tpu.memory_space<vmem>>, vector<1x16xf32>,
        %get3A_347 = vector.shape_cast %get3A_346 : vector<1x16xf32> to vector<16xf32>
        %mul3A_348 = arith.mulf %get3A_347, %get3A_66 : vector<16xf32>
        %swap3A_349 = arith.index_cast %scan3A_103 : i32 to index
        %swap3A_350 = arith.constant 384 : index
        %swap3A_351 = tpu.vector_load %arg9[%swap3A_349, %swap3A_350] {strides = array<i32>} : memref<32x512xf32, #tpu.memory_space<vmem>>, vector<1x16xf32>,
        %swap3A_352 = vector.shape_cast %swap3A_351 : vector<1x16xf32> to vector<16xf32>
        %swap3A_353 = vector.shape_cast %mul3A_348 : vector<16xf32> to vector<1x16xf32>
        tpu.vector_store %arg9[%swap3A_349, %swap3A_350], %swap3A_353 {add = true, strides = array<i32>} : memref<32x512xf32, #tpu.memory_space<vmem>>, vector<1x16xf32>,
        %get3A_354 = arith.index_cast %scan3A_103 : i32 to index
        %get3A_355 = arith.constant 400 : index
        %get3A_356 = tpu.vector_load %arg10[%get3A_354, %get3A_355] {strides = array<i32>} : memref<32x512xf32, #tpu.memory_space<vmem>>, vector<1x16xf32>,
        %get3A_357 = vector.shape_cast %get3A_356 : vector<1x16xf32> to vector<16xf32>
        %mul3A_358 = arith.mulf %get3A_357, %get3A_66 : vector<16xf32>
        %swap3A_359 = arith.index_cast %scan3A_103 : i32 to index
        %swap3A_360 = arith.constant 400 : index
        %swap3A_361 = tpu.vector_load %arg9[%swap3A_359, %swap3A_360] {strides = array<i32>} : memref<32x512xf32, #tpu.memory_space<vmem>>, vector<1x16xf32>,
        %swap3A_362 = vector.shape_cast %swap3A_361 : vector<1x16xf32> to vector<16xf32>
        %swap3A_363 = vector.shape_cast %mul3A_358 : vector<16xf32> to vector<1x16xf32>
        tpu.vector_store %arg9[%swap3A_359, %swap3A_360], %swap3A_363 {add = true, strides = array<i32>} : memref<32x512xf32, #tpu.memory_space<vmem>>, vector<1x16xf32>,
        %get3A_364 = arith.index_cast %scan3A_103 : i32 to index
        %get3A_365 = arith.constant 416 : index
        %get3A_366 = tpu.vector_load %arg10[%get3A_364, %get3A_365] {strides = array<i32>} : memref<32x512xf32, #tpu.memory_space<vmem>>, vector<1x16xf32>,
        %get3A_367 = vector.shape_cast %get3A_366 : vector<1x16xf32> to vector<16xf32>
        %mul3A_368 = arith.mulf %get3A_367, %get3A_66 : vector<16xf32>
        %swap3A_369 = arith.index_cast %scan3A_103 : i32 to index
        %swap3A_370 = arith.constant 416 : index
        %swap3A_371 = tpu.vector_load %arg9[%swap3A_369, %swap3A_370] {strides = array<i32>} : memref<32x512xf32, #tpu.memory_space<vmem>>, vector<1x16xf32>,
        %swap3A_372 = vector.shape_cast %swap3A_371 : vector<1x16xf32> to vector<16xf32>
        %swap3A_373 = vector.shape_cast %mul3A_368 : vector<16xf32> to vector<1x16xf32>
        tpu.vector_store %arg9[%swap3A_369, %swap3A_370], %swap3A_373 {add = true, strides = array<i32>} : memref<32x512xf32, #tpu.memory_space<vmem>>, vector<1x16xf32>,
        %get3A_374 = arith.index_cast %scan3A_103 : i32 to index
        %get3A_375 = arith.constant 432 : index
        %get3A_376 = tpu.vector_load %arg10[%get3A_374, %get3A_375] {strides = array<i32>} : memref<32x512xf32, #tpu.memory_space<vmem>>, vector<1x16xf32>,
        %get3A_377 = vector.shape_cast %get3A_376 : vector<1x16xf32> to vector<16xf32>
        %mul3A_378 = arith.mulf %get3A_377, %get3A_66 : vector<16xf32>
        %swap3A_379 = arith.index_cast %scan3A_103 : i32 to index
        %swap3A_380 = arith.constant 432 : index
        %swap3A_381 = tpu.vector_load %arg9[%swap3A_379, %swap3A_380] {strides = array<i32>} : memref<32x512xf32, #tpu.memory_space<vmem>>, vector<1x16xf32>,
        %swap3A_382 = vector.shape_cast %swap3A_381 : vector<1x16xf32> to vector<16xf32>
        %swap3A_383 = vector.shape_cast %mul3A_378 : vector<16xf32> to vector<1x16xf32>
        tpu.vector_store %arg9[%swap3A_379, %swap3A_380], %swap3A_383 {add = true, strides = array<i32>} : memref<32x512xf32, #tpu.memory_space<vmem>>, vector<1x16xf32>,
        %get3A_384 = arith.index_cast %scan3A_103 : i32 to index
        %get3A_385 = arith.constant 448 : index
        %get3A_386 = tpu.vector_load %arg10[%get3A_384, %get3A_385] {strides = array<i32>} : memref<32x512xf32, #tpu.memory_space<vmem>>, vector<1x16xf32>,
        %get3A_387 = vector.shape_cast %get3A_386 : vector<1x16xf32> to vector<16xf32>
        %mul3A_388 = arith.mulf %get3A_387, %get3A_66 : vector<16xf32>
        %swap3A_389 = arith.index_cast %scan3A_103 : i32 to index
        %swap3A_390 = arith.constant 448 : index
        %swap3A_391 = tpu.vector_load %arg9[%swap3A_389, %swap3A_390] {strides = array<i32>} : memref<32x512xf32, #tpu.memory_space<vmem>>, vector<1x16xf32>,
        %swap3A_392 = vector.shape_cast %swap3A_391 : vector<1x16xf32> to vector<16xf32>
        %swap3A_393 = vector.shape_cast %mul3A_388 : vector<16xf32> to vector<1x16xf32>
        tpu.vector_store %arg9[%swap3A_389, %swap3A_390], %swap3A_393 {add = true, strides = array<i32>} : memref<32x512xf32, #tpu.memory_space<vmem>>, vector<1x16xf32>,
        %get3A_394 = arith.index_cast %scan3A_103 : i32 to index
        %get3A_395 = arith.constant 464 : index
        %get3A_396 = tpu.vector_load %arg10[%get3A_394, %get3A_395] {strides = array<i32>} : memref<32x512xf32, #tpu.memory_space<vmem>>, vector<1x16xf32>,
        %get3A_397 = vector.shape_cast %get3A_396 : vector<1x16xf32> to vector<16xf32>
        %mul3A_398 = arith.mulf %get3A_397, %get3A_66 : vector<16xf32>
        %swap3A_399 = arith.index_cast %scan3A_103 : i32 to index
        %swap3A_400 = arith.constant 464 : index
        %swap3A_401 = tpu.vector_load %arg9[%swap3A_399, %swap3A_400] {strides = array<i32>} : memref<32x512xf32, #tpu.memory_space<vmem>>, vector<1x16xf32>,
        %swap3A_402 = vector.shape_cast %swap3A_401 : vector<1x16xf32> to vector<16xf32>
        %swap3A_403 = vector.shape_cast %mul3A_398 : vector<16xf32> to vector<1x16xf32>
        tpu.vector_store %arg9[%swap3A_399, %swap3A_400], %swap3A_403 {add = true, strides = array<i32>} : memref<32x512xf32, #tpu.memory_space<vmem>>, vector<1x16xf32>,
        %get3A_404 = arith.index_cast %scan3A_103 : i32 to index
        %get3A_405 = arith.constant 480 : index
        %get3A_406 = tpu.vector_load %arg10[%get3A_404, %get3A_405] {strides = array<i32>} : memref<32x512xf32, #tpu.memory_space<vmem>>, vector<1x16xf32>,
        %get3A_407 = vector.shape_cast %get3A_406 : vector<1x16xf32> to vector<16xf32>
        %mul3A_408 = arith.mulf %get3A_407, %get3A_66 : vector<16xf32>
        %swap3A_409 = arith.index_cast %scan3A_103 : i32 to index
        %swap3A_410 = arith.constant 480 : index
        %swap3A_411 = tpu.vector_load %arg9[%swap3A_409, %swap3A_410] {strides = array<i32>} : memref<32x512xf32, #tpu.memory_space<vmem>>, vector<1x16xf32>,
        %swap3A_412 = vector.shape_cast %swap3A_411 : vector<1x16xf32> to vector<16xf32>
        %swap3A_413 = vector.shape_cast %mul3A_408 : vector<16xf32> to vector<1x16xf32>
        tpu.vector_store %arg9[%swap3A_409, %swap3A_410], %swap3A_413 {add = true, strides = array<i32>} : memref<32x512xf32, #tpu.memory_space<vmem>>, vector<1x16xf32>,
        %get3A_414 = arith.index_cast %scan3A_103 : i32 to index
        %get3A_415 = arith.constant 496 : index
        %get3A_416 = tpu.vector_load %arg10[%get3A_414, %get3A_415] {strides = array<i32>} : memref<32x512xf32, #tpu.memory_space<vmem>>, vector<1x16xf32>,
        %get3A_417 = vector.shape_cast %get3A_416 : vector<1x16xf32> to vector<16xf32>
        %mul3A_418 = arith.mulf %get3A_417, %get3A_66 : vector<16xf32>
        %swap3A_419 = arith.index_cast %scan3A_103 : i32 to index
        %swap3A_420 = arith.constant 496 : index
        %swap3A_421 = tpu.vector_load %arg9[%swap3A_419, %swap3A_420] {strides = array<i32>} : memref<32x512xf32, #tpu.memory_space<vmem>>, vector<1x16xf32>,
        %swap3A_422 = vector.shape_cast %swap3A_421 : vector<1x16xf32> to vector<16xf32>
        %swap3A_423 = vector.shape_cast %mul3A_418 : vector<16xf32> to vector<1x16xf32>
        tpu.vector_store %arg9[%swap3A_419, %swap3A_420], %swap3A_423 {add = true, strides = array<i32>} : memref<32x512xf32, #tpu.memory_space<vmem>>, vector<1x16xf32>,
        %scan3A_424 = arith.constant 0 : i32
        scf.yield %scan3A_424 : i32
      }
      %scan3A_73 = arith.constant 32 : i32
      %lt3A = arith.constant 24 : i32
      %lt3A_74 = arith.cmpi slt, %scan3A_52, %lt3A : i32
      %convert_element_type3A = arith.extui %lt3A_74 : i1 to i32
      %cond3A = arith.constant 0 : i32
      %cond3A_75 = arith.cmpi ne, %convert_element_type3A, %cond3A : i32
      scf.if %cond3A_75 {
        %add3A_103 = arith.constant 2 : i32
        %add3A_104 = arith.addi %mul3A_55, %add3A_103 : i32
        %dma_start3A_105 = arith.constant 0 : i32
        %dma_start3A_106 = tpu.memref_slice %arg7[%add3A_104, %dma_start3A_105] : memref<50x32xi32, #tpu.memory_space<vmem>> -> memref<1x32xi32, #tpu.memory_space<vmem>>
        %dma_start3A_107 = tpu.memref_squeeze %dma_start3A_106 : memref<1x32xi32, #tpu.memory_space<vmem>> -> memref<32xi32, #tpu.memory_space<vmem>>
        %dma_start3A_108 = arith.constant 0 : i32
        %dma_start3A_109 = arith.constant 0 : i32
        %dma_start3A_110 = tpu.memref_slice %arg2[%dma_start3A_108, %dma_start3A_109] : memref<100864x512xf32, #tpu.memory_space<hbm>> -> memref<100864x512xf32, #tpu.memory_space<hbm>>
        tpu.enqueue_indirect_dma source(%dma_start3A_110 : memref<100864x512xf32, #tpu.memory_space<hbm>>) target(%arg10 : memref<32x512xf32, #tpu.memory_space<vmem>>) offsets(%dma_start3A_107 : memref<32xi32, #tpu.memory_space<vmem>>) semaphore(%arg12 : memref<!tpu.dma_semaphore, #tpu.memory_space<semaphore_mem>>)
      } else {
      }
      %dma_wait3A_76 = arith.constant 0 : i32
      %dma_wait3A_77 = arith.constant 0 : i32
      %dma_wait3A_78 = tpu.memref_slice %arg7[%dma_wait3A_76, %dma_wait3A_77] : memref<50x32xi32, #tpu.memory_space<vmem>> -> memref<1x32xi32, #tpu.memory_space<vmem>>
      %dma_wait3A_79 = tpu.memref_squeeze %dma_wait3A_78 : memref<1x32xi32, #tpu.memory_space<vmem>> -> memref<32xi32, #tpu.memory_space<vmem>>
      %dma_wait3A_80 = arith.constant 0 : i32
      %dma_wait3A_81 = arith.constant 0 : i32
      %dma_wait3A_82 = tpu.memref_slice %arg2[%dma_wait3A_80, %dma_wait3A_81] : memref<100864x512xf32, #tpu.memory_space<hbm>> -> memref<100864x512xf32, #tpu.memory_space<hbm>>
      tpu.wait_indirect_dma semaphore(%arg13 : memref<!tpu.dma_semaphore, #tpu.memory_space<semaphore_mem>>) src(%dma_wait3A_82 : memref<100864x512xf32, #tpu.memory_space<hbm>>) dst(%arg11 : memref<32x512xf32, #tpu.memory_space<vmem>>)
      %add3A_83 = arith.constant 1 : i32
      %add3A_84 = arith.addi %mul3A_55, %add3A_83 : i32
      %mul3A_85 = arith.constant 16 : i32
      %mul3A_86 = arith.muli %add3A_84, %mul3A_85 : i32
      %get3A_87 = arith.index_cast %mul3A_86 : i32 to index
      %get3A_88 = tpu.vector_load %arg8[%get3A_87] {strides = array<i32>} : memref<1024xf32, #tpu.memory_space<vmem>>, vector<16xf32>,
      %get3A_89 = vector.shape_cast %get3A_88 : vector<16xf32> to vector<16xf32>
      %scan3A_90 = arith.constant 0 : i32
      %scan3A_91 = arith.constant 0 : i32
      %scan3A_92 = arith.constant 32 : i32
      %scan3A_93 = arith.addi %scan3A_91, %scan3A_92 : i32
      %scan3A_94 = arith.constant 1 : i32
      %scan3A_95 = scf.for %scan3A_103 = %scan3A_91 to %scan3A_93 step %scan3A_94 iter_args(%scan3A_104 = %scan3A_90) -> (i32)  : i32 {
        %get3A_105 = arith.index_cast %scan3A_103 : i32 to index
        %get3A_106 = arith.constant 0 : index
        %get3A_107 = tpu.vector_load %arg11[%get3A_105, %get3A_106] {strides = array<i32>} : memref<32x512xf32, #tpu.memory_space<vmem>>, vector<1x16xf32>,
        %get3A_108 = vector.shape_cast %get3A_107 : vector<1x16xf32> to vector<16xf32>
        %mul3A_109 = arith.mulf %get3A_108, %get3A_89 : vector<16xf32>
        %swap3A = arith.index_cast %scan3A_103 : i32 to index
        %swap3A_110 = arith.constant 0 : index
        %swap3A_111 = tpu.vector_load %arg9[%swap3A, %swap3A_110] {strides = array<i32>} : memref<32x512xf32, #tpu.memory_space<vmem>>, vector<1x16xf32>,
        %swap3A_112 = vector.shape_cast %swap3A_111 : vector<1x16xf32> to vector<16xf32>
        %swap3A_113 = vector.shape_cast %mul3A_109 : vector<16xf32> to vector<1x16xf32>
        tpu.vector_store %arg9[%swap3A, %swap3A_110], %swap3A_113 {add = true, strides = array<i32>} : memref<32x512xf32, #tpu.memory_space<vmem>>, vector<1x16xf32>,
        %get3A_114 = arith.index_cast %scan3A_103 : i32 to index
        %get3A_115 = arith.constant 16 : index
        %get3A_116 = tpu.vector_load %arg11[%get3A_114, %get3A_115] {strides = array<i32>} : memref<32x512xf32, #tpu.memory_space<vmem>>, vector<1x16xf32>,
        %get3A_117 = vector.shape_cast %get3A_116 : vector<1x16xf32> to vector<16xf32>
        %mul3A_118 = arith.mulf %get3A_117, %get3A_89 : vector<16xf32>
        %swap3A_119 = arith.index_cast %scan3A_103 : i32 to index
        %swap3A_120 = arith.constant 16 : index
        %swap3A_121 = tpu.vector_load %arg9[%swap3A_119, %swap3A_120] {strides = array<i32>} : memref<32x512xf32, #tpu.memory_space<vmem>>, vector<1x16xf32>,
        %swap3A_122 = vector.shape_cast %swap3A_121 : vector<1x16xf32> to vector<16xf32>
        %swap3A_123 = vector.shape_cast %mul3A_118 : vector<16xf32> to vector<1x16xf32>
        tpu.vector_store %arg9[%swap3A_119, %swap3A_120], %swap3A_123 {add = true, strides = array<i32>} : memref<32x512xf32, #tpu.memory_space<vmem>>, vector<1x16xf32>,
        %get3A_124 = arith.index_cast %scan3A_103 : i32 to index
        %get3A_125 = arith.constant 32 : index
        %get3A_126 = tpu.vector_load %arg11[%get3A_124, %get3A_125] {strides = array<i32>} : memref<32x512xf32, #tpu.memory_space<vmem>>, vector<1x16xf32>,
        %get3A_127 = vector.shape_cast %get3A_126 : vector<1x16xf32> to vector<16xf32>
        %mul3A_128 = arith.mulf %get3A_127, %get3A_89 : vector<16xf32>
        %swap3A_129 = arith.index_cast %scan3A_103 : i32 to index
        %swap3A_130 = arith.constant 32 : index
        %swap3A_131 = tpu.vector_load %arg9[%swap3A_129, %swap3A_130] {strides = array<i32>} : memref<32x512xf32, #tpu.memory_space<vmem>>, vector<1x16xf32>,
        %swap3A_132 = vector.shape_cast %swap3A_131 : vector<1x16xf32> to vector<16xf32>
        %swap3A_133 = vector.shape_cast %mul3A_128 : vector<16xf32> to vector<1x16xf32>
        tpu.vector_store %arg9[%swap3A_129, %swap3A_130], %swap3A_133 {add = true, strides = array<i32>} : memref<32x512xf32, #tpu.memory_space<vmem>>, vector<1x16xf32>,
        %get3A_134 = arith.index_cast %scan3A_103 : i32 to index
        %get3A_135 = arith.constant 48 : index
        %get3A_136 = tpu.vector_load %arg11[%get3A_134, %get3A_135] {strides = array<i32>} : memref<32x512xf32, #tpu.memory_space<vmem>>, vector<1x16xf32>,
        %get3A_137 = vector.shape_cast %get3A_136 : vector<1x16xf32> to vector<16xf32>
        %mul3A_138 = arith.mulf %get3A_137, %get3A_89 : vector<16xf32>
        %swap3A_139 = arith.index_cast %scan3A_103 : i32 to index
        %swap3A_140 = arith.constant 48 : index
        %swap3A_141 = tpu.vector_load %arg9[%swap3A_139, %swap3A_140] {strides = array<i32>} : memref<32x512xf32, #tpu.memory_space<vmem>>, vector<1x16xf32>,
        %swap3A_142 = vector.shape_cast %swap3A_141 : vector<1x16xf32> to vector<16xf32>
        %swap3A_143 = vector.shape_cast %mul3A_138 : vector<16xf32> to vector<1x16xf32>
        tpu.vector_store %arg9[%swap3A_139, %swap3A_140], %swap3A_143 {add = true, strides = array<i32>} : memref<32x512xf32, #tpu.memory_space<vmem>>, vector<1x16xf32>,
        %get3A_144 = arith.index_cast %scan3A_103 : i32 to index
        %get3A_145 = arith.constant 64 : index
        %get3A_146 = tpu.vector_load %arg11[%get3A_144, %get3A_145] {strides = array<i32>} : memref<32x512xf32, #tpu.memory_space<vmem>>, vector<1x16xf32>,
        %get3A_147 = vector.shape_cast %get3A_146 : vector<1x16xf32> to vector<16xf32>
        %mul3A_148 = arith.mulf %get3A_147, %get3A_89 : vector<16xf32>
        %swap3A_149 = arith.index_cast %scan3A_103 : i32 to index
        %swap3A_150 = arith.constant 64 : index
        %swap3A_151 = tpu.vector_load %arg9[%swap3A_149, %swap3A_150] {strides = array<i32>} : memref<32x512xf32, #tpu.memory_space<vmem>>, vector<1x16xf32>,
        %swap3A_152 = vector.shape_cast %swap3A_151 : vector<1x16xf32> to vector<16xf32>
        %swap3A_153 = vector.shape_cast %mul3A_148 : vector<16xf32> to vector<1x16xf32>
        tpu.vector_store %arg9[%swap3A_149, %swap3A_150], %swap3A_153 {add = true, strides = array<i32>} : memref<32x512xf32, #tpu.memory_space<vmem>>, vector<1x16xf32>,
        %get3A_154 = arith.index_cast %scan3A_103 : i32 to index
        %get3A_155 = arith.constant 80 : index
        %get3A_156 = tpu.vector_load %arg11[%get3A_154, %get3A_155] {strides = array<i32>} : memref<32x512xf32, #tpu.memory_space<vmem>>, vector<1x16xf32>,
        %get3A_157 = vector.shape_cast %get3A_156 : vector<1x16xf32> to vector<16xf32>
        %mul3A_158 = arith.mulf %get3A_157, %get3A_89 : vector<16xf32>
        %swap3A_159 = arith.index_cast %scan3A_103 : i32 to index
        %swap3A_160 = arith.constant 80 : index
        %swap3A_161 = tpu.vector_load %arg9[%swap3A_159, %swap3A_160] {strides = array<i32>} : memref<32x512xf32, #tpu.memory_space<vmem>>, vector<1x16xf32>,
        %swap3A_162 = vector.shape_cast %swap3A_161 : vector<1x16xf32> to vector<16xf32>
        %swap3A_163 = vector.shape_cast %mul3A_158 : vector<16xf32> to vector<1x16xf32>
        tpu.vector_store %arg9[%swap3A_159, %swap3A_160], %swap3A_163 {add = true, strides = array<i32>} : memref<32x512xf32, #tpu.memory_space<vmem>>, vector<1x16xf32>,
        %get3A_164 = arith.index_cast %scan3A_103 : i32 to index
        %get3A_165 = arith.constant 96 : index
        %get3A_166 = tpu.vector_load %arg11[%get3A_164, %get3A_165] {strides = array<i32>} : memref<32x512xf32, #tpu.memory_space<vmem>>, vector<1x16xf32>,
        %get3A_167 = vector.shape_cast %get3A_166 : vector<1x16xf32> to vector<16xf32>
        %mul3A_168 = arith.mulf %get3A_167, %get3A_89 : vector<16xf32>
        %swap3A_169 = arith.index_cast %scan3A_103 : i32 to index
        %swap3A_170 = arith.constant 96 : index
        %swap3A_171 = tpu.vector_load %arg9[%swap3A_169, %swap3A_170] {strides = array<i32>} : memref<32x512xf32, #tpu.memory_space<vmem>>, vector<1x16xf32>,
        %swap3A_172 = vector.shape_cast %swap3A_171 : vector<1x16xf32> to vector<16xf32>
        %swap3A_173 = vector.shape_cast %mul3A_168 : vector<16xf32> to vector<1x16xf32>
        tpu.vector_store %arg9[%swap3A_169, %swap3A_170], %swap3A_173 {add = true, strides = array<i32>} : memref<32x512xf32, #tpu.memory_space<vmem>>, vector<1x16xf32>,
        %get3A_174 = arith.index_cast %scan3A_103 : i32 to index
        %get3A_175 = arith.constant 112 : index
        %get3A_176 = tpu.vector_load %arg11[%get3A_174, %get3A_175] {strides = array<i32>} : memref<32x512xf32, #tpu.memory_space<vmem>>, vector<1x16xf32>,
        %get3A_177 = vector.shape_cast %get3A_176 : vector<1x16xf32> to vector<16xf32>
        %mul3A_178 = arith.mulf %get3A_177, %get3A_89 : vector<16xf32>
        %swap3A_179 = arith.index_cast %scan3A_103 : i32 to index
        %swap3A_180 = arith.constant 112 : index
        %swap3A_181 = tpu.vector_load %arg9[%swap3A_179, %swap3A_180] {strides = array<i32>} : memref<32x512xf32, #tpu.memory_space<vmem>>, vector<1x16xf32>,
        %swap3A_182 = vector.shape_cast %swap3A_181 : vector<1x16xf32> to vector<16xf32>
        %swap3A_183 = vector.shape_cast %mul3A_178 : vector<16xf32> to vector<1x16xf32>
        tpu.vector_store %arg9[%swap3A_179, %swap3A_180], %swap3A_183 {add = true, strides = array<i32>} : memref<32x512xf32, #tpu.memory_space<vmem>>, vector<1x16xf32>,
        %get3A_184 = arith.index_cast %scan3A_103 : i32 to index
        %get3A_185 = arith.constant 128 : index
        %get3A_186 = tpu.vector_load %arg11[%get3A_184, %get3A_185] {strides = array<i32>} : memref<32x512xf32, #tpu.memory_space<vmem>>, vector<1x16xf32>,
        %get3A_187 = vector.shape_cast %get3A_186 : vector<1x16xf32> to vector<16xf32>
        %mul3A_188 = arith.mulf %get3A_187, %get3A_89 : vector<16xf32>
        %swap3A_189 = arith.index_cast %scan3A_103 : i32 to index
        %swap3A_190 = arith.constant 128 : index
        %swap3A_191 = tpu.vector_load %arg9[%swap3A_189, %swap3A_190] {strides = array<i32>} : memref<32x512xf32, #tpu.memory_space<vmem>>, vector<1x16xf32>,
        %swap3A_192 = vector.shape_cast %swap3A_191 : vector<1x16xf32> to vector<16xf32>
        %swap3A_193 = vector.shape_cast %mul3A_188 : vector<16xf32> to vector<1x16xf32>
        tpu.vector_store %arg9[%swap3A_189, %swap3A_190], %swap3A_193 {add = true, strides = array<i32>} : memref<32x512xf32, #tpu.memory_space<vmem>>, vector<1x16xf32>,
        %get3A_194 = arith.index_cast %scan3A_103 : i32 to index
        %get3A_195 = arith.constant 144 : index
        %get3A_196 = tpu.vector_load %arg11[%get3A_194, %get3A_195] {strides = array<i32>} : memref<32x512xf32, #tpu.memory_space<vmem>>, vector<1x16xf32>,
        %get3A_197 = vector.shape_cast %get3A_196 : vector<1x16xf32> to vector<16xf32>
        %mul3A_198 = arith.mulf %get3A_197, %get3A_89 : vector<16xf32>
        %swap3A_199 = arith.index_cast %scan3A_103 : i32 to index
        %swap3A_200 = arith.constant 144 : index
        %swap3A_201 = tpu.vector_load %arg9[%swap3A_199, %swap3A_200] {strides = array<i32>} : memref<32x512xf32, #tpu.memory_space<vmem>>, vector<1x16xf32>,
        %swap3A_202 = vector.shape_cast %swap3A_201 : vector<1x16xf32> to vector<16xf32>
        %swap3A_203 = vector.shape_cast %mul3A_198 : vector<16xf32> to vector<1x16xf32>
        tpu.vector_store %arg9[%swap3A_199, %swap3A_200], %swap3A_203 {add = true, strides = array<i32>} : memref<32x512xf32, #tpu.memory_space<vmem>>, vector<1x16xf32>,
        %get3A_204 = arith.index_cast %scan3A_103 : i32 to index
        %get3A_205 = arith.constant 160 : index
        %get3A_206 = tpu.vector_load %arg11[%get3A_204, %get3A_205] {strides = array<i32>} : memref<32x512xf32, #tpu.memory_space<vmem>>, vector<1x16xf32>,
        %get3A_207 = vector.shape_cast %get3A_206 : vector<1x16xf32> to vector<16xf32>
        %mul3A_208 = arith.mulf %get3A_207, %get3A_89 : vector<16xf32>
        %swap3A_209 = arith.index_cast %scan3A_103 : i32 to index
        %swap3A_210 = arith.constant 160 : index
        %swap3A_211 = tpu.vector_load %arg9[%swap3A_209, %swap3A_210] {strides = array<i32>} : memref<32x512xf32, #tpu.memory_space<vmem>>, vector<1x16xf32>,
        %swap3A_212 = vector.shape_cast %swap3A_211 : vector<1x16xf32> to vector<16xf32>
        %swap3A_213 = vector.shape_cast %mul3A_208 : vector<16xf32> to vector<1x16xf32>
        tpu.vector_store %arg9[%swap3A_209, %swap3A_210], %swap3A_213 {add = true, strides = array<i32>} : memref<32x512xf32, #tpu.memory_space<vmem>>, vector<1x16xf32>,
        %get3A_214 = arith.index_cast %scan3A_103 : i32 to index
        %get3A_215 = arith.constant 176 : index
        %get3A_216 = tpu.vector_load %arg11[%get3A_214, %get3A_215] {strides = array<i32>} : memref<32x512xf32, #tpu.memory_space<vmem>>, vector<1x16xf32>,
        %get3A_217 = vector.shape_cast %get3A_216 : vector<1x16xf32> to vector<16xf32>
        %mul3A_218 = arith.mulf %get3A_217, %get3A_89 : vector<16xf32>
        %swap3A_219 = arith.index_cast %scan3A_103 : i32 to index
        %swap3A_220 = arith.constant 176 : index
        %swap3A_221 = tpu.vector_load %arg9[%swap3A_219, %swap3A_220] {strides = array<i32>} : memref<32x512xf32, #tpu.memory_space<vmem>>, vector<1x16xf32>,
        %swap3A_222 = vector.shape_cast %swap3A_221 : vector<1x16xf32> to vector<16xf32>
        %swap3A_223 = vector.shape_cast %mul3A_218 : vector<16xf32> to vector<1x16xf32>
        tpu.vector_store %arg9[%swap3A_219, %swap3A_220], %swap3A_223 {add = true, strides = array<i32>} : memref<32x512xf32, #tpu.memory_space<vmem>>, vector<1x16xf32>,
        %get3A_224 = arith.index_cast %scan3A_103 : i32 to index
        %get3A_225 = arith.constant 192 : index
        %get3A_226 = tpu.vector_load %arg11[%get3A_224, %get3A_225] {strides = array<i32>} : memref<32x512xf32, #tpu.memory_space<vmem>>, vector<1x16xf32>,
        %get3A_227 = vector.shape_cast %get3A_226 : vector<1x16xf32> to vector<16xf32>
        %mul3A_228 = arith.mulf %get3A_227, %get3A_89 : vector<16xf32>
        %swap3A_229 = arith.index_cast %scan3A_103 : i32 to index
        %swap3A_230 = arith.constant 192 : index
        %swap3A_231 = tpu.vector_load %arg9[%swap3A_229, %swap3A_230] {strides = array<i32>} : memref<32x512xf32, #tpu.memory_space<vmem>>, vector<1x16xf32>,
        %swap3A_232 = vector.shape_cast %swap3A_231 : vector<1x16xf32> to vector<16xf32>
        %swap3A_233 = vector.shape_cast %mul3A_228 : vector<16xf32> to vector<1x16xf32>
        tpu.vector_store %arg9[%swap3A_229, %swap3A_230], %swap3A_233 {add = true, strides = array<i32>} : memref<32x512xf32, #tpu.memory_space<vmem>>, vector<1x16xf32>,
        %get3A_234 = arith.index_cast %scan3A_103 : i32 to index
        %get3A_235 = arith.constant 208 : index
        %get3A_236 = tpu.vector_load %arg11[%get3A_234, %get3A_235] {strides = array<i32>} : memref<32x512xf32, #tpu.memory_space<vmem>>, vector<1x16xf32>,
        %get3A_237 = vector.shape_cast %get3A_236 : vector<1x16xf32> to vector<16xf32>
        %mul3A_238 = arith.mulf %get3A_237, %get3A_89 : vector<16xf32>
        %swap3A_239 = arith.index_cast %scan3A_103 : i32 to index
        %swap3A_240 = arith.constant 208 : index
        %swap3A_241 = tpu.vector_load %arg9[%swap3A_239, %swap3A_240] {strides = array<i32>} : memref<32x512xf32, #tpu.memory_space<vmem>>, vector<1x16xf32>,
        %swap3A_242 = vector.shape_cast %swap3A_241 : vector<1x16xf32> to vector<16xf32>
        %swap3A_243 = vector.shape_cast %mul3A_238 : vector<16xf32> to vector<1x16xf32>
        tpu.vector_store %arg9[%swap3A_239, %swap3A_240], %swap3A_243 {add = true, strides = array<i32>} : memref<32x512xf32, #tpu.memory_space<vmem>>, vector<1x16xf32>,
        %get3A_244 = arith.index_cast %scan3A_103 : i32 to index
        %get3A_245 = arith.constant 224 : index
        %get3A_246 = tpu.vector_load %arg11[%get3A_244, %get3A_245] {strides = array<i32>} : memref<32x512xf32, #tpu.memory_space<vmem>>, vector<1x16xf32>,
        %get3A_247 = vector.shape_cast %get3A_246 : vector<1x16xf32> to vector<16xf32>
        %mul3A_248 = arith.mulf %get3A_247, %get3A_89 : vector<16xf32>
        %swap3A_249 = arith.index_cast %scan3A_103 : i32 to index
        %swap3A_250 = arith.constant 224 : index
        %swap3A_251 = tpu.vector_load %arg9[%swap3A_249, %swap3A_250] {strides = array<i32>} : memref<32x512xf32, #tpu.memory_space<vmem>>, vector<1x16xf32>,
        %swap3A_252 = vector.shape_cast %swap3A_251 : vector<1x16xf32> to vector<16xf32>
        %swap3A_253 = vector.shape_cast %mul3A_248 : vector<16xf32> to vector<1x16xf32>
        tpu.vector_store %arg9[%swap3A_249, %swap3A_250], %swap3A_253 {add = true, strides = array<i32>} : memref<32x512xf32, #tpu.memory_space<vmem>>, vector<1x16xf32>,
        %get3A_254 = arith.index_cast %scan3A_103 : i32 to index
        %get3A_255 = arith.constant 240 : index
        %get3A_256 = tpu.vector_load %arg11[%get3A_254, %get3A_255] {strides = array<i32>} : memref<32x512xf32, #tpu.memory_space<vmem>>, vector<1x16xf32>,
        %get3A_257 = vector.shape_cast %get3A_256 : vector<1x16xf32> to vector<16xf32>
        %mul3A_258 = arith.mulf %get3A_257, %get3A_89 : vector<16xf32>
        %swap3A_259 = arith.index_cast %scan3A_103 : i32 to index
        %swap3A_260 = arith.constant 240 : index
        %swap3A_261 = tpu.vector_load %arg9[%swap3A_259, %swap3A_260] {strides = array<i32>} : memref<32x512xf32, #tpu.memory_space<vmem>>, vector<1x16xf32>,
        %swap3A_262 = vector.shape_cast %swap3A_261 : vector<1x16xf32> to vector<16xf32>
        %swap3A_263 = vector.shape_cast %mul3A_258 : vector<16xf32> to vector<1x16xf32>
        tpu.vector_store %arg9[%swap3A_259, %swap3A_260], %swap3A_263 {add = true, strides = array<i32>} : memref<32x512xf32, #tpu.memory_space<vmem>>, vector<1x16xf32>,
        %get3A_264 = arith.index_cast %scan3A_103 : i32 to index
        %get3A_265 = arith.constant 256 : index
        %get3A_266 = tpu.vector_load %arg11[%get3A_264, %get3A_265] {strides = array<i32>} : memref<32x512xf32, #tpu.memory_space<vmem>>, vector<1x16xf32>,
        %get3A_267 = vector.shape_cast %get3A_266 : vector<1x16xf32> to vector<16xf32>
        %mul3A_268 = arith.mulf %get3A_267, %get3A_89 : vector<16xf32>
        %swap3A_269 = arith.index_cast %scan3A_103 : i32 to index
        %swap3A_270 = arith.constant 256 : index
        %swap3A_271 = tpu.vector_load %arg9[%swap3A_269, %swap3A_270] {strides = array<i32>} : memref<32x512xf32, #tpu.memory_space<vmem>>, vector<1x16xf32>,
        %swap3A_272 = vector.shape_cast %swap3A_271 : vector<1x16xf32> to vector<16xf32>
        %swap3A_273 = vector.shape_cast %mul3A_268 : vector<16xf32> to vector<1x16xf32>
        tpu.vector_store %arg9[%swap3A_269, %swap3A_270], %swap3A_273 {add = true, strides = array<i32>} : memref<32x512xf32, #tpu.memory_space<vmem>>, vector<1x16xf32>,
        %get3A_274 = arith.index_cast %scan3A_103 : i32 to index
        %get3A_275 = arith.constant 272 : index
        %get3A_276 = tpu.vector_load %arg11[%get3A_274, %get3A_275] {strides = array<i32>} : memref<32x512xf32, #tpu.memory_space<vmem>>, vector<1x16xf32>,
        %get3A_277 = vector.shape_cast %get3A_276 : vector<1x16xf32> to vector<16xf32>
        %mul3A_278 = arith.mulf %get3A_277, %get3A_89 : vector<16xf32>
        %swap3A_279 = arith.index_cast %scan3A_103 : i32 to index
        %swap3A_280 = arith.constant 272 : index
        %swap3A_281 = tpu.vector_load %arg9[%swap3A_279, %swap3A_280] {strides = array<i32>} : memref<32x512xf32, #tpu.memory_space<vmem>>, vector<1x16xf32>,
        %swap3A_282 = vector.shape_cast %swap3A_281 : vector<1x16xf32> to vector<16xf32>
        %swap3A_283 = vector.shape_cast %mul3A_278 : vector<16xf32> to vector<1x16xf32>
        tpu.vector_store %arg9[%swap3A_279, %swap3A_280], %swap3A_283 {add = true, strides = array<i32>} : memref<32x512xf32, #tpu.memory_space<vmem>>, vector<1x16xf32>,
        %get3A_284 = arith.index_cast %scan3A_103 : i32 to index
        %get3A_285 = arith.constant 288 : index
        %get3A_286 = tpu.vector_load %arg11[%get3A_284, %get3A_285] {strides = array<i32>} : memref<32x512xf32, #tpu.memory_space<vmem>>, vector<1x16xf32>,
        %get3A_287 = vector.shape_cast %get3A_286 : vector<1x16xf32> to vector<16xf32>
        %mul3A_288 = arith.mulf %get3A_287, %get3A_89 : vector<16xf32>
        %swap3A_289 = arith.index_cast %scan3A_103 : i32 to index
        %swap3A_290 = arith.constant 288 : index
        %swap3A_291 = tpu.vector_load %arg9[%swap3A_289, %swap3A_290] {strides = array<i32>} : memref<32x512xf32, #tpu.memory_space<vmem>>, vector<1x16xf32>,
        %swap3A_292 = vector.shape_cast %swap3A_291 : vector<1x16xf32> to vector<16xf32>
        %swap3A_293 = vector.shape_cast %mul3A_288 : vector<16xf32> to vector<1x16xf32>
        tpu.vector_store %arg9[%swap3A_289, %swap3A_290], %swap3A_293 {add = true, strides = array<i32>} : memref<32x512xf32, #tpu.memory_space<vmem>>, vector<1x16xf32>,
        %get3A_294 = arith.index_cast %scan3A_103 : i32 to index
        %get3A_295 = arith.constant 304 : index
        %get3A_296 = tpu.vector_load %arg11[%get3A_294, %get3A_295] {strides = array<i32>} : memref<32x512xf32, #tpu.memory_space<vmem>>, vector<1x16xf32>,
        %get3A_297 = vector.shape_cast %get3A_296 : vector<1x16xf32> to vector<16xf32>
        %mul3A_298 = arith.mulf %get3A_297, %get3A_89 : vector<16xf32>
        %swap3A_299 = arith.index_cast %scan3A_103 : i32 to index
        %swap3A_300 = arith.constant 304 : index
        %swap3A_301 = tpu.vector_load %arg9[%swap3A_299, %swap3A_300] {strides = array<i32>} : memref<32x512xf32, #tpu.memory_space<vmem>>, vector<1x16xf32>,
        %swap3A_302 = vector.shape_cast %swap3A_301 : vector<1x16xf32> to vector<16xf32>
        %swap3A_303 = vector.shape_cast %mul3A_298 : vector<16xf32> to vector<1x16xf32>
        tpu.vector_store %arg9[%swap3A_299, %swap3A_300], %swap3A_303 {add = true, strides = array<i32>} : memref<32x512xf32, #tpu.memory_space<vmem>>, vector<1x16xf32>,
        %get3A_304 = arith.index_cast %scan3A_103 : i32 to index
        %get3A_305 = arith.constant 320 : index
        %get3A_306 = tpu.vector_load %arg11[%get3A_304, %get3A_305] {strides = array<i32>} : memref<32x512xf32, #tpu.memory_space<vmem>>, vector<1x16xf32>,
        %get3A_307 = vector.shape_cast %get3A_306 : vector<1x16xf32> to vector<16xf32>
        %mul3A_308 = arith.mulf %get3A_307, %get3A_89 : vector<16xf32>
        %swap3A_309 = arith.index_cast %scan3A_103 : i32 to index
        %swap3A_310 = arith.constant 320 : index
        %swap3A_311 = tpu.vector_load %arg9[%swap3A_309, %swap3A_310] {strides = array<i32>} : memref<32x512xf32, #tpu.memory_space<vmem>>, vector<1x16xf32>,
        %swap3A_312 = vector.shape_cast %swap3A_311 : vector<1x16xf32> to vector<16xf32>
        %swap3A_313 = vector.shape_cast %mul3A_308 : vector<16xf32> to vector<1x16xf32>
        tpu.vector_store %arg9[%swap3A_309, %swap3A_310], %swap3A_313 {add = true, strides = array<i32>} : memref<32x512xf32, #tpu.memory_space<vmem>>, vector<1x16xf32>,
        %get3A_314 = arith.index_cast %scan3A_103 : i32 to index
        %get3A_315 = arith.constant 336 : index
        %get3A_316 = tpu.vector_load %arg11[%get3A_314, %get3A_315] {strides = array<i32>} : memref<32x512xf32, #tpu.memory_space<vmem>>, vector<1x16xf32>,
        %get3A_317 = vector.shape_cast %get3A_316 : vector<1x16xf32> to vector<16xf32>
        %mul3A_318 = arith.mulf %get3A_317, %get3A_89 : vector<16xf32>
        %swap3A_319 = arith.index_cast %scan3A_103 : i32 to index
        %swap3A_320 = arith.constant 336 : index
        %swap3A_321 = tpu.vector_load %arg9[%swap3A_319, %swap3A_320] {strides = array<i32>} : memref<32x512xf32, #tpu.memory_space<vmem>>, vector<1x16xf32>,
        %swap3A_322 = vector.shape_cast %swap3A_321 : vector<1x16xf32> to vector<16xf32>
        %swap3A_323 = vector.shape_cast %mul3A_318 : vector<16xf32> to vector<1x16xf32>
        tpu.vector_store %arg9[%swap3A_319, %swap3A_320], %swap3A_323 {add = true, strides = array<i32>} : memref<32x512xf32, #tpu.memory_space<vmem>>, vector<1x16xf32>,
        %get3A_324 = arith.index_cast %scan3A_103 : i32 to index
        %get3A_325 = arith.constant 352 : index
        %get3A_326 = tpu.vector_load %arg11[%get3A_324, %get3A_325] {strides = array<i32>} : memref<32x512xf32, #tpu.memory_space<vmem>>, vector<1x16xf32>,
        %get3A_327 = vector.shape_cast %get3A_326 : vector<1x16xf32> to vector<16xf32>
        %mul3A_328 = arith.mulf %get3A_327, %get3A_89 : vector<16xf32>
        %swap3A_329 = arith.index_cast %scan3A_103 : i32 to index
        %swap3A_330 = arith.constant 352 : index
        %swap3A_331 = tpu.vector_load %arg9[%swap3A_329, %swap3A_330] {strides = array<i32>} : memref<32x512xf32, #tpu.memory_space<vmem>>, vector<1x16xf32>,
        %swap3A_332 = vector.shape_cast %swap3A_331 : vector<1x16xf32> to vector<16xf32>
        %swap3A_333 = vector.shape_cast %mul3A_328 : vector<16xf32> to vector<1x16xf32>
        tpu.vector_store %arg9[%swap3A_329, %swap3A_330], %swap3A_333 {add = true, strides = array<i32>} : memref<32x512xf32, #tpu.memory_space<vmem>>, vector<1x16xf32>,
        %get3A_334 = arith.index_cast %scan3A_103 : i32 to index
        %get3A_335 = arith.constant 368 : index
        %get3A_336 = tpu.vector_load %arg11[%get3A_334, %get3A_335] {strides = array<i32>} : memref<32x512xf32, #tpu.memory_space<vmem>>, vector<1x16xf32>,
        %get3A_337 = vector.shape_cast %get3A_336 : vector<1x16xf32> to vector<16xf32>
        %mul3A_338 = arith.mulf %get3A_337, %get3A_89 : vector<16xf32>
        %swap3A_339 = arith.index_cast %scan3A_103 : i32 to index
        %swap3A_340 = arith.constant 368 : index
        %swap3A_341 = tpu.vector_load %arg9[%swap3A_339, %swap3A_340] {strides = array<i32>} : memref<32x512xf32, #tpu.memory_space<vmem>>, vector<1x16xf32>,
        %swap3A_342 = vector.shape_cast %swap3A_341 : vector<1x16xf32> to vector<16xf32>
        %swap3A_343 = vector.shape_cast %mul3A_338 : vector<16xf32> to vector<1x16xf32>
        tpu.vector_store %arg9[%swap3A_339, %swap3A_340], %swap3A_343 {add = true, strides = array<i32>} : memref<32x512xf32, #tpu.memory_space<vmem>>, vector<1x16xf32>,
        %get3A_344 = arith.index_cast %scan3A_103 : i32 to index
        %get3A_345 = arith.constant 384 : index
        %get3A_346 = tpu.vector_load %arg11[%get3A_344, %get3A_345] {strides = array<i32>} : memref<32x512xf32, #tpu.memory_space<vmem>>, vector<1x16xf32>,
        %get3A_347 = vector.shape_cast %get3A_346 : vector<1x16xf32> to vector<16xf32>
        %mul3A_348 = arith.mulf %get3A_347, %get3A_89 : vector<16xf32>
        %swap3A_349 = arith.index_cast %scan3A_103 : i32 to index
        %swap3A_350 = arith.constant 384 : index
        %swap3A_351 = tpu.vector_load %arg9[%swap3A_349, %swap3A_350] {strides = array<i32>} : memref<32x512xf32, #tpu.memory_space<vmem>>, vector<1x16xf32>,
        %swap3A_352 = vector.shape_cast %swap3A_351 : vector<1x16xf32> to vector<16xf32>
        %swap3A_353 = vector.shape_cast %mul3A_348 : vector<16xf32> to vector<1x16xf32>
        tpu.vector_store %arg9[%swap3A_349, %swap3A_350], %swap3A_353 {add = true, strides = array<i32>} : memref<32x512xf32, #tpu.memory_space<vmem>>, vector<1x16xf32>,
        %get3A_354 = arith.index_cast %scan3A_103 : i32 to index
        %get3A_355 = arith.constant 400 : index
        %get3A_356 = tpu.vector_load %arg11[%get3A_354, %get3A_355] {strides = array<i32>} : memref<32x512xf32, #tpu.memory_space<vmem>>, vector<1x16xf32>,
        %get3A_357 = vector.shape_cast %get3A_356 : vector<1x16xf32> to vector<16xf32>
        %mul3A_358 = arith.mulf %get3A_357, %get3A_89 : vector<16xf32>
        %swap3A_359 = arith.index_cast %scan3A_103 : i32 to index
        %swap3A_360 = arith.constant 400 : index
        %swap3A_361 = tpu.vector_load %arg9[%swap3A_359, %swap3A_360] {strides = array<i32>} : memref<32x512xf32, #tpu.memory_space<vmem>>, vector<1x16xf32>,
        %swap3A_362 = vector.shape_cast %swap3A_361 : vector<1x16xf32> to vector<16xf32>
        %swap3A_363 = vector.shape_cast %mul3A_358 : vector<16xf32> to vector<1x16xf32>
        tpu.vector_store %arg9[%swap3A_359, %swap3A_360], %swap3A_363 {add = true, strides = array<i32>} : memref<32x512xf32, #tpu.memory_space<vmem>>, vector<1x16xf32>,
        %get3A_364 = arith.index_cast %scan3A_103 : i32 to index
        %get3A_365 = arith.constant 416 : index
        %get3A_366 = tpu.vector_load %arg11[%get3A_364, %get3A_365] {strides = array<i32>} : memref<32x512xf32, #tpu.memory_space<vmem>>, vector<1x16xf32>,
        %get3A_367 = vector.shape_cast %get3A_366 : vector<1x16xf32> to vector<16xf32>
        %mul3A_368 = arith.mulf %get3A_367, %get3A_89 : vector<16xf32>
        %swap3A_369 = arith.index_cast %scan3A_103 : i32 to index
        %swap3A_370 = arith.constant 416 : index
        %swap3A_371 = tpu.vector_load %arg9[%swap3A_369, %swap3A_370] {strides = array<i32>} : memref<32x512xf32, #tpu.memory_space<vmem>>, vector<1x16xf32>,
        %swap3A_372 = vector.shape_cast %swap3A_371 : vector<1x16xf32> to vector<16xf32>
        %swap3A_373 = vector.shape_cast %mul3A_368 : vector<16xf32> to vector<1x16xf32>
        tpu.vector_store %arg9[%swap3A_369, %swap3A_370], %swap3A_373 {add = true, strides = array<i32>} : memref<32x512xf32, #tpu.memory_space<vmem>>, vector<1x16xf32>,
        %get3A_374 = arith.index_cast %scan3A_103 : i32 to index
        %get3A_375 = arith.constant 432 : index
        %get3A_376 = tpu.vector_load %arg11[%get3A_374, %get3A_375] {strides = array<i32>} : memref<32x512xf32, #tpu.memory_space<vmem>>, vector<1x16xf32>,
        %get3A_377 = vector.shape_cast %get3A_376 : vector<1x16xf32> to vector<16xf32>
        %mul3A_378 = arith.mulf %get3A_377, %get3A_89 : vector<16xf32>
        %swap3A_379 = arith.index_cast %scan3A_103 : i32 to index
        %swap3A_380 = arith.constant 432 : index
        %swap3A_381 = tpu.vector_load %arg9[%swap3A_379, %swap3A_380] {strides = array<i32>} : memref<32x512xf32, #tpu.memory_space<vmem>>, vector<1x16xf32>,
        %swap3A_382 = vector.shape_cast %swap3A_381 : vector<1x16xf32> to vector<16xf32>
        %swap3A_383 = vector.shape_cast %mul3A_378 : vector<16xf32> to vector<1x16xf32>
        tpu.vector_store %arg9[%swap3A_379, %swap3A_380], %swap3A_383 {add = true, strides = array<i32>} : memref<32x512xf32, #tpu.memory_space<vmem>>, vector<1x16xf32>,
        %get3A_384 = arith.index_cast %scan3A_103 : i32 to index
        %get3A_385 = arith.constant 448 : index
        %get3A_386 = tpu.vector_load %arg11[%get3A_384, %get3A_385] {strides = array<i32>} : memref<32x512xf32, #tpu.memory_space<vmem>>, vector<1x16xf32>,
        %get3A_387 = vector.shape_cast %get3A_386 : vector<1x16xf32> to vector<16xf32>
        %mul3A_388 = arith.mulf %get3A_387, %get3A_89 : vector<16xf32>
        %swap3A_389 = arith.index_cast %scan3A_103 : i32 to index
        %swap3A_390 = arith.constant 448 : index
        %swap3A_391 = tpu.vector_load %arg9[%swap3A_389, %swap3A_390] {strides = array<i32>} : memref<32x512xf32, #tpu.memory_space<vmem>>, vector<1x16xf32>,
        %swap3A_392 = vector.shape_cast %swap3A_391 : vector<1x16xf32> to vector<16xf32>
        %swap3A_393 = vector.shape_cast %mul3A_388 : vector<16xf32> to vector<1x16xf32>
        tpu.vector_store %arg9[%swap3A_389, %swap3A_390], %swap3A_393 {add = true, strides = array<i32>} : memref<32x512xf32, #tpu.memory_space<vmem>>, vector<1x16xf32>,
        %get3A_394 = arith.index_cast %scan3A_103 : i32 to index
        %get3A_395 = arith.constant 464 : index
        %get3A_396 = tpu.vector_load %arg11[%get3A_394, %get3A_395] {strides = array<i32>} : memref<32x512xf32, #tpu.memory_space<vmem>>, vector<1x16xf32>,
        %get3A_397 = vector.shape_cast %get3A_396 : vector<1x16xf32> to vector<16xf32>
        %mul3A_398 = arith.mulf %get3A_397, %get3A_89 : vector<16xf32>
        %swap3A_399 = arith.index_cast %scan3A_103 : i32 to index
        %swap3A_400 = arith.constant 464 : index
        %swap3A_401 = tpu.vector_load %arg9[%swap3A_399, %swap3A_400] {strides = array<i32>} : memref<32x512xf32, #tpu.memory_space<vmem>>, vector<1x16xf32>,
        %swap3A_402 = vector.shape_cast %swap3A_401 : vector<1x16xf32> to vector<16xf32>
        %swap3A_403 = vector.shape_cast %mul3A_398 : vector<16xf32> to vector<1x16xf32>
        tpu.vector_store %arg9[%swap3A_399, %swap3A_400], %swap3A_403 {add = true, strides = array<i32>} : memref<32x512xf32, #tpu.memory_space<vmem>>, vector<1x16xf32>,
        %get3A_404 = arith.index_cast %scan3A_103 : i32 to index
        %get3A_405 = arith.constant 480 : index
        %get3A_406 = tpu.vector_load %arg11[%get3A_404, %get3A_405] {strides = array<i32>} : memref<32x512xf32, #tpu.memory_space<vmem>>, vector<1x16xf32>,
        %get3A_407 = vector.shape_cast %get3A_406 : vector<1x16xf32> to vector<16xf32>
        %mul3A_408 = arith.mulf %get3A_407, %get3A_89 : vector<16xf32>
        %swap3A_409 = arith.index_cast %scan3A_103 : i32 to index
        %swap3A_410 = arith.constant 480 : index
        %swap3A_411 = tpu.vector_load %arg9[%swap3A_409, %swap3A_410] {strides = array<i32>} : memref<32x512xf32, #tpu.memory_space<vmem>>, vector<1x16xf32>,
        %swap3A_412 = vector.shape_cast %swap3A_411 : vector<1x16xf32> to vector<16xf32>
        %swap3A_413 = vector.shape_cast %mul3A_408 : vector<16xf32> to vector<1x16xf32>
        tpu.vector_store %arg9[%swap3A_409, %swap3A_410], %swap3A_413 {add = true, strides = array<i32>} : memref<32x512xf32, #tpu.memory_space<vmem>>, vector<1x16xf32>,
        %get3A_414 = arith.index_cast %scan3A_103 : i32 to index
        %get3A_415 = arith.constant 496 : index
        %get3A_416 = tpu.vector_load %arg11[%get3A_414, %get3A_415] {strides = array<i32>} : memref<32x512xf32, #tpu.memory_space<vmem>>, vector<1x16xf32>,
        %get3A_417 = vector.shape_cast %get3A_416 : vector<1x16xf32> to vector<16xf32>
        %mul3A_418 = arith.mulf %get3A_417, %get3A_89 : vector<16xf32>
        %swap3A_419 = arith.index_cast %scan3A_103 : i32 to index
        %swap3A_420 = arith.constant 496 : index
        %swap3A_421 = tpu.vector_load %arg9[%swap3A_419, %swap3A_420] {strides = array<i32>} : memref<32x512xf32, #tpu.memory_space<vmem>>, vector<1x16xf32>,
        %swap3A_422 = vector.shape_cast %swap3A_421 : vector<1x16xf32> to vector<16xf32>
        %swap3A_423 = vector.shape_cast %mul3A_418 : vector<16xf32> to vector<1x16xf32>
        tpu.vector_store %arg9[%swap3A_419, %swap3A_420], %swap3A_423 {add = true, strides = array<i32>} : memref<32x512xf32, #tpu.memory_space<vmem>>, vector<1x16xf32>,
        %scan3A_424 = arith.constant 0 : i32
        scf.yield %scan3A_424 : i32
      }
      %scan3A_96 = arith.constant 32 : i32
      %lt3A_97 = arith.constant 24 : i32
      %lt3A_98 = arith.cmpi slt, %scan3A_52, %lt3A_97 : i32
      %convert_element_type3A_99 = arith.extui %lt3A_98 : i1 to i32
      %cond3A_100 = arith.constant 0 : i32
      %cond3A_101 = arith.cmpi ne, %convert_element_type3A_99, %cond3A_100 : i32
      scf.if %cond3A_101 {
        %add3A_103 = arith.constant 3 : i32
        %add3A_104 = arith.addi %mul3A_55, %add3A_103 : i32
        %dma_start3A_105 = arith.constant 0 : i32
        %dma_start3A_106 = tpu.memref_slice %arg7[%add3A_104, %dma_start3A_105] : memref<50x32xi32, #tpu.memory_space<vmem>> -> memref<1x32xi32, #tpu.memory_space<vmem>>
        %dma_start3A_107 = tpu.memref_squeeze %dma_start3A_106 : memref<1x32xi32, #tpu.memory_space<vmem>> -> memref<32xi32, #tpu.memory_space<vmem>>
        %dma_start3A_108 = arith.constant 0 : i32
        %dma_start3A_109 = arith.constant 0 : i32
        %dma_start3A_110 = tpu.memref_slice %arg2[%dma_start3A_108, %dma_start3A_109] : memref<100864x512xf32, #tpu.memory_space<hbm>> -> memref<100864x512xf32, #tpu.memory_space<hbm>>
        tpu.enqueue_indirect_dma source(%dma_start3A_110 : memref<100864x512xf32, #tpu.memory_space<hbm>>) target(%arg11 : memref<32x512xf32, #tpu.memory_space<vmem>>) offsets(%dma_start3A_107 : memref<32xi32, #tpu.memory_space<vmem>>) semaphore(%arg13 : memref<!tpu.dma_semaphore, #tpu.memory_space<semaphore_mem>>)
      } else {
      }
      %scan3A_102 = arith.constant 0 : i32
      scf.yield %scan3A_102 : i32
    }
    %scan3A_49 = arith.constant 25 : i32
    %mul3A_50 = arith.constant 32 : i32
    %mul3A_51 = arith.muli %sub3A_19, %mul3A_50 : i32
    "tpu.region"() ({
      %run_scoped3A = tpu.sem_alloc : memref<!tpu.dma_semaphore, #tpu.memory_space<semaphore_mem>>
      %dma_start3A_52 = arith.constant 0 : i32
      %dma_start3A_53 = tpu.memref_slice %arg6[%select_n3A, %mul3A_51, %dma_start3A_52] : memref<16x64x512xf32, #tpu.memory_space<hbm>> -> memref<1x32x512xf32, #tpu.memory_space<hbm>>
      %dma_start3A_54 = tpu.memref_squeeze %dma_start3A_53 : memref<1x32x512xf32, #tpu.memory_space<hbm>> -> memref<32x512xf32, #tpu.memory_space<hbm>>
      %dma_start3A_55 = arith.constant 0 : i32
      %dma_start3A_56 = tpu.memref_slice %arg6[%select_n3A, %mul3A_51, %dma_start3A_55] : memref<16x64x512xf32, #tpu.memory_space<hbm>> -> memref<1x32x512xf32, #tpu.memory_space<hbm>>
      %dma_start3A_57 = tpu.memref_squeeze %dma_start3A_56 : memref<1x32x512xf32, #tpu.memory_space<hbm>> -> memref<32x512xf32, #tpu.memory_space<hbm>>
      tpu.enqueue_dma source(%arg9 : memref<32x512xf32, #tpu.memory_space<vmem>>) target(%dma_start3A_57 : memref<32x512xf32, #tpu.memory_space<hbm>>) target_semaphore(%run_scoped3A : memref<!tpu.dma_semaphore, #tpu.memory_space<semaphore_mem>>)
      %dma_wait3A = arith.constant 0 : i32
      %dma_wait3A_58 = tpu.memref_slice %arg6[%select_n3A, %mul3A_51, %dma_wait3A] : memref<16x64x512xf32, #tpu.memory_space<hbm>> -> memref<1x32x512xf32, #tpu.memory_space<hbm>>
      %dma_wait3A_59 = tpu.memref_squeeze %dma_wait3A_58 : memref<1x32x512xf32, #tpu.memory_space<hbm>> -> memref<32x512xf32, #tpu.memory_space<hbm>>
      %dma_wait3A_60 = arith.constant 0 : i32
      %dma_wait3A_61 = tpu.memref_slice %arg6[%select_n3A, %mul3A_51, %dma_wait3A_60] : memref<16x64x512xf32, #tpu.memory_space<hbm>> -> memref<1x32x512xf32, #tpu.memory_space<hbm>>
      %dma_wait3A_62 = tpu.memref_squeeze %dma_wait3A_61 : memref<1x32x512xf32, #tpu.memory_space<hbm>> -> memref<32x512xf32, #tpu.memory_space<hbm>>
      tpu.wait_dma2 semaphore(%run_scoped3A : memref<!tpu.dma_semaphore, #tpu.memory_space<semaphore_mem>>) src(%arg9 : memref<32x512xf32, #tpu.memory_space<vmem>>) dst(%dma_wait3A_62 : memref<32x512xf32, #tpu.memory_space<hbm>>)
      tpu.yield
    }) : () -> ()
    return
  }
}

module attributes {stable_mosaic.version = 14 : i64} {
  func.func @_tc_body(%arg0: memref<32x512xf32, #tpu.memory_space<vmem>>, %arg1: memref<1576x512xf32, #tpu.memory_space<vmem>>, %arg2: memref<1xf32, #tpu.memory_space<smem>>, %arg3: memref<32x50xi32, #tpu.memory_space<vmem>>, %arg4: memref<32x64xf32, #tpu.memory_space<vmem>>, %arg5: memref<32x50x64xi32, #tpu.memory_space<vmem>>, %arg6: memref<32x64x16xf32, #tpu.memory_space<vmem>>) attributes {dimension_semantics = [], scalar_prefetch = 0 : i64, scratch_operands = 0 : i64, tpu.core_type = #tpu.core_type<tc>} {
    %get3A = arith.constant 0 : index
    %get3A_0 = arith.constant 0 : index
    %get3A_1 = vector.load %arg0[%get3A, %get3A_0] : memref<32x512xf32, #tpu.memory_space<vmem>>, vector<32x512xf32>
    %get3A_2 = arith.constant 0 : index
    %get3A_3 = arith.constant 0 : index
    %get3A_4 = vector.load %arg1[%get3A_2, %get3A_3] : memref<1576x512xf32, #tpu.memory_space<vmem>>, vector<1576x512xf32>
    %mul3A = arith.mulf %get3A_1, %get3A_1 : vector<32x512xf32>
    %reduce_sum3A = arith.constant dense<0.000000e+00> : vector<32xf32>
    %reduce_sum3A_5 = vector.multi_reduction <add>, %mul3A, %reduce_sum3A [1] : vector<32x512xf32> to vector<32xf32>
    %broadcast_in_dim3A = vector.shape_cast %reduce_sum3A_5 : vector<32xf32> to vector<32x1xf32>
    %sqrt3A = math.sqrt %broadcast_in_dim3A : vector<32x1xf32>
    %max3A = arith.constant 9.99999993E-9 : f32
    %max3A_6 = vector.broadcast %max3A : f32 to vector<32x1xf32>
    %max3A_7 = arith.maximumf %sqrt3A, %max3A_6 : vector<32x1xf32>
    %mul3A_8 = arith.mulf %get3A_4, %get3A_4 : vector<1576x512xf32>
    %reduce_sum3A_9 = arith.constant dense<0.000000e+00> : vector<1576xf32>
    %reduce_sum3A_10 = vector.multi_reduction <add>, %mul3A_8, %reduce_sum3A_9 [1] : vector<1576x512xf32> to vector<1576xf32>
    %broadcast_in_dim3A_11 = vector.shape_cast %reduce_sum3A_10 : vector<1576xf32> to vector<1576x1xf32>
    %sqrt3A_12 = math.sqrt %broadcast_in_dim3A_11 : vector<1576x1xf32>
    %max3A_13 = arith.constant 9.99999993E-9 : f32
    %max3A_14 = vector.broadcast %max3A_13 : f32 to vector<1576x1xf32>
    %max3A_15 = arith.maximumf %sqrt3A_12, %max3A_14 : vector<1576x1xf32>
    %div3A = vector.broadcast %max3A_7 : vector<32x1xf32> to vector<32x512xf32>
    %div3A_16 = arith.divf %get3A_1, %div3A : vector<32x512xf32>
    %div3A_17 = vector.broadcast %max3A_15 : vector<1576x1xf32> to vector<1576x512xf32>
    %div3A_18 = arith.divf %get3A_4, %div3A_17 : vector<1576x512xf32>
    %dot_general3A = arith.constant dense<0.000000e+00> : vector<32x1576xf32>
    %dot_general3A_19 = tpu.matmul %div3A_16, %div3A_18, %dot_general3A {dimension_numbers = #tpu.dot_dimension_numbers<[1], [1], [0], [0], [0, 0, 1, 0], [], []>, precision = #tpu.contract_precision<fp32>, transpose_lhs_hint = false} : vector<32x512xf32>, vector<1576x512xf32>, vector<32x1576xf32> -> vector<32x1576xf32>
    %iota3A = tpu.iota {dimensions = array<i32: 1>} : vector<32x1576xi32>
    %reduce_max3A = arith.constant dense<0xFF800000> : vector<32xf32>
    %reduce_max3A_20 = vector.multi_reduction <maximumf>, %dot_general3A_19, %reduce_max3A [1] : vector<32x1576xf32> to vector<32xf32>
    %broadcast_in_dim3A_21 = vector.shape_cast %reduce_max3A_20 : vector<32xf32> to vector<32x1xf32>
    %ge3A = vector.broadcast %broadcast_in_dim3A_21 : vector<32x1xf32> to vector<32x1576xf32>
    %ge3A_22 = arith.cmpf oge, %dot_general3A_19, %ge3A : vector<32x1576xf32>
    %jit3A = arith.constant 1576 : i32
    %broadcast_in_dim3A_23 = vector.broadcast %jit3A : i32 to vector<32x1576xi32>
    %select_n3A = arith.select %ge3A_22, %iota3A, %broadcast_in_dim3A_23 : vector<32x1576xi1>, vector<32x1576xi32>
    %reduce_min3A = arith.constant dense<2147483647> : vector<32xi32>
    %reduce_min3A_24 = vector.multi_reduction <minsi>, %select_n3A, %reduce_min3A [1] : vector<32x1576xi32> to vector<32xi32>
    %broadcast_in_dim3A_25 = vector.shape_cast %reduce_min3A_24 : vector<32xi32> to vector<32x1xi32>
    %eq3A = vector.broadcast %broadcast_in_dim3A_25 : vector<32x1xi32> to vector<32x1576xi32>
    %eq3A_26 = arith.cmpi eq, %iota3A, %eq3A : vector<32x1576xi32>
    %jit3A_27 = arith.constant 0xFF800000 : f32
    %broadcast_in_dim3A_28 = vector.broadcast %jit3A_27 : f32 to vector<32x1576xf32>
    %select_n3A_29 = arith.select %eq3A_26, %broadcast_in_dim3A_28, %dot_general3A_19 : vector<32x1576xi1>, vector<32x1576xf32>
    %reduce_max3A_30 = arith.constant dense<0xFF800000> : vector<32xf32>
    %reduce_max3A_31 = vector.multi_reduction <maximumf>, %select_n3A_29, %reduce_max3A_30 [1] : vector<32x1576xf32> to vector<32xf32>
    %broadcast_in_dim3A_32 = vector.shape_cast %reduce_max3A_31 : vector<32xf32> to vector<32x1xf32>
    %ge3A_33 = vector.broadcast %broadcast_in_dim3A_32 : vector<32x1xf32> to vector<32x1576xf32>
    %ge3A_34 = arith.cmpf oge, %select_n3A_29, %ge3A_33 : vector<32x1576xf32>
    %jit3A_35 = arith.constant 1576 : i32
    %broadcast_in_dim3A_36 = vector.broadcast %jit3A_35 : i32 to vector<32x1576xi32>
    %select_n3A_37 = arith.select %ge3A_34, %iota3A, %broadcast_in_dim3A_36 : vector<32x1576xi1>, vector<32x1576xi32>
    %reduce_min3A_38 = arith.constant dense<2147483647> : vector<32xi32>
    %reduce_min3A_39 = vector.multi_reduction <minsi>, %select_n3A_37, %reduce_min3A_38 [1] : vector<32x1576xi32> to vector<32xi32>
    %broadcast_in_dim3A_40 = vector.shape_cast %reduce_min3A_39 : vector<32xi32> to vector<32x1xi32>
    %eq3A_41 = vector.broadcast %broadcast_in_dim3A_40 : vector<32x1xi32> to vector<32x1576xi32>
    %eq3A_42 = arith.cmpi eq, %iota3A, %eq3A_41 : vector<32x1576xi32>
    %jit3A_43 = arith.constant 0xFF800000 : f32
    %broadcast_in_dim3A_44 = vector.broadcast %jit3A_43 : f32 to vector<32x1576xf32>
    %select_n3A_45 = arith.select %eq3A_42, %broadcast_in_dim3A_44, %select_n3A_29 : vector<32x1576xi1>, vector<32x1576xf32>
    %reduce_max3A_46 = arith.constant dense<0xFF800000> : vector<32xf32>
    %reduce_max3A_47 = vector.multi_reduction <maximumf>, %select_n3A_45, %reduce_max3A_46 [1] : vector<32x1576xf32> to vector<32xf32>
    %broadcast_in_dim3A_48 = vector.shape_cast %reduce_max3A_47 : vector<32xf32> to vector<32x1xf32>
    %ge3A_49 = vector.broadcast %broadcast_in_dim3A_48 : vector<32x1xf32> to vector<32x1576xf32>
    %ge3A_50 = arith.cmpf oge, %select_n3A_45, %ge3A_49 : vector<32x1576xf32>
    %jit3A_51 = arith.constant 1576 : i32
    %broadcast_in_dim3A_52 = vector.broadcast %jit3A_51 : i32 to vector<32x1576xi32>
    %select_n3A_53 = arith.select %ge3A_50, %iota3A, %broadcast_in_dim3A_52 : vector<32x1576xi1>, vector<32x1576xi32>
    %reduce_min3A_54 = arith.constant dense<2147483647> : vector<32xi32>
    %reduce_min3A_55 = vector.multi_reduction <minsi>, %select_n3A_53, %reduce_min3A_54 [1] : vector<32x1576xi32> to vector<32xi32>
    %broadcast_in_dim3A_56 = vector.shape_cast %reduce_min3A_55 : vector<32xi32> to vector<32x1xi32>
    %eq3A_57 = vector.broadcast %broadcast_in_dim3A_56 : vector<32x1xi32> to vector<32x1576xi32>
    %eq3A_58 = arith.cmpi eq, %iota3A, %eq3A_57 : vector<32x1576xi32>
    %jit3A_59 = arith.constant 0xFF800000 : f32
    %broadcast_in_dim3A_60 = vector.broadcast %jit3A_59 : f32 to vector<32x1576xf32>
    %select_n3A_61 = arith.select %eq3A_58, %broadcast_in_dim3A_60, %select_n3A_45 : vector<32x1576xi1>, vector<32x1576xf32>
    %reduce_max3A_62 = arith.constant dense<0xFF800000> : vector<32xf32>
    %reduce_max3A_63 = vector.multi_reduction <maximumf>, %select_n3A_61, %reduce_max3A_62 [1] : vector<32x1576xf32> to vector<32xf32>
    %broadcast_in_dim3A_64 = vector.shape_cast %reduce_max3A_63 : vector<32xf32> to vector<32x1xf32>
    %ge3A_65 = vector.broadcast %broadcast_in_dim3A_64 : vector<32x1xf32> to vector<32x1576xf32>
    %ge3A_66 = arith.cmpf oge, %select_n3A_61, %ge3A_65 : vector<32x1576xf32>
    %jit3A_67 = arith.constant 1576 : i32
    %broadcast_in_dim3A_68 = vector.broadcast %jit3A_67 : i32 to vector<32x1576xi32>
    %select_n3A_69 = arith.select %ge3A_66, %iota3A, %broadcast_in_dim3A_68 : vector<32x1576xi1>, vector<32x1576xi32>
    %reduce_min3A_70 = arith.constant dense<2147483647> : vector<32xi32>
    %reduce_min3A_71 = vector.multi_reduction <minsi>, %select_n3A_69, %reduce_min3A_70 [1] : vector<32x1576xi32> to vector<32xi32>
    %broadcast_in_dim3A_72 = vector.shape_cast %reduce_min3A_71 : vector<32xi32> to vector<32x1xi32>
    %eq3A_73 = vector.broadcast %broadcast_in_dim3A_72 : vector<32x1xi32> to vector<32x1576xi32>
    %eq3A_74 = arith.cmpi eq, %iota3A, %eq3A_73 : vector<32x1576xi32>
    %jit3A_75 = arith.constant 0xFF800000 : f32
    %broadcast_in_dim3A_76 = vector.broadcast %jit3A_75 : f32 to vector<32x1576xf32>
    %select_n3A_77 = arith.select %eq3A_74, %broadcast_in_dim3A_76, %select_n3A_61 : vector<32x1576xi1>, vector<32x1576xf32>
    %reduce_max3A_78 = arith.constant dense<0xFF800000> : vector<32xf32>
    %reduce_max3A_79 = vector.multi_reduction <maximumf>, %select_n3A_77, %reduce_max3A_78 [1] : vector<32x1576xf32> to vector<32xf32>
    %broadcast_in_dim3A_80 = vector.shape_cast %reduce_max3A_79 : vector<32xf32> to vector<32x1xf32>
    %ge3A_81 = vector.broadcast %broadcast_in_dim3A_80 : vector<32x1xf32> to vector<32x1576xf32>
    %ge3A_82 = arith.cmpf oge, %select_n3A_77, %ge3A_81 : vector<32x1576xf32>
    %jit3A_83 = arith.constant 1576 : i32
    %broadcast_in_dim3A_84 = vector.broadcast %jit3A_83 : i32 to vector<32x1576xi32>
    %select_n3A_85 = arith.select %ge3A_82, %iota3A, %broadcast_in_dim3A_84 : vector<32x1576xi1>, vector<32x1576xi32>
    %reduce_min3A_86 = arith.constant dense<2147483647> : vector<32xi32>
    %reduce_min3A_87 = vector.multi_reduction <minsi>, %select_n3A_85, %reduce_min3A_86 [1] : vector<32x1576xi32> to vector<32xi32>
    %broadcast_in_dim3A_88 = vector.shape_cast %reduce_min3A_87 : vector<32xi32> to vector<32x1xi32>
    %eq3A_89 = vector.broadcast %broadcast_in_dim3A_88 : vector<32x1xi32> to vector<32x1576xi32>
    %eq3A_90 = arith.cmpi eq, %iota3A, %eq3A_89 : vector<32x1576xi32>
    %jit3A_91 = arith.constant 0xFF800000 : f32
    %broadcast_in_dim3A_92 = vector.broadcast %jit3A_91 : f32 to vector<32x1576xf32>
    %select_n3A_93 = arith.select %eq3A_90, %broadcast_in_dim3A_92, %select_n3A_77 : vector<32x1576xi1>, vector<32x1576xf32>
    %reduce_max3A_94 = arith.constant dense<0xFF800000> : vector<32xf32>
    %reduce_max3A_95 = vector.multi_reduction <maximumf>, %select_n3A_93, %reduce_max3A_94 [1] : vector<32x1576xf32> to vector<32xf32>
    %broadcast_in_dim3A_96 = vector.shape_cast %reduce_max3A_95 : vector<32xf32> to vector<32x1xf32>
    %ge3A_97 = vector.broadcast %broadcast_in_dim3A_96 : vector<32x1xf32> to vector<32x1576xf32>
    %ge3A_98 = arith.cmpf oge, %select_n3A_93, %ge3A_97 : vector<32x1576xf32>
    %jit3A_99 = arith.constant 1576 : i32
    %broadcast_in_dim3A_100 = vector.broadcast %jit3A_99 : i32 to vector<32x1576xi32>
    %select_n3A_101 = arith.select %ge3A_98, %iota3A, %broadcast_in_dim3A_100 : vector<32x1576xi1>, vector<32x1576xi32>
    %reduce_min3A_102 = arith.constant dense<2147483647> : vector<32xi32>
    %reduce_min3A_103 = vector.multi_reduction <minsi>, %select_n3A_101, %reduce_min3A_102 [1] : vector<32x1576xi32> to vector<32xi32>
    %broadcast_in_dim3A_104 = vector.shape_cast %reduce_min3A_103 : vector<32xi32> to vector<32x1xi32>
    %eq3A_105 = vector.broadcast %broadcast_in_dim3A_104 : vector<32x1xi32> to vector<32x1576xi32>
    %eq3A_106 = arith.cmpi eq, %iota3A, %eq3A_105 : vector<32x1576xi32>
    %jit3A_107 = arith.constant 0xFF800000 : f32
    %broadcast_in_dim3A_108 = vector.broadcast %jit3A_107 : f32 to vector<32x1576xf32>
    %select_n3A_109 = arith.select %eq3A_106, %broadcast_in_dim3A_108, %select_n3A_93 : vector<32x1576xi1>, vector<32x1576xf32>
    %reduce_max3A_110 = arith.constant dense<0xFF800000> : vector<32xf32>
    %reduce_max3A_111 = vector.multi_reduction <maximumf>, %select_n3A_109, %reduce_max3A_110 [1] : vector<32x1576xf32> to vector<32xf32>
    %broadcast_in_dim3A_112 = vector.shape_cast %reduce_max3A_111 : vector<32xf32> to vector<32x1xf32>
    %ge3A_113 = vector.broadcast %broadcast_in_dim3A_112 : vector<32x1xf32> to vector<32x1576xf32>
    %ge3A_114 = arith.cmpf oge, %select_n3A_109, %ge3A_113 : vector<32x1576xf32>
    %jit3A_115 = arith.constant 1576 : i32
    %broadcast_in_dim3A_116 = vector.broadcast %jit3A_115 : i32 to vector<32x1576xi32>
    %select_n3A_117 = arith.select %ge3A_114, %iota3A, %broadcast_in_dim3A_116 : vector<32x1576xi1>, vector<32x1576xi32>
    %reduce_min3A_118 = arith.constant dense<2147483647> : vector<32xi32>
    %reduce_min3A_119 = vector.multi_reduction <minsi>, %select_n3A_117, %reduce_min3A_118 [1] : vector<32x1576xi32> to vector<32xi32>
    %broadcast_in_dim3A_120 = vector.shape_cast %reduce_min3A_119 : vector<32xi32> to vector<32x1xi32>
    %eq3A_121 = vector.broadcast %broadcast_in_dim3A_120 : vector<32x1xi32> to vector<32x1576xi32>
    %eq3A_122 = arith.cmpi eq, %iota3A, %eq3A_121 : vector<32x1576xi32>
    %jit3A_123 = arith.constant 0xFF800000 : f32
    %broadcast_in_dim3A_124 = vector.broadcast %jit3A_123 : f32 to vector<32x1576xf32>
    %select_n3A_125 = arith.select %eq3A_122, %broadcast_in_dim3A_124, %select_n3A_109 : vector<32x1576xi1>, vector<32x1576xf32>
    %reduce_max3A_126 = arith.constant dense<0xFF800000> : vector<32xf32>
    %reduce_max3A_127 = vector.multi_reduction <maximumf>, %select_n3A_125, %reduce_max3A_126 [1] : vector<32x1576xf32> to vector<32xf32>
    %broadcast_in_dim3A_128 = vector.shape_cast %reduce_max3A_127 : vector<32xf32> to vector<32x1xf32>
    %ge3A_129 = vector.broadcast %broadcast_in_dim3A_128 : vector<32x1xf32> to vector<32x1576xf32>
    %ge3A_130 = arith.cmpf oge, %select_n3A_125, %ge3A_129 : vector<32x1576xf32>
    %jit3A_131 = arith.constant 1576 : i32
    %broadcast_in_dim3A_132 = vector.broadcast %jit3A_131 : i32 to vector<32x1576xi32>
    %select_n3A_133 = arith.select %ge3A_130, %iota3A, %broadcast_in_dim3A_132 : vector<32x1576xi1>, vector<32x1576xi32>
    %reduce_min3A_134 = arith.constant dense<2147483647> : vector<32xi32>
    %reduce_min3A_135 = vector.multi_reduction <minsi>, %select_n3A_133, %reduce_min3A_134 [1] : vector<32x1576xi32> to vector<32xi32>
    %broadcast_in_dim3A_136 = vector.shape_cast %reduce_min3A_135 : vector<32xi32> to vector<32x1xi32>
    %eq3A_137 = vector.broadcast %broadcast_in_dim3A_136 : vector<32x1xi32> to vector<32x1576xi32>
    %eq3A_138 = arith.cmpi eq, %iota3A, %eq3A_137 : vector<32x1576xi32>
    %jit3A_139 = arith.constant 0xFF800000 : f32
    %broadcast_in_dim3A_140 = vector.broadcast %jit3A_139 : f32 to vector<32x1576xf32>
    %select_n3A_141 = arith.select %eq3A_138, %broadcast_in_dim3A_140, %select_n3A_125 : vector<32x1576xi1>, vector<32x1576xf32>
    %reduce_max3A_142 = arith.constant dense<0xFF800000> : vector<32xf32>
    %reduce_max3A_143 = vector.multi_reduction <maximumf>, %select_n3A_141, %reduce_max3A_142 [1] : vector<32x1576xf32> to vector<32xf32>
    %broadcast_in_dim3A_144 = vector.shape_cast %reduce_max3A_143 : vector<32xf32> to vector<32x1xf32>
    %ge3A_145 = vector.broadcast %broadcast_in_dim3A_144 : vector<32x1xf32> to vector<32x1576xf32>
    %ge3A_146 = arith.cmpf oge, %select_n3A_141, %ge3A_145 : vector<32x1576xf32>
    %jit3A_147 = arith.constant 1576 : i32
    %broadcast_in_dim3A_148 = vector.broadcast %jit3A_147 : i32 to vector<32x1576xi32>
    %select_n3A_149 = arith.select %ge3A_146, %iota3A, %broadcast_in_dim3A_148 : vector<32x1576xi1>, vector<32x1576xi32>
    %reduce_min3A_150 = arith.constant dense<2147483647> : vector<32xi32>
    %reduce_min3A_151 = vector.multi_reduction <minsi>, %select_n3A_149, %reduce_min3A_150 [1] : vector<32x1576xi32> to vector<32xi32>
    %broadcast_in_dim3A_152 = vector.shape_cast %reduce_min3A_151 : vector<32xi32> to vector<32x1xi32>
    %eq3A_153 = vector.broadcast %broadcast_in_dim3A_152 : vector<32x1xi32> to vector<32x1576xi32>
    %eq3A_154 = arith.cmpi eq, %iota3A, %eq3A_153 : vector<32x1576xi32>
    %jit3A_155 = arith.constant 0xFF800000 : f32
    %broadcast_in_dim3A_156 = vector.broadcast %jit3A_155 : f32 to vector<32x1576xf32>
    %select_n3A_157 = arith.select %eq3A_154, %broadcast_in_dim3A_156, %select_n3A_141 : vector<32x1576xi1>, vector<32x1576xf32>
    %reduce_max3A_158 = arith.constant dense<0xFF800000> : vector<32xf32>
    %reduce_max3A_159 = vector.multi_reduction <maximumf>, %select_n3A_157, %reduce_max3A_158 [1] : vector<32x1576xf32> to vector<32xf32>
    %broadcast_in_dim3A_160 = vector.shape_cast %reduce_max3A_159 : vector<32xf32> to vector<32x1xf32>
    %ge3A_161 = vector.broadcast %broadcast_in_dim3A_160 : vector<32x1xf32> to vector<32x1576xf32>
    %ge3A_162 = arith.cmpf oge, %select_n3A_157, %ge3A_161 : vector<32x1576xf32>
    %jit3A_163 = arith.constant 1576 : i32
    %broadcast_in_dim3A_164 = vector.broadcast %jit3A_163 : i32 to vector<32x1576xi32>
    %select_n3A_165 = arith.select %ge3A_162, %iota3A, %broadcast_in_dim3A_164 : vector<32x1576xi1>, vector<32x1576xi32>
    %reduce_min3A_166 = arith.constant dense<2147483647> : vector<32xi32>
    %reduce_min3A_167 = vector.multi_reduction <minsi>, %select_n3A_165, %reduce_min3A_166 [1] : vector<32x1576xi32> to vector<32xi32>
    %broadcast_in_dim3A_168 = vector.shape_cast %reduce_min3A_167 : vector<32xi32> to vector<32x1xi32>
    %eq3A_169 = vector.broadcast %broadcast_in_dim3A_168 : vector<32x1xi32> to vector<32x1576xi32>
    %eq3A_170 = arith.cmpi eq, %iota3A, %eq3A_169 : vector<32x1576xi32>
    %jit3A_171 = arith.constant 0xFF800000 : f32
    %broadcast_in_dim3A_172 = vector.broadcast %jit3A_171 : f32 to vector<32x1576xf32>
    %select_n3A_173 = arith.select %eq3A_170, %broadcast_in_dim3A_172, %select_n3A_157 : vector<32x1576xi1>, vector<32x1576xf32>
    %reduce_max3A_174 = arith.constant dense<0xFF800000> : vector<32xf32>
    %reduce_max3A_175 = vector.multi_reduction <maximumf>, %select_n3A_173, %reduce_max3A_174 [1] : vector<32x1576xf32> to vector<32xf32>
    %broadcast_in_dim3A_176 = vector.shape_cast %reduce_max3A_175 : vector<32xf32> to vector<32x1xf32>
    %ge3A_177 = vector.broadcast %broadcast_in_dim3A_176 : vector<32x1xf32> to vector<32x1576xf32>
    %ge3A_178 = arith.cmpf oge, %select_n3A_173, %ge3A_177 : vector<32x1576xf32>
    %jit3A_179 = arith.constant 1576 : i32
    %broadcast_in_dim3A_180 = vector.broadcast %jit3A_179 : i32 to vector<32x1576xi32>
    %select_n3A_181 = arith.select %ge3A_178, %iota3A, %broadcast_in_dim3A_180 : vector<32x1576xi1>, vector<32x1576xi32>
    %reduce_min3A_182 = arith.constant dense<2147483647> : vector<32xi32>
    %reduce_min3A_183 = vector.multi_reduction <minsi>, %select_n3A_181, %reduce_min3A_182 [1] : vector<32x1576xi32> to vector<32xi32>
    %broadcast_in_dim3A_184 = vector.shape_cast %reduce_min3A_183 : vector<32xi32> to vector<32x1xi32>
    %eq3A_185 = vector.broadcast %broadcast_in_dim3A_184 : vector<32x1xi32> to vector<32x1576xi32>
    %eq3A_186 = arith.cmpi eq, %iota3A, %eq3A_185 : vector<32x1576xi32>
    %jit3A_187 = arith.constant 0xFF800000 : f32
    %broadcast_in_dim3A_188 = vector.broadcast %jit3A_187 : f32 to vector<32x1576xf32>
    %select_n3A_189 = arith.select %eq3A_186, %broadcast_in_dim3A_188, %select_n3A_173 : vector<32x1576xi1>, vector<32x1576xf32>
    %reduce_max3A_190 = arith.constant dense<0xFF800000> : vector<32xf32>
    %reduce_max3A_191 = vector.multi_reduction <maximumf>, %select_n3A_189, %reduce_max3A_190 [1] : vector<32x1576xf32> to vector<32xf32>
    %broadcast_in_dim3A_192 = vector.shape_cast %reduce_max3A_191 : vector<32xf32> to vector<32x1xf32>
    %ge3A_193 = vector.broadcast %broadcast_in_dim3A_192 : vector<32x1xf32> to vector<32x1576xf32>
    %ge3A_194 = arith.cmpf oge, %select_n3A_189, %ge3A_193 : vector<32x1576xf32>
    %jit3A_195 = arith.constant 1576 : i32
    %broadcast_in_dim3A_196 = vector.broadcast %jit3A_195 : i32 to vector<32x1576xi32>
    %select_n3A_197 = arith.select %ge3A_194, %iota3A, %broadcast_in_dim3A_196 : vector<32x1576xi1>, vector<32x1576xi32>
    %reduce_min3A_198 = arith.constant dense<2147483647> : vector<32xi32>
    %reduce_min3A_199 = vector.multi_reduction <minsi>, %select_n3A_197, %reduce_min3A_198 [1] : vector<32x1576xi32> to vector<32xi32>
    %broadcast_in_dim3A_200 = vector.shape_cast %reduce_min3A_199 : vector<32xi32> to vector<32x1xi32>
    %eq3A_201 = vector.broadcast %broadcast_in_dim3A_200 : vector<32x1xi32> to vector<32x1576xi32>
    %eq3A_202 = arith.cmpi eq, %iota3A, %eq3A_201 : vector<32x1576xi32>
    %jit3A_203 = arith.constant 0xFF800000 : f32
    %broadcast_in_dim3A_204 = vector.broadcast %jit3A_203 : f32 to vector<32x1576xf32>
    %select_n3A_205 = arith.select %eq3A_202, %broadcast_in_dim3A_204, %select_n3A_189 : vector<32x1576xi1>, vector<32x1576xf32>
    %reduce_max3A_206 = arith.constant dense<0xFF800000> : vector<32xf32>
    %reduce_max3A_207 = vector.multi_reduction <maximumf>, %select_n3A_205, %reduce_max3A_206 [1] : vector<32x1576xf32> to vector<32xf32>
    %broadcast_in_dim3A_208 = vector.shape_cast %reduce_max3A_207 : vector<32xf32> to vector<32x1xf32>
    %ge3A_209 = vector.broadcast %broadcast_in_dim3A_208 : vector<32x1xf32> to vector<32x1576xf32>
    %ge3A_210 = arith.cmpf oge, %select_n3A_205, %ge3A_209 : vector<32x1576xf32>
    %jit3A_211 = arith.constant 1576 : i32
    %broadcast_in_dim3A_212 = vector.broadcast %jit3A_211 : i32 to vector<32x1576xi32>
    %select_n3A_213 = arith.select %ge3A_210, %iota3A, %broadcast_in_dim3A_212 : vector<32x1576xi1>, vector<32x1576xi32>
    %reduce_min3A_214 = arith.constant dense<2147483647> : vector<32xi32>
    %reduce_min3A_215 = vector.multi_reduction <minsi>, %select_n3A_213, %reduce_min3A_214 [1] : vector<32x1576xi32> to vector<32xi32>
    %broadcast_in_dim3A_216 = vector.shape_cast %reduce_min3A_215 : vector<32xi32> to vector<32x1xi32>
    %eq3A_217 = vector.broadcast %broadcast_in_dim3A_216 : vector<32x1xi32> to vector<32x1576xi32>
    %eq3A_218 = arith.cmpi eq, %iota3A, %eq3A_217 : vector<32x1576xi32>
    %jit3A_219 = arith.constant 0xFF800000 : f32
    %broadcast_in_dim3A_220 = vector.broadcast %jit3A_219 : f32 to vector<32x1576xf32>
    %select_n3A_221 = arith.select %eq3A_218, %broadcast_in_dim3A_220, %select_n3A_205 : vector<32x1576xi1>, vector<32x1576xf32>
    %reduce_max3A_222 = arith.constant dense<0xFF800000> : vector<32xf32>
    %reduce_max3A_223 = vector.multi_reduction <maximumf>, %select_n3A_221, %reduce_max3A_222 [1] : vector<32x1576xf32> to vector<32xf32>
    %broadcast_in_dim3A_224 = vector.shape_cast %reduce_max3A_223 : vector<32xf32> to vector<32x1xf32>
    %ge3A_225 = vector.broadcast %broadcast_in_dim3A_224 : vector<32x1xf32> to vector<32x1576xf32>
    %ge3A_226 = arith.cmpf oge, %select_n3A_221, %ge3A_225 : vector<32x1576xf32>
    %jit3A_227 = arith.constant 1576 : i32
    %broadcast_in_dim3A_228 = vector.broadcast %jit3A_227 : i32 to vector<32x1576xi32>
    %select_n3A_229 = arith.select %ge3A_226, %iota3A, %broadcast_in_dim3A_228 : vector<32x1576xi1>, vector<32x1576xi32>
    %reduce_min3A_230 = arith.constant dense<2147483647> : vector<32xi32>
    %reduce_min3A_231 = vector.multi_reduction <minsi>, %select_n3A_229, %reduce_min3A_230 [1] : vector<32x1576xi32> to vector<32xi32>
    %broadcast_in_dim3A_232 = vector.shape_cast %reduce_min3A_231 : vector<32xi32> to vector<32x1xi32>
    %eq3A_233 = vector.broadcast %broadcast_in_dim3A_232 : vector<32x1xi32> to vector<32x1576xi32>
    %eq3A_234 = arith.cmpi eq, %iota3A, %eq3A_233 : vector<32x1576xi32>
    %jit3A_235 = arith.constant 0xFF800000 : f32
    %broadcast_in_dim3A_236 = vector.broadcast %jit3A_235 : f32 to vector<32x1576xf32>
    %select_n3A_237 = arith.select %eq3A_234, %broadcast_in_dim3A_236, %select_n3A_221 : vector<32x1576xi1>, vector<32x1576xf32>
    %reduce_max3A_238 = arith.constant dense<0xFF800000> : vector<32xf32>
    %reduce_max3A_239 = vector.multi_reduction <maximumf>, %select_n3A_237, %reduce_max3A_238 [1] : vector<32x1576xf32> to vector<32xf32>
    %broadcast_in_dim3A_240 = vector.shape_cast %reduce_max3A_239 : vector<32xf32> to vector<32x1xf32>
    %ge3A_241 = vector.broadcast %broadcast_in_dim3A_240 : vector<32x1xf32> to vector<32x1576xf32>
    %ge3A_242 = arith.cmpf oge, %select_n3A_237, %ge3A_241 : vector<32x1576xf32>
    %jit3A_243 = arith.constant 1576 : i32
    %broadcast_in_dim3A_244 = vector.broadcast %jit3A_243 : i32 to vector<32x1576xi32>
    %select_n3A_245 = arith.select %ge3A_242, %iota3A, %broadcast_in_dim3A_244 : vector<32x1576xi1>, vector<32x1576xi32>
    %reduce_min3A_246 = arith.constant dense<2147483647> : vector<32xi32>
    %reduce_min3A_247 = vector.multi_reduction <minsi>, %select_n3A_245, %reduce_min3A_246 [1] : vector<32x1576xi32> to vector<32xi32>
    %broadcast_in_dim3A_248 = vector.shape_cast %reduce_min3A_247 : vector<32xi32> to vector<32x1xi32>
    %eq3A_249 = vector.broadcast %broadcast_in_dim3A_248 : vector<32x1xi32> to vector<32x1576xi32>
    %eq3A_250 = arith.cmpi eq, %iota3A, %eq3A_249 : vector<32x1576xi32>
    %jit3A_251 = arith.constant 0xFF800000 : f32
    %broadcast_in_dim3A_252 = vector.broadcast %jit3A_251 : f32 to vector<32x1576xf32>
    %select_n3A_253 = arith.select %eq3A_250, %broadcast_in_dim3A_252, %select_n3A_237 : vector<32x1576xi1>, vector<32x1576xf32>
    %reduce_max3A_254 = arith.constant dense<0xFF800000> : vector<32xf32>
    %reduce_max3A_255 = vector.multi_reduction <maximumf>, %select_n3A_253, %reduce_max3A_254 [1] : vector<32x1576xf32> to vector<32xf32>
    %broadcast_in_dim3A_256 = vector.shape_cast %reduce_max3A_255 : vector<32xf32> to vector<32x1xf32>
    %ge3A_257 = vector.broadcast %broadcast_in_dim3A_256 : vector<32x1xf32> to vector<32x1576xf32>
    %ge3A_258 = arith.cmpf oge, %select_n3A_253, %ge3A_257 : vector<32x1576xf32>
    %jit3A_259 = arith.constant 1576 : i32
    %broadcast_in_dim3A_260 = vector.broadcast %jit3A_259 : i32 to vector<32x1576xi32>
    %select_n3A_261 = arith.select %ge3A_258, %iota3A, %broadcast_in_dim3A_260 : vector<32x1576xi1>, vector<32x1576xi32>
    %reduce_min3A_262 = arith.constant dense<2147483647> : vector<32xi32>
    %reduce_min3A_263 = vector.multi_reduction <minsi>, %select_n3A_261, %reduce_min3A_262 [1] : vector<32x1576xi32> to vector<32xi32>
    %broadcast_in_dim3A_264 = vector.shape_cast %reduce_min3A_263 : vector<32xi32> to vector<32x1xi32>
    %eq3A_265 = vector.broadcast %broadcast_in_dim3A_264 : vector<32x1xi32> to vector<32x1576xi32>
    %eq3A_266 = arith.cmpi eq, %iota3A, %eq3A_265 : vector<32x1576xi32>
    %jit3A_267 = arith.constant 0xFF800000 : f32
    %broadcast_in_dim3A_268 = vector.broadcast %jit3A_267 : f32 to vector<32x1576xf32>
    %select_n3A_269 = arith.select %eq3A_266, %broadcast_in_dim3A_268, %select_n3A_253 : vector<32x1576xi1>, vector<32x1576xf32>
    %reduce_max3A_270 = arith.constant dense<0xFF800000> : vector<32xf32>
    %reduce_max3A_271 = vector.multi_reduction <maximumf>, %select_n3A_269, %reduce_max3A_270 [1] : vector<32x1576xf32> to vector<32xf32>
    %broadcast_in_dim3A_272 = vector.shape_cast %reduce_max3A_271 : vector<32xf32> to vector<32x1xf32>
    %ge3A_273 = vector.broadcast %broadcast_in_dim3A_272 : vector<32x1xf32> to vector<32x1576xf32>
    %ge3A_274 = arith.cmpf oge, %select_n3A_269, %ge3A_273 : vector<32x1576xf32>
    %jit3A_275 = arith.constant 1576 : i32
    %broadcast_in_dim3A_276 = vector.broadcast %jit3A_275 : i32 to vector<32x1576xi32>
    %select_n3A_277 = arith.select %ge3A_274, %iota3A, %broadcast_in_dim3A_276 : vector<32x1576xi1>, vector<32x1576xi32>
    %reduce_min3A_278 = arith.constant dense<2147483647> : vector<32xi32>
    %reduce_min3A_279 = vector.multi_reduction <minsi>, %select_n3A_277, %reduce_min3A_278 [1] : vector<32x1576xi32> to vector<32xi32>
    %broadcast_in_dim3A_280 = vector.shape_cast %reduce_min3A_279 : vector<32xi32> to vector<32x1xi32>
    %eq3A_281 = vector.broadcast %broadcast_in_dim3A_280 : vector<32x1xi32> to vector<32x1576xi32>
    %eq3A_282 = arith.cmpi eq, %iota3A, %eq3A_281 : vector<32x1576xi32>
    %jit3A_283 = arith.constant 0xFF800000 : f32
    %broadcast_in_dim3A_284 = vector.broadcast %jit3A_283 : f32 to vector<32x1576xf32>
    %select_n3A_285 = arith.select %eq3A_282, %broadcast_in_dim3A_284, %select_n3A_269 : vector<32x1576xi1>, vector<32x1576xf32>
    %reduce_max3A_286 = arith.constant dense<0xFF800000> : vector<32xf32>
    %reduce_max3A_287 = vector.multi_reduction <maximumf>, %select_n3A_285, %reduce_max3A_286 [1] : vector<32x1576xf32> to vector<32xf32>
    %broadcast_in_dim3A_288 = vector.shape_cast %reduce_max3A_287 : vector<32xf32> to vector<32x1xf32>
    %ge3A_289 = vector.broadcast %broadcast_in_dim3A_288 : vector<32x1xf32> to vector<32x1576xf32>
    %ge3A_290 = arith.cmpf oge, %select_n3A_285, %ge3A_289 : vector<32x1576xf32>
    %jit3A_291 = arith.constant 1576 : i32
    %broadcast_in_dim3A_292 = vector.broadcast %jit3A_291 : i32 to vector<32x1576xi32>
    %select_n3A_293 = arith.select %ge3A_290, %iota3A, %broadcast_in_dim3A_292 : vector<32x1576xi1>, vector<32x1576xi32>
    %reduce_min3A_294 = arith.constant dense<2147483647> : vector<32xi32>
    %reduce_min3A_295 = vector.multi_reduction <minsi>, %select_n3A_293, %reduce_min3A_294 [1] : vector<32x1576xi32> to vector<32xi32>
    %broadcast_in_dim3A_296 = vector.shape_cast %reduce_min3A_295 : vector<32xi32> to vector<32x1xi32>
    %eq3A_297 = vector.broadcast %broadcast_in_dim3A_296 : vector<32x1xi32> to vector<32x1576xi32>
    %eq3A_298 = arith.cmpi eq, %iota3A, %eq3A_297 : vector<32x1576xi32>
    %jit3A_299 = arith.constant 0xFF800000 : f32
    %broadcast_in_dim3A_300 = vector.broadcast %jit3A_299 : f32 to vector<32x1576xf32>
    %select_n3A_301 = arith.select %eq3A_298, %broadcast_in_dim3A_300, %select_n3A_285 : vector<32x1576xi1>, vector<32x1576xf32>
    %reduce_max3A_302 = arith.constant dense<0xFF800000> : vector<32xf32>
    %reduce_max3A_303 = vector.multi_reduction <maximumf>, %select_n3A_301, %reduce_max3A_302 [1] : vector<32x1576xf32> to vector<32xf32>
    %broadcast_in_dim3A_304 = vector.shape_cast %reduce_max3A_303 : vector<32xf32> to vector<32x1xf32>
    %ge3A_305 = vector.broadcast %broadcast_in_dim3A_304 : vector<32x1xf32> to vector<32x1576xf32>
    %ge3A_306 = arith.cmpf oge, %select_n3A_301, %ge3A_305 : vector<32x1576xf32>
    %jit3A_307 = arith.constant 1576 : i32
    %broadcast_in_dim3A_308 = vector.broadcast %jit3A_307 : i32 to vector<32x1576xi32>
    %select_n3A_309 = arith.select %ge3A_306, %iota3A, %broadcast_in_dim3A_308 : vector<32x1576xi1>, vector<32x1576xi32>
    %reduce_min3A_310 = arith.constant dense<2147483647> : vector<32xi32>
    %reduce_min3A_311 = vector.multi_reduction <minsi>, %select_n3A_309, %reduce_min3A_310 [1] : vector<32x1576xi32> to vector<32xi32>
    %broadcast_in_dim3A_312 = vector.shape_cast %reduce_min3A_311 : vector<32xi32> to vector<32x1xi32>
    %eq3A_313 = vector.broadcast %broadcast_in_dim3A_312 : vector<32x1xi32> to vector<32x1576xi32>
    %eq3A_314 = arith.cmpi eq, %iota3A, %eq3A_313 : vector<32x1576xi32>
    %jit3A_315 = arith.constant 0xFF800000 : f32
    %broadcast_in_dim3A_316 = vector.broadcast %jit3A_315 : f32 to vector<32x1576xf32>
    %select_n3A_317 = arith.select %eq3A_314, %broadcast_in_dim3A_316, %select_n3A_301 : vector<32x1576xi1>, vector<32x1576xf32>
    %reduce_max3A_318 = arith.constant dense<0xFF800000> : vector<32xf32>
    %reduce_max3A_319 = vector.multi_reduction <maximumf>, %select_n3A_317, %reduce_max3A_318 [1] : vector<32x1576xf32> to vector<32xf32>
    %broadcast_in_dim3A_320 = vector.shape_cast %reduce_max3A_319 : vector<32xf32> to vector<32x1xf32>
    %ge3A_321 = vector.broadcast %broadcast_in_dim3A_320 : vector<32x1xf32> to vector<32x1576xf32>
    %ge3A_322 = arith.cmpf oge, %select_n3A_317, %ge3A_321 : vector<32x1576xf32>
    %jit3A_323 = arith.constant 1576 : i32
    %broadcast_in_dim3A_324 = vector.broadcast %jit3A_323 : i32 to vector<32x1576xi32>
    %select_n3A_325 = arith.select %ge3A_322, %iota3A, %broadcast_in_dim3A_324 : vector<32x1576xi1>, vector<32x1576xi32>
    %reduce_min3A_326 = arith.constant dense<2147483647> : vector<32xi32>
    %reduce_min3A_327 = vector.multi_reduction <minsi>, %select_n3A_325, %reduce_min3A_326 [1] : vector<32x1576xi32> to vector<32xi32>
    %broadcast_in_dim3A_328 = vector.shape_cast %reduce_min3A_327 : vector<32xi32> to vector<32x1xi32>
    %eq3A_329 = vector.broadcast %broadcast_in_dim3A_328 : vector<32x1xi32> to vector<32x1576xi32>
    %eq3A_330 = arith.cmpi eq, %iota3A, %eq3A_329 : vector<32x1576xi32>
    %jit3A_331 = arith.constant 0xFF800000 : f32
    %broadcast_in_dim3A_332 = vector.broadcast %jit3A_331 : f32 to vector<32x1576xf32>
    %select_n3A_333 = arith.select %eq3A_330, %broadcast_in_dim3A_332, %select_n3A_317 : vector<32x1576xi1>, vector<32x1576xf32>
    %reduce_max3A_334 = arith.constant dense<0xFF800000> : vector<32xf32>
    %reduce_max3A_335 = vector.multi_reduction <maximumf>, %select_n3A_333, %reduce_max3A_334 [1] : vector<32x1576xf32> to vector<32xf32>
    %broadcast_in_dim3A_336 = vector.shape_cast %reduce_max3A_335 : vector<32xf32> to vector<32x1xf32>
    %ge3A_337 = vector.broadcast %broadcast_in_dim3A_336 : vector<32x1xf32> to vector<32x1576xf32>
    %ge3A_338 = arith.cmpf oge, %select_n3A_333, %ge3A_337 : vector<32x1576xf32>
    %jit3A_339 = arith.constant 1576 : i32
    %broadcast_in_dim3A_340 = vector.broadcast %jit3A_339 : i32 to vector<32x1576xi32>
    %select_n3A_341 = arith.select %ge3A_338, %iota3A, %broadcast_in_dim3A_340 : vector<32x1576xi1>, vector<32x1576xi32>
    %reduce_min3A_342 = arith.constant dense<2147483647> : vector<32xi32>
    %reduce_min3A_343 = vector.multi_reduction <minsi>, %select_n3A_341, %reduce_min3A_342 [1] : vector<32x1576xi32> to vector<32xi32>
    %broadcast_in_dim3A_344 = vector.shape_cast %reduce_min3A_343 : vector<32xi32> to vector<32x1xi32>
    %eq3A_345 = vector.broadcast %broadcast_in_dim3A_344 : vector<32x1xi32> to vector<32x1576xi32>
    %eq3A_346 = arith.cmpi eq, %iota3A, %eq3A_345 : vector<32x1576xi32>
    %jit3A_347 = arith.constant 0xFF800000 : f32
    %broadcast_in_dim3A_348 = vector.broadcast %jit3A_347 : f32 to vector<32x1576xf32>
    %select_n3A_349 = arith.select %eq3A_346, %broadcast_in_dim3A_348, %select_n3A_333 : vector<32x1576xi1>, vector<32x1576xf32>
    %reduce_max3A_350 = arith.constant dense<0xFF800000> : vector<32xf32>
    %reduce_max3A_351 = vector.multi_reduction <maximumf>, %select_n3A_349, %reduce_max3A_350 [1] : vector<32x1576xf32> to vector<32xf32>
    %broadcast_in_dim3A_352 = vector.shape_cast %reduce_max3A_351 : vector<32xf32> to vector<32x1xf32>
    %ge3A_353 = vector.broadcast %broadcast_in_dim3A_352 : vector<32x1xf32> to vector<32x1576xf32>
    %ge3A_354 = arith.cmpf oge, %select_n3A_349, %ge3A_353 : vector<32x1576xf32>
    %jit3A_355 = arith.constant 1576 : i32
    %broadcast_in_dim3A_356 = vector.broadcast %jit3A_355 : i32 to vector<32x1576xi32>
    %select_n3A_357 = arith.select %ge3A_354, %iota3A, %broadcast_in_dim3A_356 : vector<32x1576xi1>, vector<32x1576xi32>
    %reduce_min3A_358 = arith.constant dense<2147483647> : vector<32xi32>
    %reduce_min3A_359 = vector.multi_reduction <minsi>, %select_n3A_357, %reduce_min3A_358 [1] : vector<32x1576xi32> to vector<32xi32>
    %broadcast_in_dim3A_360 = vector.shape_cast %reduce_min3A_359 : vector<32xi32> to vector<32x1xi32>
    %eq3A_361 = vector.broadcast %broadcast_in_dim3A_360 : vector<32x1xi32> to vector<32x1576xi32>
    %eq3A_362 = arith.cmpi eq, %iota3A, %eq3A_361 : vector<32x1576xi32>
    %jit3A_363 = arith.constant 0xFF800000 : f32
    %broadcast_in_dim3A_364 = vector.broadcast %jit3A_363 : f32 to vector<32x1576xf32>
    %select_n3A_365 = arith.select %eq3A_362, %broadcast_in_dim3A_364, %select_n3A_349 : vector<32x1576xi1>, vector<32x1576xf32>
    %reduce_max3A_366 = arith.constant dense<0xFF800000> : vector<32xf32>
    %reduce_max3A_367 = vector.multi_reduction <maximumf>, %select_n3A_365, %reduce_max3A_366 [1] : vector<32x1576xf32> to vector<32xf32>
    %broadcast_in_dim3A_368 = vector.shape_cast %reduce_max3A_367 : vector<32xf32> to vector<32x1xf32>
    %ge3A_369 = vector.broadcast %broadcast_in_dim3A_368 : vector<32x1xf32> to vector<32x1576xf32>
    %ge3A_370 = arith.cmpf oge, %select_n3A_365, %ge3A_369 : vector<32x1576xf32>
    %jit3A_371 = arith.constant 1576 : i32
    %broadcast_in_dim3A_372 = vector.broadcast %jit3A_371 : i32 to vector<32x1576xi32>
    %select_n3A_373 = arith.select %ge3A_370, %iota3A, %broadcast_in_dim3A_372 : vector<32x1576xi1>, vector<32x1576xi32>
    %reduce_min3A_374 = arith.constant dense<2147483647> : vector<32xi32>
    %reduce_min3A_375 = vector.multi_reduction <minsi>, %select_n3A_373, %reduce_min3A_374 [1] : vector<32x1576xi32> to vector<32xi32>
    %broadcast_in_dim3A_376 = vector.shape_cast %reduce_min3A_375 : vector<32xi32> to vector<32x1xi32>
    %eq3A_377 = vector.broadcast %broadcast_in_dim3A_376 : vector<32x1xi32> to vector<32x1576xi32>
    %eq3A_378 = arith.cmpi eq, %iota3A, %eq3A_377 : vector<32x1576xi32>
    %jit3A_379 = arith.constant 0xFF800000 : f32
    %broadcast_in_dim3A_380 = vector.broadcast %jit3A_379 : f32 to vector<32x1576xf32>
    %select_n3A_381 = arith.select %eq3A_378, %broadcast_in_dim3A_380, %select_n3A_365 : vector<32x1576xi1>, vector<32x1576xf32>
    %reduce_max3A_382 = arith.constant dense<0xFF800000> : vector<32xf32>
    %reduce_max3A_383 = vector.multi_reduction <maximumf>, %select_n3A_381, %reduce_max3A_382 [1] : vector<32x1576xf32> to vector<32xf32>
    %broadcast_in_dim3A_384 = vector.shape_cast %reduce_max3A_383 : vector<32xf32> to vector<32x1xf32>
    %ge3A_385 = vector.broadcast %broadcast_in_dim3A_384 : vector<32x1xf32> to vector<32x1576xf32>
    %ge3A_386 = arith.cmpf oge, %select_n3A_381, %ge3A_385 : vector<32x1576xf32>
    %jit3A_387 = arith.constant 1576 : i32
    %broadcast_in_dim3A_388 = vector.broadcast %jit3A_387 : i32 to vector<32x1576xi32>
    %select_n3A_389 = arith.select %ge3A_386, %iota3A, %broadcast_in_dim3A_388 : vector<32x1576xi1>, vector<32x1576xi32>
    %reduce_min3A_390 = arith.constant dense<2147483647> : vector<32xi32>
    %reduce_min3A_391 = vector.multi_reduction <minsi>, %select_n3A_389, %reduce_min3A_390 [1] : vector<32x1576xi32> to vector<32xi32>
    %broadcast_in_dim3A_392 = vector.shape_cast %reduce_min3A_391 : vector<32xi32> to vector<32x1xi32>
    %eq3A_393 = vector.broadcast %broadcast_in_dim3A_392 : vector<32x1xi32> to vector<32x1576xi32>
    %eq3A_394 = arith.cmpi eq, %iota3A, %eq3A_393 : vector<32x1576xi32>
    %jit3A_395 = arith.constant 0xFF800000 : f32
    %broadcast_in_dim3A_396 = vector.broadcast %jit3A_395 : f32 to vector<32x1576xf32>
    %select_n3A_397 = arith.select %eq3A_394, %broadcast_in_dim3A_396, %select_n3A_381 : vector<32x1576xi1>, vector<32x1576xf32>
    %reduce_max3A_398 = arith.constant dense<0xFF800000> : vector<32xf32>
    %reduce_max3A_399 = vector.multi_reduction <maximumf>, %select_n3A_397, %reduce_max3A_398 [1] : vector<32x1576xf32> to vector<32xf32>
    %broadcast_in_dim3A_400 = vector.shape_cast %reduce_max3A_399 : vector<32xf32> to vector<32x1xf32>
    %ge3A_401 = vector.broadcast %broadcast_in_dim3A_400 : vector<32x1xf32> to vector<32x1576xf32>
    %ge3A_402 = arith.cmpf oge, %select_n3A_397, %ge3A_401 : vector<32x1576xf32>
    %jit3A_403 = arith.constant 1576 : i32
    %broadcast_in_dim3A_404 = vector.broadcast %jit3A_403 : i32 to vector<32x1576xi32>
    %select_n3A_405 = arith.select %ge3A_402, %iota3A, %broadcast_in_dim3A_404 : vector<32x1576xi1>, vector<32x1576xi32>
    %reduce_min3A_406 = arith.constant dense<2147483647> : vector<32xi32>
    %reduce_min3A_407 = vector.multi_reduction <minsi>, %select_n3A_405, %reduce_min3A_406 [1] : vector<32x1576xi32> to vector<32xi32>
    %broadcast_in_dim3A_408 = vector.shape_cast %reduce_min3A_407 : vector<32xi32> to vector<32x1xi32>
    %eq3A_409 = vector.broadcast %broadcast_in_dim3A_408 : vector<32x1xi32> to vector<32x1576xi32>
    %eq3A_410 = arith.cmpi eq, %iota3A, %eq3A_409 : vector<32x1576xi32>
    %jit3A_411 = arith.constant 0xFF800000 : f32
    %broadcast_in_dim3A_412 = vector.broadcast %jit3A_411 : f32 to vector<32x1576xf32>
    %select_n3A_413 = arith.select %eq3A_410, %broadcast_in_dim3A_412, %select_n3A_397 : vector<32x1576xi1>, vector<32x1576xf32>
    %reduce_max3A_414 = arith.constant dense<0xFF800000> : vector<32xf32>
    %reduce_max3A_415 = vector.multi_reduction <maximumf>, %select_n3A_413, %reduce_max3A_414 [1] : vector<32x1576xf32> to vector<32xf32>
    %broadcast_in_dim3A_416 = vector.shape_cast %reduce_max3A_415 : vector<32xf32> to vector<32x1xf32>
    %ge3A_417 = vector.broadcast %broadcast_in_dim3A_416 : vector<32x1xf32> to vector<32x1576xf32>
    %ge3A_418 = arith.cmpf oge, %select_n3A_413, %ge3A_417 : vector<32x1576xf32>
    %jit3A_419 = arith.constant 1576 : i32
    %broadcast_in_dim3A_420 = vector.broadcast %jit3A_419 : i32 to vector<32x1576xi32>
    %select_n3A_421 = arith.select %ge3A_418, %iota3A, %broadcast_in_dim3A_420 : vector<32x1576xi1>, vector<32x1576xi32>
    %reduce_min3A_422 = arith.constant dense<2147483647> : vector<32xi32>
    %reduce_min3A_423 = vector.multi_reduction <minsi>, %select_n3A_421, %reduce_min3A_422 [1] : vector<32x1576xi32> to vector<32xi32>
    %broadcast_in_dim3A_424 = vector.shape_cast %reduce_min3A_423 : vector<32xi32> to vector<32x1xi32>
    %eq3A_425 = vector.broadcast %broadcast_in_dim3A_424 : vector<32x1xi32> to vector<32x1576xi32>
    %eq3A_426 = arith.cmpi eq, %iota3A, %eq3A_425 : vector<32x1576xi32>
    %jit3A_427 = arith.constant 0xFF800000 : f32
    %broadcast_in_dim3A_428 = vector.broadcast %jit3A_427 : f32 to vector<32x1576xf32>
    %select_n3A_429 = arith.select %eq3A_426, %broadcast_in_dim3A_428, %select_n3A_413 : vector<32x1576xi1>, vector<32x1576xf32>
    %reduce_max3A_430 = arith.constant dense<0xFF800000> : vector<32xf32>
    %reduce_max3A_431 = vector.multi_reduction <maximumf>, %select_n3A_429, %reduce_max3A_430 [1] : vector<32x1576xf32> to vector<32xf32>
    %broadcast_in_dim3A_432 = vector.shape_cast %reduce_max3A_431 : vector<32xf32> to vector<32x1xf32>
    %ge3A_433 = vector.broadcast %broadcast_in_dim3A_432 : vector<32x1xf32> to vector<32x1576xf32>
    %ge3A_434 = arith.cmpf oge, %select_n3A_429, %ge3A_433 : vector<32x1576xf32>
    %jit3A_435 = arith.constant 1576 : i32
    %broadcast_in_dim3A_436 = vector.broadcast %jit3A_435 : i32 to vector<32x1576xi32>
    %select_n3A_437 = arith.select %ge3A_434, %iota3A, %broadcast_in_dim3A_436 : vector<32x1576xi1>, vector<32x1576xi32>
    %reduce_min3A_438 = arith.constant dense<2147483647> : vector<32xi32>
    %reduce_min3A_439 = vector.multi_reduction <minsi>, %select_n3A_437, %reduce_min3A_438 [1] : vector<32x1576xi32> to vector<32xi32>
    %broadcast_in_dim3A_440 = vector.shape_cast %reduce_min3A_439 : vector<32xi32> to vector<32x1xi32>
    %eq3A_441 = vector.broadcast %broadcast_in_dim3A_440 : vector<32x1xi32> to vector<32x1576xi32>
    %eq3A_442 = arith.cmpi eq, %iota3A, %eq3A_441 : vector<32x1576xi32>
    %jit3A_443 = arith.constant 0xFF800000 : f32
    %broadcast_in_dim3A_444 = vector.broadcast %jit3A_443 : f32 to vector<32x1576xf32>
    %select_n3A_445 = arith.select %eq3A_442, %broadcast_in_dim3A_444, %select_n3A_429 : vector<32x1576xi1>, vector<32x1576xf32>
    %reduce_max3A_446 = arith.constant dense<0xFF800000> : vector<32xf32>
    %reduce_max3A_447 = vector.multi_reduction <maximumf>, %select_n3A_445, %reduce_max3A_446 [1] : vector<32x1576xf32> to vector<32xf32>
    %broadcast_in_dim3A_448 = vector.shape_cast %reduce_max3A_447 : vector<32xf32> to vector<32x1xf32>
    %ge3A_449 = vector.broadcast %broadcast_in_dim3A_448 : vector<32x1xf32> to vector<32x1576xf32>
    %ge3A_450 = arith.cmpf oge, %select_n3A_445, %ge3A_449 : vector<32x1576xf32>
    %jit3A_451 = arith.constant 1576 : i32
    %broadcast_in_dim3A_452 = vector.broadcast %jit3A_451 : i32 to vector<32x1576xi32>
    %select_n3A_453 = arith.select %ge3A_450, %iota3A, %broadcast_in_dim3A_452 : vector<32x1576xi1>, vector<32x1576xi32>
    %reduce_min3A_454 = arith.constant dense<2147483647> : vector<32xi32>
    %reduce_min3A_455 = vector.multi_reduction <minsi>, %select_n3A_453, %reduce_min3A_454 [1] : vector<32x1576xi32> to vector<32xi32>
    %broadcast_in_dim3A_456 = vector.shape_cast %reduce_min3A_455 : vector<32xi32> to vector<32x1xi32>
    %eq3A_457 = vector.broadcast %broadcast_in_dim3A_456 : vector<32x1xi32> to vector<32x1576xi32>
    %eq3A_458 = arith.cmpi eq, %iota3A, %eq3A_457 : vector<32x1576xi32>
    %jit3A_459 = arith.constant 0xFF800000 : f32
    %broadcast_in_dim3A_460 = vector.broadcast %jit3A_459 : f32 to vector<32x1576xf32>
    %select_n3A_461 = arith.select %eq3A_458, %broadcast_in_dim3A_460, %select_n3A_445 : vector<32x1576xi1>, vector<32x1576xf32>
    %reduce_max3A_462 = arith.constant dense<0xFF800000> : vector<32xf32>
    %reduce_max3A_463 = vector.multi_reduction <maximumf>, %select_n3A_461, %reduce_max3A_462 [1] : vector<32x1576xf32> to vector<32xf32>
    %broadcast_in_dim3A_464 = vector.shape_cast %reduce_max3A_463 : vector<32xf32> to vector<32x1xf32>
    %ge3A_465 = vector.broadcast %broadcast_in_dim3A_464 : vector<32x1xf32> to vector<32x1576xf32>
    %ge3A_466 = arith.cmpf oge, %select_n3A_461, %ge3A_465 : vector<32x1576xf32>
    %jit3A_467 = arith.constant 1576 : i32
    %broadcast_in_dim3A_468 = vector.broadcast %jit3A_467 : i32 to vector<32x1576xi32>
    %select_n3A_469 = arith.select %ge3A_466, %iota3A, %broadcast_in_dim3A_468 : vector<32x1576xi1>, vector<32x1576xi32>
    %reduce_min3A_470 = arith.constant dense<2147483647> : vector<32xi32>
    %reduce_min3A_471 = vector.multi_reduction <minsi>, %select_n3A_469, %reduce_min3A_470 [1] : vector<32x1576xi32> to vector<32xi32>
    %broadcast_in_dim3A_472 = vector.shape_cast %reduce_min3A_471 : vector<32xi32> to vector<32x1xi32>
    %eq3A_473 = vector.broadcast %broadcast_in_dim3A_472 : vector<32x1xi32> to vector<32x1576xi32>
    %eq3A_474 = arith.cmpi eq, %iota3A, %eq3A_473 : vector<32x1576xi32>
    %jit3A_475 = arith.constant 0xFF800000 : f32
    %broadcast_in_dim3A_476 = vector.broadcast %jit3A_475 : f32 to vector<32x1576xf32>
    %select_n3A_477 = arith.select %eq3A_474, %broadcast_in_dim3A_476, %select_n3A_461 : vector<32x1576xi1>, vector<32x1576xf32>
    %reduce_max3A_478 = arith.constant dense<0xFF800000> : vector<32xf32>
    %reduce_max3A_479 = vector.multi_reduction <maximumf>, %select_n3A_477, %reduce_max3A_478 [1] : vector<32x1576xf32> to vector<32xf32>
    %broadcast_in_dim3A_480 = vector.shape_cast %reduce_max3A_479 : vector<32xf32> to vector<32x1xf32>
    %ge3A_481 = vector.broadcast %broadcast_in_dim3A_480 : vector<32x1xf32> to vector<32x1576xf32>
    %ge3A_482 = arith.cmpf oge, %select_n3A_477, %ge3A_481 : vector<32x1576xf32>
    %jit3A_483 = arith.constant 1576 : i32
    %broadcast_in_dim3A_484 = vector.broadcast %jit3A_483 : i32 to vector<32x1576xi32>
    %select_n3A_485 = arith.select %ge3A_482, %iota3A, %broadcast_in_dim3A_484 : vector<32x1576xi1>, vector<32x1576xi32>
    %reduce_min3A_486 = arith.constant dense<2147483647> : vector<32xi32>
    %reduce_min3A_487 = vector.multi_reduction <minsi>, %select_n3A_485, %reduce_min3A_486 [1] : vector<32x1576xi32> to vector<32xi32>
    %broadcast_in_dim3A_488 = vector.shape_cast %reduce_min3A_487 : vector<32xi32> to vector<32x1xi32>
    %eq3A_489 = vector.broadcast %broadcast_in_dim3A_488 : vector<32x1xi32> to vector<32x1576xi32>
    %eq3A_490 = arith.cmpi eq, %iota3A, %eq3A_489 : vector<32x1576xi32>
    %jit3A_491 = arith.constant 0xFF800000 : f32
    %broadcast_in_dim3A_492 = vector.broadcast %jit3A_491 : f32 to vector<32x1576xf32>
    %select_n3A_493 = arith.select %eq3A_490, %broadcast_in_dim3A_492, %select_n3A_477 : vector<32x1576xi1>, vector<32x1576xf32>
    %reduce_max3A_494 = arith.constant dense<0xFF800000> : vector<32xf32>
    %reduce_max3A_495 = vector.multi_reduction <maximumf>, %select_n3A_493, %reduce_max3A_494 [1] : vector<32x1576xf32> to vector<32xf32>
    %broadcast_in_dim3A_496 = vector.shape_cast %reduce_max3A_495 : vector<32xf32> to vector<32x1xf32>
    %ge3A_497 = vector.broadcast %broadcast_in_dim3A_496 : vector<32x1xf32> to vector<32x1576xf32>
    %ge3A_498 = arith.cmpf oge, %select_n3A_493, %ge3A_497 : vector<32x1576xf32>
    %jit3A_499 = arith.constant 1576 : i32
    %broadcast_in_dim3A_500 = vector.broadcast %jit3A_499 : i32 to vector<32x1576xi32>
    %select_n3A_501 = arith.select %ge3A_498, %iota3A, %broadcast_in_dim3A_500 : vector<32x1576xi1>, vector<32x1576xi32>
    %reduce_min3A_502 = arith.constant dense<2147483647> : vector<32xi32>
    %reduce_min3A_503 = vector.multi_reduction <minsi>, %select_n3A_501, %reduce_min3A_502 [1] : vector<32x1576xi32> to vector<32xi32>
    %broadcast_in_dim3A_504 = vector.shape_cast %reduce_min3A_503 : vector<32xi32> to vector<32x1xi32>
    %eq3A_505 = vector.broadcast %broadcast_in_dim3A_504 : vector<32x1xi32> to vector<32x1576xi32>
    %eq3A_506 = arith.cmpi eq, %iota3A, %eq3A_505 : vector<32x1576xi32>
    %jit3A_507 = arith.constant 0xFF800000 : f32
    %broadcast_in_dim3A_508 = vector.broadcast %jit3A_507 : f32 to vector<32x1576xf32>
    %select_n3A_509 = arith.select %eq3A_506, %broadcast_in_dim3A_508, %select_n3A_493 : vector<32x1576xi1>, vector<32x1576xf32>
    %reduce_max3A_510 = arith.constant dense<0xFF800000> : vector<32xf32>
    %reduce_max3A_511 = vector.multi_reduction <maximumf>, %select_n3A_509, %reduce_max3A_510 [1] : vector<32x1576xf32> to vector<32xf32>
    %broadcast_in_dim3A_512 = vector.shape_cast %reduce_max3A_511 : vector<32xf32> to vector<32x1xf32>
    %ge3A_513 = vector.broadcast %broadcast_in_dim3A_512 : vector<32x1xf32> to vector<32x1576xf32>
    %ge3A_514 = arith.cmpf oge, %select_n3A_509, %ge3A_513 : vector<32x1576xf32>
    %jit3A_515 = arith.constant 1576 : i32
    %broadcast_in_dim3A_516 = vector.broadcast %jit3A_515 : i32 to vector<32x1576xi32>
    %select_n3A_517 = arith.select %ge3A_514, %iota3A, %broadcast_in_dim3A_516 : vector<32x1576xi1>, vector<32x1576xi32>
    %reduce_min3A_518 = arith.constant dense<2147483647> : vector<32xi32>
    %reduce_min3A_519 = vector.multi_reduction <minsi>, %select_n3A_517, %reduce_min3A_518 [1] : vector<32x1576xi32> to vector<32xi32>
    %broadcast_in_dim3A_520 = vector.shape_cast %reduce_min3A_519 : vector<32xi32> to vector<32x1xi32>
    %eq3A_521 = vector.broadcast %broadcast_in_dim3A_520 : vector<32x1xi32> to vector<32x1576xi32>
    %eq3A_522 = arith.cmpi eq, %iota3A, %eq3A_521 : vector<32x1576xi32>
    %jit3A_523 = arith.constant 0xFF800000 : f32
    %broadcast_in_dim3A_524 = vector.broadcast %jit3A_523 : f32 to vector<32x1576xf32>
    %select_n3A_525 = arith.select %eq3A_522, %broadcast_in_dim3A_524, %select_n3A_509 : vector<32x1576xi1>, vector<32x1576xf32>
    %reduce_max3A_526 = arith.constant dense<0xFF800000> : vector<32xf32>
    %reduce_max3A_527 = vector.multi_reduction <maximumf>, %select_n3A_525, %reduce_max3A_526 [1] : vector<32x1576xf32> to vector<32xf32>
    %broadcast_in_dim3A_528 = vector.shape_cast %reduce_max3A_527 : vector<32xf32> to vector<32x1xf32>
    %ge3A_529 = vector.broadcast %broadcast_in_dim3A_528 : vector<32x1xf32> to vector<32x1576xf32>
    %ge3A_530 = arith.cmpf oge, %select_n3A_525, %ge3A_529 : vector<32x1576xf32>
    %jit3A_531 = arith.constant 1576 : i32
    %broadcast_in_dim3A_532 = vector.broadcast %jit3A_531 : i32 to vector<32x1576xi32>
    %select_n3A_533 = arith.select %ge3A_530, %iota3A, %broadcast_in_dim3A_532 : vector<32x1576xi1>, vector<32x1576xi32>
    %reduce_min3A_534 = arith.constant dense<2147483647> : vector<32xi32>
    %reduce_min3A_535 = vector.multi_reduction <minsi>, %select_n3A_533, %reduce_min3A_534 [1] : vector<32x1576xi32> to vector<32xi32>
    %broadcast_in_dim3A_536 = vector.shape_cast %reduce_min3A_535 : vector<32xi32> to vector<32x1xi32>
    %eq3A_537 = vector.broadcast %broadcast_in_dim3A_536 : vector<32x1xi32> to vector<32x1576xi32>
    %eq3A_538 = arith.cmpi eq, %iota3A, %eq3A_537 : vector<32x1576xi32>
    %jit3A_539 = arith.constant 0xFF800000 : f32
    %broadcast_in_dim3A_540 = vector.broadcast %jit3A_539 : f32 to vector<32x1576xf32>
    %select_n3A_541 = arith.select %eq3A_538, %broadcast_in_dim3A_540, %select_n3A_525 : vector<32x1576xi1>, vector<32x1576xf32>
    %reduce_max3A_542 = arith.constant dense<0xFF800000> : vector<32xf32>
    %reduce_max3A_543 = vector.multi_reduction <maximumf>, %select_n3A_541, %reduce_max3A_542 [1] : vector<32x1576xf32> to vector<32xf32>
    %broadcast_in_dim3A_544 = vector.shape_cast %reduce_max3A_543 : vector<32xf32> to vector<32x1xf32>
    %ge3A_545 = vector.broadcast %broadcast_in_dim3A_544 : vector<32x1xf32> to vector<32x1576xf32>
    %ge3A_546 = arith.cmpf oge, %select_n3A_541, %ge3A_545 : vector<32x1576xf32>
    %jit3A_547 = arith.constant 1576 : i32
    %broadcast_in_dim3A_548 = vector.broadcast %jit3A_547 : i32 to vector<32x1576xi32>
    %select_n3A_549 = arith.select %ge3A_546, %iota3A, %broadcast_in_dim3A_548 : vector<32x1576xi1>, vector<32x1576xi32>
    %reduce_min3A_550 = arith.constant dense<2147483647> : vector<32xi32>
    %reduce_min3A_551 = vector.multi_reduction <minsi>, %select_n3A_549, %reduce_min3A_550 [1] : vector<32x1576xi32> to vector<32xi32>
    %broadcast_in_dim3A_552 = vector.shape_cast %reduce_min3A_551 : vector<32xi32> to vector<32x1xi32>
    %eq3A_553 = vector.broadcast %broadcast_in_dim3A_552 : vector<32x1xi32> to vector<32x1576xi32>
    %eq3A_554 = arith.cmpi eq, %iota3A, %eq3A_553 : vector<32x1576xi32>
    %jit3A_555 = arith.constant 0xFF800000 : f32
    %broadcast_in_dim3A_556 = vector.broadcast %jit3A_555 : f32 to vector<32x1576xf32>
    %select_n3A_557 = arith.select %eq3A_554, %broadcast_in_dim3A_556, %select_n3A_541 : vector<32x1576xi1>, vector<32x1576xf32>
    %reduce_max3A_558 = arith.constant dense<0xFF800000> : vector<32xf32>
    %reduce_max3A_559 = vector.multi_reduction <maximumf>, %select_n3A_557, %reduce_max3A_558 [1] : vector<32x1576xf32> to vector<32xf32>
    %broadcast_in_dim3A_560 = vector.shape_cast %reduce_max3A_559 : vector<32xf32> to vector<32x1xf32>
    %ge3A_561 = vector.broadcast %broadcast_in_dim3A_560 : vector<32x1xf32> to vector<32x1576xf32>
    %ge3A_562 = arith.cmpf oge, %select_n3A_557, %ge3A_561 : vector<32x1576xf32>
    %jit3A_563 = arith.constant 1576 : i32
    %broadcast_in_dim3A_564 = vector.broadcast %jit3A_563 : i32 to vector<32x1576xi32>
    %select_n3A_565 = arith.select %ge3A_562, %iota3A, %broadcast_in_dim3A_564 : vector<32x1576xi1>, vector<32x1576xi32>
    %reduce_min3A_566 = arith.constant dense<2147483647> : vector<32xi32>
    %reduce_min3A_567 = vector.multi_reduction <minsi>, %select_n3A_565, %reduce_min3A_566 [1] : vector<32x1576xi32> to vector<32xi32>
    %broadcast_in_dim3A_568 = vector.shape_cast %reduce_min3A_567 : vector<32xi32> to vector<32x1xi32>
    %eq3A_569 = vector.broadcast %broadcast_in_dim3A_568 : vector<32x1xi32> to vector<32x1576xi32>
    %eq3A_570 = arith.cmpi eq, %iota3A, %eq3A_569 : vector<32x1576xi32>
    %jit3A_571 = arith.constant 0xFF800000 : f32
    %broadcast_in_dim3A_572 = vector.broadcast %jit3A_571 : f32 to vector<32x1576xf32>
    %select_n3A_573 = arith.select %eq3A_570, %broadcast_in_dim3A_572, %select_n3A_557 : vector<32x1576xi1>, vector<32x1576xf32>
    %reduce_max3A_574 = arith.constant dense<0xFF800000> : vector<32xf32>
    %reduce_max3A_575 = vector.multi_reduction <maximumf>, %select_n3A_573, %reduce_max3A_574 [1] : vector<32x1576xf32> to vector<32xf32>
    %broadcast_in_dim3A_576 = vector.shape_cast %reduce_max3A_575 : vector<32xf32> to vector<32x1xf32>
    %ge3A_577 = vector.broadcast %broadcast_in_dim3A_576 : vector<32x1xf32> to vector<32x1576xf32>
    %ge3A_578 = arith.cmpf oge, %select_n3A_573, %ge3A_577 : vector<32x1576xf32>
    %jit3A_579 = arith.constant 1576 : i32
    %broadcast_in_dim3A_580 = vector.broadcast %jit3A_579 : i32 to vector<32x1576xi32>
    %select_n3A_581 = arith.select %ge3A_578, %iota3A, %broadcast_in_dim3A_580 : vector<32x1576xi1>, vector<32x1576xi32>
    %reduce_min3A_582 = arith.constant dense<2147483647> : vector<32xi32>
    %reduce_min3A_583 = vector.multi_reduction <minsi>, %select_n3A_581, %reduce_min3A_582 [1] : vector<32x1576xi32> to vector<32xi32>
    %broadcast_in_dim3A_584 = vector.shape_cast %reduce_min3A_583 : vector<32xi32> to vector<32x1xi32>
    %eq3A_585 = vector.broadcast %broadcast_in_dim3A_584 : vector<32x1xi32> to vector<32x1576xi32>
    %eq3A_586 = arith.cmpi eq, %iota3A, %eq3A_585 : vector<32x1576xi32>
    %jit3A_587 = arith.constant 0xFF800000 : f32
    %broadcast_in_dim3A_588 = vector.broadcast %jit3A_587 : f32 to vector<32x1576xf32>
    %select_n3A_589 = arith.select %eq3A_586, %broadcast_in_dim3A_588, %select_n3A_573 : vector<32x1576xi1>, vector<32x1576xf32>
    %reduce_max3A_590 = arith.constant dense<0xFF800000> : vector<32xf32>
    %reduce_max3A_591 = vector.multi_reduction <maximumf>, %select_n3A_589, %reduce_max3A_590 [1] : vector<32x1576xf32> to vector<32xf32>
    %broadcast_in_dim3A_592 = vector.shape_cast %reduce_max3A_591 : vector<32xf32> to vector<32x1xf32>
    %ge3A_593 = vector.broadcast %broadcast_in_dim3A_592 : vector<32x1xf32> to vector<32x1576xf32>
    %ge3A_594 = arith.cmpf oge, %select_n3A_589, %ge3A_593 : vector<32x1576xf32>
    %jit3A_595 = arith.constant 1576 : i32
    %broadcast_in_dim3A_596 = vector.broadcast %jit3A_595 : i32 to vector<32x1576xi32>
    %select_n3A_597 = arith.select %ge3A_594, %iota3A, %broadcast_in_dim3A_596 : vector<32x1576xi1>, vector<32x1576xi32>
    %reduce_min3A_598 = arith.constant dense<2147483647> : vector<32xi32>
    %reduce_min3A_599 = vector.multi_reduction <minsi>, %select_n3A_597, %reduce_min3A_598 [1] : vector<32x1576xi32> to vector<32xi32>
    %broadcast_in_dim3A_600 = vector.shape_cast %reduce_min3A_599 : vector<32xi32> to vector<32x1xi32>
    %eq3A_601 = vector.broadcast %broadcast_in_dim3A_600 : vector<32x1xi32> to vector<32x1576xi32>
    %eq3A_602 = arith.cmpi eq, %iota3A, %eq3A_601 : vector<32x1576xi32>
    %jit3A_603 = arith.constant 0xFF800000 : f32
    %broadcast_in_dim3A_604 = vector.broadcast %jit3A_603 : f32 to vector<32x1576xf32>
    %select_n3A_605 = arith.select %eq3A_602, %broadcast_in_dim3A_604, %select_n3A_589 : vector<32x1576xi1>, vector<32x1576xf32>
    %reduce_max3A_606 = arith.constant dense<0xFF800000> : vector<32xf32>
    %reduce_max3A_607 = vector.multi_reduction <maximumf>, %select_n3A_605, %reduce_max3A_606 [1] : vector<32x1576xf32> to vector<32xf32>
    %broadcast_in_dim3A_608 = vector.shape_cast %reduce_max3A_607 : vector<32xf32> to vector<32x1xf32>
    %ge3A_609 = vector.broadcast %broadcast_in_dim3A_608 : vector<32x1xf32> to vector<32x1576xf32>
    %ge3A_610 = arith.cmpf oge, %select_n3A_605, %ge3A_609 : vector<32x1576xf32>
    %jit3A_611 = arith.constant 1576 : i32
    %broadcast_in_dim3A_612 = vector.broadcast %jit3A_611 : i32 to vector<32x1576xi32>
    %select_n3A_613 = arith.select %ge3A_610, %iota3A, %broadcast_in_dim3A_612 : vector<32x1576xi1>, vector<32x1576xi32>
    %reduce_min3A_614 = arith.constant dense<2147483647> : vector<32xi32>
    %reduce_min3A_615 = vector.multi_reduction <minsi>, %select_n3A_613, %reduce_min3A_614 [1] : vector<32x1576xi32> to vector<32xi32>
    %broadcast_in_dim3A_616 = vector.shape_cast %reduce_min3A_615 : vector<32xi32> to vector<32x1xi32>
    %eq3A_617 = vector.broadcast %broadcast_in_dim3A_616 : vector<32x1xi32> to vector<32x1576xi32>
    %eq3A_618 = arith.cmpi eq, %iota3A, %eq3A_617 : vector<32x1576xi32>
    %jit3A_619 = arith.constant 0xFF800000 : f32
    %broadcast_in_dim3A_620 = vector.broadcast %jit3A_619 : f32 to vector<32x1576xf32>
    %select_n3A_621 = arith.select %eq3A_618, %broadcast_in_dim3A_620, %select_n3A_605 : vector<32x1576xi1>, vector<32x1576xf32>
    %reduce_max3A_622 = arith.constant dense<0xFF800000> : vector<32xf32>
    %reduce_max3A_623 = vector.multi_reduction <maximumf>, %select_n3A_621, %reduce_max3A_622 [1] : vector<32x1576xf32> to vector<32xf32>
    %broadcast_in_dim3A_624 = vector.shape_cast %reduce_max3A_623 : vector<32xf32> to vector<32x1xf32>
    %ge3A_625 = vector.broadcast %broadcast_in_dim3A_624 : vector<32x1xf32> to vector<32x1576xf32>
    %ge3A_626 = arith.cmpf oge, %select_n3A_621, %ge3A_625 : vector<32x1576xf32>
    %jit3A_627 = arith.constant 1576 : i32
    %broadcast_in_dim3A_628 = vector.broadcast %jit3A_627 : i32 to vector<32x1576xi32>
    %select_n3A_629 = arith.select %ge3A_626, %iota3A, %broadcast_in_dim3A_628 : vector<32x1576xi1>, vector<32x1576xi32>
    %reduce_min3A_630 = arith.constant dense<2147483647> : vector<32xi32>
    %reduce_min3A_631 = vector.multi_reduction <minsi>, %select_n3A_629, %reduce_min3A_630 [1] : vector<32x1576xi32> to vector<32xi32>
    %broadcast_in_dim3A_632 = vector.shape_cast %reduce_min3A_631 : vector<32xi32> to vector<32x1xi32>
    %eq3A_633 = vector.broadcast %broadcast_in_dim3A_632 : vector<32x1xi32> to vector<32x1576xi32>
    %eq3A_634 = arith.cmpi eq, %iota3A, %eq3A_633 : vector<32x1576xi32>
    %jit3A_635 = arith.constant 0xFF800000 : f32
    %broadcast_in_dim3A_636 = vector.broadcast %jit3A_635 : f32 to vector<32x1576xf32>
    %select_n3A_637 = arith.select %eq3A_634, %broadcast_in_dim3A_636, %select_n3A_621 : vector<32x1576xi1>, vector<32x1576xf32>
    %reduce_max3A_638 = arith.constant dense<0xFF800000> : vector<32xf32>
    %reduce_max3A_639 = vector.multi_reduction <maximumf>, %select_n3A_637, %reduce_max3A_638 [1] : vector<32x1576xf32> to vector<32xf32>
    %broadcast_in_dim3A_640 = vector.shape_cast %reduce_max3A_639 : vector<32xf32> to vector<32x1xf32>
    %ge3A_641 = vector.broadcast %broadcast_in_dim3A_640 : vector<32x1xf32> to vector<32x1576xf32>
    %ge3A_642 = arith.cmpf oge, %select_n3A_637, %ge3A_641 : vector<32x1576xf32>
    %jit3A_643 = arith.constant 1576 : i32
    %broadcast_in_dim3A_644 = vector.broadcast %jit3A_643 : i32 to vector<32x1576xi32>
    %select_n3A_645 = arith.select %ge3A_642, %iota3A, %broadcast_in_dim3A_644 : vector<32x1576xi1>, vector<32x1576xi32>
    %reduce_min3A_646 = arith.constant dense<2147483647> : vector<32xi32>
    %reduce_min3A_647 = vector.multi_reduction <minsi>, %select_n3A_645, %reduce_min3A_646 [1] : vector<32x1576xi32> to vector<32xi32>
    %broadcast_in_dim3A_648 = vector.shape_cast %reduce_min3A_647 : vector<32xi32> to vector<32x1xi32>
    %eq3A_649 = vector.broadcast %broadcast_in_dim3A_648 : vector<32x1xi32> to vector<32x1576xi32>
    %eq3A_650 = arith.cmpi eq, %iota3A, %eq3A_649 : vector<32x1576xi32>
    %jit3A_651 = arith.constant 0xFF800000 : f32
    %broadcast_in_dim3A_652 = vector.broadcast %jit3A_651 : f32 to vector<32x1576xf32>
    %select_n3A_653 = arith.select %eq3A_650, %broadcast_in_dim3A_652, %select_n3A_637 : vector<32x1576xi1>, vector<32x1576xf32>
    %reduce_max3A_654 = arith.constant dense<0xFF800000> : vector<32xf32>
    %reduce_max3A_655 = vector.multi_reduction <maximumf>, %select_n3A_653, %reduce_max3A_654 [1] : vector<32x1576xf32> to vector<32xf32>
    %broadcast_in_dim3A_656 = vector.shape_cast %reduce_max3A_655 : vector<32xf32> to vector<32x1xf32>
    %ge3A_657 = vector.broadcast %broadcast_in_dim3A_656 : vector<32x1xf32> to vector<32x1576xf32>
    %ge3A_658 = arith.cmpf oge, %select_n3A_653, %ge3A_657 : vector<32x1576xf32>
    %jit3A_659 = arith.constant 1576 : i32
    %broadcast_in_dim3A_660 = vector.broadcast %jit3A_659 : i32 to vector<32x1576xi32>
    %select_n3A_661 = arith.select %ge3A_658, %iota3A, %broadcast_in_dim3A_660 : vector<32x1576xi1>, vector<32x1576xi32>
    %reduce_min3A_662 = arith.constant dense<2147483647> : vector<32xi32>
    %reduce_min3A_663 = vector.multi_reduction <minsi>, %select_n3A_661, %reduce_min3A_662 [1] : vector<32x1576xi32> to vector<32xi32>
    %broadcast_in_dim3A_664 = vector.shape_cast %reduce_min3A_663 : vector<32xi32> to vector<32x1xi32>
    %eq3A_665 = vector.broadcast %broadcast_in_dim3A_664 : vector<32x1xi32> to vector<32x1576xi32>
    %eq3A_666 = arith.cmpi eq, %iota3A, %eq3A_665 : vector<32x1576xi32>
    %jit3A_667 = arith.constant 0xFF800000 : f32
    %broadcast_in_dim3A_668 = vector.broadcast %jit3A_667 : f32 to vector<32x1576xf32>
    %select_n3A_669 = arith.select %eq3A_666, %broadcast_in_dim3A_668, %select_n3A_653 : vector<32x1576xi1>, vector<32x1576xf32>
    %reduce_max3A_670 = arith.constant dense<0xFF800000> : vector<32xf32>
    %reduce_max3A_671 = vector.multi_reduction <maximumf>, %select_n3A_669, %reduce_max3A_670 [1] : vector<32x1576xf32> to vector<32xf32>
    %broadcast_in_dim3A_672 = vector.shape_cast %reduce_max3A_671 : vector<32xf32> to vector<32x1xf32>
    %ge3A_673 = vector.broadcast %broadcast_in_dim3A_672 : vector<32x1xf32> to vector<32x1576xf32>
    %ge3A_674 = arith.cmpf oge, %select_n3A_669, %ge3A_673 : vector<32x1576xf32>
    %jit3A_675 = arith.constant 1576 : i32
    %broadcast_in_dim3A_676 = vector.broadcast %jit3A_675 : i32 to vector<32x1576xi32>
    %select_n3A_677 = arith.select %ge3A_674, %iota3A, %broadcast_in_dim3A_676 : vector<32x1576xi1>, vector<32x1576xi32>
    %reduce_min3A_678 = arith.constant dense<2147483647> : vector<32xi32>
    %reduce_min3A_679 = vector.multi_reduction <minsi>, %select_n3A_677, %reduce_min3A_678 [1] : vector<32x1576xi32> to vector<32xi32>
    %broadcast_in_dim3A_680 = vector.shape_cast %reduce_min3A_679 : vector<32xi32> to vector<32x1xi32>
    %eq3A_681 = vector.broadcast %broadcast_in_dim3A_680 : vector<32x1xi32> to vector<32x1576xi32>
    %eq3A_682 = arith.cmpi eq, %iota3A, %eq3A_681 : vector<32x1576xi32>
    %jit3A_683 = arith.constant 0xFF800000 : f32
    %broadcast_in_dim3A_684 = vector.broadcast %jit3A_683 : f32 to vector<32x1576xf32>
    %select_n3A_685 = arith.select %eq3A_682, %broadcast_in_dim3A_684, %select_n3A_669 : vector<32x1576xi1>, vector<32x1576xf32>
    %reduce_max3A_686 = arith.constant dense<0xFF800000> : vector<32xf32>
    %reduce_max3A_687 = vector.multi_reduction <maximumf>, %select_n3A_685, %reduce_max3A_686 [1] : vector<32x1576xf32> to vector<32xf32>
    %broadcast_in_dim3A_688 = vector.shape_cast %reduce_max3A_687 : vector<32xf32> to vector<32x1xf32>
    %ge3A_689 = vector.broadcast %broadcast_in_dim3A_688 : vector<32x1xf32> to vector<32x1576xf32>
    %ge3A_690 = arith.cmpf oge, %select_n3A_685, %ge3A_689 : vector<32x1576xf32>
    %jit3A_691 = arith.constant 1576 : i32
    %broadcast_in_dim3A_692 = vector.broadcast %jit3A_691 : i32 to vector<32x1576xi32>
    %select_n3A_693 = arith.select %ge3A_690, %iota3A, %broadcast_in_dim3A_692 : vector<32x1576xi1>, vector<32x1576xi32>
    %reduce_min3A_694 = arith.constant dense<2147483647> : vector<32xi32>
    %reduce_min3A_695 = vector.multi_reduction <minsi>, %select_n3A_693, %reduce_min3A_694 [1] : vector<32x1576xi32> to vector<32xi32>
    %broadcast_in_dim3A_696 = vector.shape_cast %reduce_min3A_695 : vector<32xi32> to vector<32x1xi32>
    %eq3A_697 = vector.broadcast %broadcast_in_dim3A_696 : vector<32x1xi32> to vector<32x1576xi32>
    %eq3A_698 = arith.cmpi eq, %iota3A, %eq3A_697 : vector<32x1576xi32>
    %jit3A_699 = arith.constant 0xFF800000 : f32
    %broadcast_in_dim3A_700 = vector.broadcast %jit3A_699 : f32 to vector<32x1576xf32>
    %select_n3A_701 = arith.select %eq3A_698, %broadcast_in_dim3A_700, %select_n3A_685 : vector<32x1576xi1>, vector<32x1576xf32>
    %reduce_max3A_702 = arith.constant dense<0xFF800000> : vector<32xf32>
    %reduce_max3A_703 = vector.multi_reduction <maximumf>, %select_n3A_701, %reduce_max3A_702 [1] : vector<32x1576xf32> to vector<32xf32>
    %broadcast_in_dim3A_704 = vector.shape_cast %reduce_max3A_703 : vector<32xf32> to vector<32x1xf32>
    %ge3A_705 = vector.broadcast %broadcast_in_dim3A_704 : vector<32x1xf32> to vector<32x1576xf32>
    %ge3A_706 = arith.cmpf oge, %select_n3A_701, %ge3A_705 : vector<32x1576xf32>
    %jit3A_707 = arith.constant 1576 : i32
    %broadcast_in_dim3A_708 = vector.broadcast %jit3A_707 : i32 to vector<32x1576xi32>
    %select_n3A_709 = arith.select %ge3A_706, %iota3A, %broadcast_in_dim3A_708 : vector<32x1576xi1>, vector<32x1576xi32>
    %reduce_min3A_710 = arith.constant dense<2147483647> : vector<32xi32>
    %reduce_min3A_711 = vector.multi_reduction <minsi>, %select_n3A_709, %reduce_min3A_710 [1] : vector<32x1576xi32> to vector<32xi32>
    %broadcast_in_dim3A_712 = vector.shape_cast %reduce_min3A_711 : vector<32xi32> to vector<32x1xi32>
    %eq3A_713 = vector.broadcast %broadcast_in_dim3A_712 : vector<32x1xi32> to vector<32x1576xi32>
    %eq3A_714 = arith.cmpi eq, %iota3A, %eq3A_713 : vector<32x1576xi32>
    %jit3A_715 = arith.constant 0xFF800000 : f32
    %broadcast_in_dim3A_716 = vector.broadcast %jit3A_715 : f32 to vector<32x1576xf32>
    %select_n3A_717 = arith.select %eq3A_714, %broadcast_in_dim3A_716, %select_n3A_701 : vector<32x1576xi1>, vector<32x1576xf32>
    %reduce_max3A_718 = arith.constant dense<0xFF800000> : vector<32xf32>
    %reduce_max3A_719 = vector.multi_reduction <maximumf>, %select_n3A_717, %reduce_max3A_718 [1] : vector<32x1576xf32> to vector<32xf32>
    %broadcast_in_dim3A_720 = vector.shape_cast %reduce_max3A_719 : vector<32xf32> to vector<32x1xf32>
    %ge3A_721 = vector.broadcast %broadcast_in_dim3A_720 : vector<32x1xf32> to vector<32x1576xf32>
    %ge3A_722 = arith.cmpf oge, %select_n3A_717, %ge3A_721 : vector<32x1576xf32>
    %jit3A_723 = arith.constant 1576 : i32
    %broadcast_in_dim3A_724 = vector.broadcast %jit3A_723 : i32 to vector<32x1576xi32>
    %select_n3A_725 = arith.select %ge3A_722, %iota3A, %broadcast_in_dim3A_724 : vector<32x1576xi1>, vector<32x1576xi32>
    %reduce_min3A_726 = arith.constant dense<2147483647> : vector<32xi32>
    %reduce_min3A_727 = vector.multi_reduction <minsi>, %select_n3A_725, %reduce_min3A_726 [1] : vector<32x1576xi32> to vector<32xi32>
    %broadcast_in_dim3A_728 = vector.shape_cast %reduce_min3A_727 : vector<32xi32> to vector<32x1xi32>
    %eq3A_729 = vector.broadcast %broadcast_in_dim3A_728 : vector<32x1xi32> to vector<32x1576xi32>
    %eq3A_730 = arith.cmpi eq, %iota3A, %eq3A_729 : vector<32x1576xi32>
    %jit3A_731 = arith.constant 0xFF800000 : f32
    %broadcast_in_dim3A_732 = vector.broadcast %jit3A_731 : f32 to vector<32x1576xf32>
    %select_n3A_733 = arith.select %eq3A_730, %broadcast_in_dim3A_732, %select_n3A_717 : vector<32x1576xi1>, vector<32x1576xf32>
    %reduce_max3A_734 = arith.constant dense<0xFF800000> : vector<32xf32>
    %reduce_max3A_735 = vector.multi_reduction <maximumf>, %select_n3A_733, %reduce_max3A_734 [1] : vector<32x1576xf32> to vector<32xf32>
    %broadcast_in_dim3A_736 = vector.shape_cast %reduce_max3A_735 : vector<32xf32> to vector<32x1xf32>
    %ge3A_737 = vector.broadcast %broadcast_in_dim3A_736 : vector<32x1xf32> to vector<32x1576xf32>
    %ge3A_738 = arith.cmpf oge, %select_n3A_733, %ge3A_737 : vector<32x1576xf32>
    %jit3A_739 = arith.constant 1576 : i32
    %broadcast_in_dim3A_740 = vector.broadcast %jit3A_739 : i32 to vector<32x1576xi32>
    %select_n3A_741 = arith.select %ge3A_738, %iota3A, %broadcast_in_dim3A_740 : vector<32x1576xi1>, vector<32x1576xi32>
    %reduce_min3A_742 = arith.constant dense<2147483647> : vector<32xi32>
    %reduce_min3A_743 = vector.multi_reduction <minsi>, %select_n3A_741, %reduce_min3A_742 [1] : vector<32x1576xi32> to vector<32xi32>
    %broadcast_in_dim3A_744 = vector.shape_cast %reduce_min3A_743 : vector<32xi32> to vector<32x1xi32>
    %eq3A_745 = vector.broadcast %broadcast_in_dim3A_744 : vector<32x1xi32> to vector<32x1576xi32>
    %eq3A_746 = arith.cmpi eq, %iota3A, %eq3A_745 : vector<32x1576xi32>
    %jit3A_747 = arith.constant 0xFF800000 : f32
    %broadcast_in_dim3A_748 = vector.broadcast %jit3A_747 : f32 to vector<32x1576xf32>
    %select_n3A_749 = arith.select %eq3A_746, %broadcast_in_dim3A_748, %select_n3A_733 : vector<32x1576xi1>, vector<32x1576xf32>
    %reduce_max3A_750 = arith.constant dense<0xFF800000> : vector<32xf32>
    %reduce_max3A_751 = vector.multi_reduction <maximumf>, %select_n3A_749, %reduce_max3A_750 [1] : vector<32x1576xf32> to vector<32xf32>
    %broadcast_in_dim3A_752 = vector.shape_cast %reduce_max3A_751 : vector<32xf32> to vector<32x1xf32>
    %ge3A_753 = vector.broadcast %broadcast_in_dim3A_752 : vector<32x1xf32> to vector<32x1576xf32>
    %ge3A_754 = arith.cmpf oge, %select_n3A_749, %ge3A_753 : vector<32x1576xf32>
    %jit3A_755 = arith.constant 1576 : i32
    %broadcast_in_dim3A_756 = vector.broadcast %jit3A_755 : i32 to vector<32x1576xi32>
    %select_n3A_757 = arith.select %ge3A_754, %iota3A, %broadcast_in_dim3A_756 : vector<32x1576xi1>, vector<32x1576xi32>
    %reduce_min3A_758 = arith.constant dense<2147483647> : vector<32xi32>
    %reduce_min3A_759 = vector.multi_reduction <minsi>, %select_n3A_757, %reduce_min3A_758 [1] : vector<32x1576xi32> to vector<32xi32>
    %broadcast_in_dim3A_760 = vector.shape_cast %reduce_min3A_759 : vector<32xi32> to vector<32x1xi32>
    %eq3A_761 = vector.broadcast %broadcast_in_dim3A_760 : vector<32x1xi32> to vector<32x1576xi32>
    %eq3A_762 = arith.cmpi eq, %iota3A, %eq3A_761 : vector<32x1576xi32>
    %jit3A_763 = arith.constant 0xFF800000 : f32
    %broadcast_in_dim3A_764 = vector.broadcast %jit3A_763 : f32 to vector<32x1576xf32>
    %select_n3A_765 = arith.select %eq3A_762, %broadcast_in_dim3A_764, %select_n3A_749 : vector<32x1576xi1>, vector<32x1576xf32>
    %reduce_max3A_766 = arith.constant dense<0xFF800000> : vector<32xf32>
    %reduce_max3A_767 = vector.multi_reduction <maximumf>, %select_n3A_765, %reduce_max3A_766 [1] : vector<32x1576xf32> to vector<32xf32>
    %broadcast_in_dim3A_768 = vector.shape_cast %reduce_max3A_767 : vector<32xf32> to vector<32x1xf32>
    %ge3A_769 = vector.broadcast %broadcast_in_dim3A_768 : vector<32x1xf32> to vector<32x1576xf32>
    %ge3A_770 = arith.cmpf oge, %select_n3A_765, %ge3A_769 : vector<32x1576xf32>
    %jit3A_771 = arith.constant 1576 : i32
    %broadcast_in_dim3A_772 = vector.broadcast %jit3A_771 : i32 to vector<32x1576xi32>
    %select_n3A_773 = arith.select %ge3A_770, %iota3A, %broadcast_in_dim3A_772 : vector<32x1576xi1>, vector<32x1576xi32>
    %reduce_min3A_774 = arith.constant dense<2147483647> : vector<32xi32>
    %reduce_min3A_775 = vector.multi_reduction <minsi>, %select_n3A_773, %reduce_min3A_774 [1] : vector<32x1576xi32> to vector<32xi32>
    %broadcast_in_dim3A_776 = vector.shape_cast %reduce_min3A_775 : vector<32xi32> to vector<32x1xi32>
    %eq3A_777 = vector.broadcast %broadcast_in_dim3A_776 : vector<32x1xi32> to vector<32x1576xi32>
    %eq3A_778 = arith.cmpi eq, %iota3A, %eq3A_777 : vector<32x1576xi32>
    %jit3A_779 = arith.constant 0xFF800000 : f32
    %broadcast_in_dim3A_780 = vector.broadcast %jit3A_779 : f32 to vector<32x1576xf32>
    %select_n3A_781 = arith.select %eq3A_778, %broadcast_in_dim3A_780, %select_n3A_765 : vector<32x1576xi1>, vector<32x1576xf32>
    %reduce_max3A_782 = arith.constant dense<0xFF800000> : vector<32xf32>
    %reduce_max3A_783 = vector.multi_reduction <maximumf>, %select_n3A_781, %reduce_max3A_782 [1] : vector<32x1576xf32> to vector<32xf32>
    %broadcast_in_dim3A_784 = vector.shape_cast %reduce_max3A_783 : vector<32xf32> to vector<32x1xf32>
    %ge3A_785 = vector.broadcast %broadcast_in_dim3A_784 : vector<32x1xf32> to vector<32x1576xf32>
    %ge3A_786 = arith.cmpf oge, %select_n3A_781, %ge3A_785 : vector<32x1576xf32>
    %jit3A_787 = arith.constant 1576 : i32
    %broadcast_in_dim3A_788 = vector.broadcast %jit3A_787 : i32 to vector<32x1576xi32>
    %select_n3A_789 = arith.select %ge3A_786, %iota3A, %broadcast_in_dim3A_788 : vector<32x1576xi1>, vector<32x1576xi32>
    %reduce_min3A_790 = arith.constant dense<2147483647> : vector<32xi32>
    %reduce_min3A_791 = vector.multi_reduction <minsi>, %select_n3A_789, %reduce_min3A_790 [1] : vector<32x1576xi32> to vector<32xi32>
    %broadcast_in_dim3A_792 = vector.shape_cast %reduce_min3A_791 : vector<32xi32> to vector<32x1xi32>
    %eq3A_793 = vector.broadcast %broadcast_in_dim3A_792 : vector<32x1xi32> to vector<32x1576xi32>
    %eq3A_794 = arith.cmpi eq, %iota3A, %eq3A_793 : vector<32x1576xi32>
    %jit3A_795 = arith.constant 0xFF800000 : f32
    %broadcast_in_dim3A_796 = vector.broadcast %jit3A_795 : f32 to vector<32x1576xf32>
    %select_n3A_797 = arith.select %eq3A_794, %broadcast_in_dim3A_796, %select_n3A_781 : vector<32x1576xi1>, vector<32x1576xf32>
    %reduce_max3A_798 = arith.constant dense<0xFF800000> : vector<32xf32>
    %reduce_max3A_799 = vector.multi_reduction <maximumf>, %select_n3A_797, %reduce_max3A_798 [1] : vector<32x1576xf32> to vector<32xf32>
    %broadcast_in_dim3A_800 = vector.shape_cast %reduce_max3A_799 : vector<32xf32> to vector<32x1xf32>
    %ge3A_801 = vector.broadcast %broadcast_in_dim3A_800 : vector<32x1xf32> to vector<32x1576xf32>
    %ge3A_802 = arith.cmpf oge, %select_n3A_797, %ge3A_801 : vector<32x1576xf32>
    %jit3A_803 = arith.constant 1576 : i32
    %broadcast_in_dim3A_804 = vector.broadcast %jit3A_803 : i32 to vector<32x1576xi32>
    %select_n3A_805 = arith.select %ge3A_802, %iota3A, %broadcast_in_dim3A_804 : vector<32x1576xi1>, vector<32x1576xi32>
    %reduce_min3A_806 = arith.constant dense<2147483647> : vector<32xi32>
    %reduce_min3A_807 = vector.multi_reduction <minsi>, %select_n3A_805, %reduce_min3A_806 [1] : vector<32x1576xi32> to vector<32xi32>
    %broadcast_in_dim3A_808 = vector.shape_cast %reduce_min3A_807 : vector<32xi32> to vector<32x1xi32>
    %concatenate3A = tpu.concatenate %broadcast_in_dim3A_21, %broadcast_in_dim3A_32, %broadcast_in_dim3A_48, %broadcast_in_dim3A_64, %broadcast_in_dim3A_80, %broadcast_in_dim3A_96, %broadcast_in_dim3A_112, %broadcast_in_dim3A_128, %broadcast_in_dim3A_144, %broadcast_in_dim3A_160, %broadcast_in_dim3A_176, %broadcast_in_dim3A_192, %broadcast_in_dim3A_208, %broadcast_in_dim3A_224, %broadcast_in_dim3A_240, %broadcast_in_dim3A_256, %broadcast_in_dim3A_272, %broadcast_in_dim3A_288, %broadcast_in_dim3A_304, %broadcast_in_dim3A_320, %broadcast_in_dim3A_336, %broadcast_in_dim3A_352, %broadcast_in_dim3A_368, %broadcast_in_dim3A_384, %broadcast_in_dim3A_400, %broadcast_in_dim3A_416, %broadcast_in_dim3A_432, %broadcast_in_dim3A_448, %broadcast_in_dim3A_464, %broadcast_in_dim3A_480, %broadcast_in_dim3A_496, %broadcast_in_dim3A_512, %broadcast_in_dim3A_528, %broadcast_in_dim3A_544, %broadcast_in_dim3A_560, %broadcast_in_dim3A_576, %broadcast_in_dim3A_592, %broadcast_in_dim3A_608, %broadcast_in_dim3A_624, %broadcast_in_dim3A_640, %broadcast_in_dim3A_656, %broadcast_in_dim3A_672, %broadcast_in_dim3A_688, %broadcast_in_dim3A_704, %broadcast_in_dim3A_720, %broadcast_in_dim3A_736, %broadcast_in_dim3A_752, %broadcast_in_dim3A_768, %broadcast_in_dim3A_784, %broadcast_in_dim3A_800 in 1 : vector<32x1xf32>, vector<32x1xf32>, vector<32x1xf32>, vector<32x1xf32>, vector<32x1xf32>, vector<32x1xf32>, vector<32x1xf32>, vector<32x1xf32>, vector<32x1xf32>, vector<32x1xf32>, vector<32x1xf32>, vector<32x1xf32>, vector<32x1xf32>, vector<32x1xf32>, vector<32x1xf32>, vector<32x1xf32>, vector<32x1xf32>, vector<32x1xf32>, vector<32x1xf32>, vector<32x1xf32>, vector<32x1xf32>, vector<32x1xf32>, vector<32x1xf32>, vector<32x1xf32>, vector<32x1xf32>, vector<32x1xf32>, vector<32x1xf32>, vector<32x1xf32>, vector<32x1xf32>, vector<32x1xf32>, vector<32x1xf32>, vector<32x1xf32>, vector<32x1xf32>, vector<32x1xf32>, vector<32x1xf32>, vector<32x1xf32>, vector<32x1xf32>, vector<32x1xf32>, vector<32x1xf32>, vector<32x1xf32>, vector<32x1xf32>, vector<32x1xf32>, vector<32x1xf32>, vector<32x1xf32>, vector<32x1xf32>, vector<32x1xf32>, vector<32x1xf32>, vector<32x1xf32>, vector<32x1xf32>, vector<32x1xf32> -> vector<32x50xf32>
    %concatenate3A_809 = tpu.concatenate %broadcast_in_dim3A_25, %broadcast_in_dim3A_40, %broadcast_in_dim3A_56, %broadcast_in_dim3A_72, %broadcast_in_dim3A_88, %broadcast_in_dim3A_104, %broadcast_in_dim3A_120, %broadcast_in_dim3A_136, %broadcast_in_dim3A_152, %broadcast_in_dim3A_168, %broadcast_in_dim3A_184, %broadcast_in_dim3A_200, %broadcast_in_dim3A_216, %broadcast_in_dim3A_232, %broadcast_in_dim3A_248, %broadcast_in_dim3A_264, %broadcast_in_dim3A_280, %broadcast_in_dim3A_296, %broadcast_in_dim3A_312, %broadcast_in_dim3A_328, %broadcast_in_dim3A_344, %broadcast_in_dim3A_360, %broadcast_in_dim3A_376, %broadcast_in_dim3A_392, %broadcast_in_dim3A_408, %broadcast_in_dim3A_424, %broadcast_in_dim3A_440, %broadcast_in_dim3A_456, %broadcast_in_dim3A_472, %broadcast_in_dim3A_488, %broadcast_in_dim3A_504, %broadcast_in_dim3A_520, %broadcast_in_dim3A_536, %broadcast_in_dim3A_552, %broadcast_in_dim3A_568, %broadcast_in_dim3A_584, %broadcast_in_dim3A_600, %broadcast_in_dim3A_616, %broadcast_in_dim3A_632, %broadcast_in_dim3A_648, %broadcast_in_dim3A_664, %broadcast_in_dim3A_680, %broadcast_in_dim3A_696, %broadcast_in_dim3A_712, %broadcast_in_dim3A_728, %broadcast_in_dim3A_744, %broadcast_in_dim3A_760, %broadcast_in_dim3A_776, %broadcast_in_dim3A_792, %broadcast_in_dim3A_808 in 1 : vector<32x1xi32>, vector<32x1xi32>, vector<32x1xi32>, vector<32x1xi32>, vector<32x1xi32>, vector<32x1xi32>, vector<32x1xi32>, vector<32x1xi32>, vector<32x1xi32>, vector<32x1xi32>, vector<32x1xi32>, vector<32x1xi32>, vector<32x1xi32>, vector<32x1xi32>, vector<32x1xi32>, vector<32x1xi32>, vector<32x1xi32>, vector<32x1xi32>, vector<32x1xi32>, vector<32x1xi32>, vector<32x1xi32>, vector<32x1xi32>, vector<32x1xi32>, vector<32x1xi32>, vector<32x1xi32>, vector<32x1xi32>, vector<32x1xi32>, vector<32x1xi32>, vector<32x1xi32>, vector<32x1xi32>, vector<32x1xi32>, vector<32x1xi32>, vector<32x1xi32>, vector<32x1xi32>, vector<32x1xi32>, vector<32x1xi32>, vector<32x1xi32>, vector<32x1xi32>, vector<32x1xi32>, vector<32x1xi32>, vector<32x1xi32>, vector<32x1xi32>, vector<32x1xi32>, vector<32x1xi32>, vector<32x1xi32>, vector<32x1xi32>, vector<32x1xi32>, vector<32x1xi32>, vector<32x1xi32>, vector<32x1xi32> -> vector<32x50xi32>
    %swap3A = arith.constant 0 : index
    %swap3A_810 = arith.constant 0 : index
    %swap3A_811 = vector.load %arg3[%swap3A, %swap3A_810] : memref<32x50xi32, #tpu.memory_space<vmem>>, vector<32x50xi32>
    tpu.vector_store %arg3[%swap3A, %swap3A_810], %concatenate3A_809 {strides = array<i32>} : memref<32x50xi32, #tpu.memory_space<vmem>>, vector<32x50xi32>,
    %slice3A = vector.extract_strided_slice %concatenate3A {offsets = [0, 0], sizes = [32, 1], strides = [1, 1]} : vector<32x50xf32> to vector<32x1xf32>
    %sub3A = vector.broadcast %slice3A : vector<32x1xf32> to vector<32x50xf32>
    %sub3A_812 = arith.subf %concatenate3A, %sub3A : vector<32x50xf32>
    %exp3A = math.exp %sub3A_812 : vector<32x50xf32>
    %reduce_sum3A_813 = arith.constant dense<0.000000e+00> : vector<32xf32>
    %reduce_sum3A_814 = vector.multi_reduction <add>, %exp3A, %reduce_sum3A_813 [1] : vector<32x50xf32> to vector<32xf32>
    %broadcast_in_dim3A_815 = vector.shape_cast %reduce_sum3A_814 : vector<32xf32> to vector<32x1xf32>
    %div3A_816 = vector.broadcast %broadcast_in_dim3A_815 : vector<32x1xf32> to vector<32x50xf32>
    %div3A_817 = arith.divf %exp3A, %div3A_816 : vector<32x50xf32>
    %get3A_818 = arith.constant 0 : index
    %get3A_819 = memref.load %arg2[%get3A_818] : memref<1xf32, #tpu.memory_space<smem>>
    %mul3A_820 = vector.broadcast %get3A_819 : f32 to vector<32x50xf32>
    %mul3A_821 = arith.mulf %div3A_817, %mul3A_820 : vector<32x50xf32>
    %broadcast_in_dim3A_822 = arith.constant 1.000000e+00 : f32
    %broadcast_in_dim3A_823 = vector.broadcast %broadcast_in_dim3A_822 : f32 to vector<32x1xf32>
    %sub3A_824 = vector.broadcast %get3A_819 : f32 to vector<32x1xf32>
    %sub3A_825 = arith.subf %broadcast_in_dim3A_823, %sub3A_824 : vector<32x1xf32>
    %broadcast_in_dim3A_826 = arith.constant 0.000000e+00 : f32
    %broadcast_in_dim3A_827 = vector.broadcast %broadcast_in_dim3A_826 : f32 to vector<32x13xf32>
    %concatenate3A_828 = tpu.concatenate %mul3A_821, %sub3A_825, %broadcast_in_dim3A_827 in 1 : vector<32x50xf32>, vector<32x1xf32>, vector<32x13xf32> -> vector<32x64xf32>
    %swap3A_829 = arith.constant 0 : index
    %swap3A_830 = arith.constant 0 : index
    %swap3A_831 = vector.load %arg4[%swap3A_829, %swap3A_830] : memref<32x64xf32, #tpu.memory_space<vmem>>, vector<32x64xf32>
    tpu.vector_store %arg4[%swap3A_829, %swap3A_830], %concatenate3A_828 {strides = array<i32>} : memref<32x64xf32, #tpu.memory_space<vmem>>, vector<32x64xf32>,
    %broadcast_in_dim3A_832 = vector.shape_cast %concatenate3A_828 : vector<32x64xf32> to vector<32x64x1xf32>
    %broadcast_in_dim3A_833 = vector.shape_cast %broadcast_in_dim3A_832 : vector<32x64x1xf32> to vector<32x64x1xf32>
    %broadcast_in_dim3A_834 = vector.broadcast %broadcast_in_dim3A_833 : vector<32x64x1xf32> to vector<32x64x16xf32>
    %swap3A_835 = arith.constant 0 : index
    %swap3A_836 = arith.constant 0 : index
    %swap3A_837 = arith.constant 0 : index
    %swap3A_838 = vector.load %arg6[%swap3A_835, %swap3A_836, %swap3A_837] : memref<32x64x16xf32, #tpu.memory_space<vmem>>, vector<32x64x16xf32>
    tpu.vector_store %arg6[%swap3A_835, %swap3A_836, %swap3A_837], %broadcast_in_dim3A_834 {strides = array<i32>} : memref<32x64x16xf32, #tpu.memory_space<vmem>>, vector<32x64x16xf32>,
    %iota3A_839 = tpu.iota {dimensions = array<i32: 2>} : vector<32x50x64xi32>
    %broadcast_in_dim3A_840 = vector.shape_cast %concatenate3A_809 : vector<32x50xi32> to vector<32x50x1xi32>
    %mul3A_841 = arith.constant 64 : i32
    %mul3A_842 = vector.broadcast %mul3A_841 : i32 to vector<32x50x1xi32>
    %mul3A_843 = arith.muli %broadcast_in_dim3A_840, %mul3A_842 : vector<32x50x1xi32>
    %add3A = vector.broadcast %mul3A_843 : vector<32x50x1xi32> to vector<32x50x64xi32>
    %add3A_844 = arith.addi %add3A, %iota3A_839 : vector<32x50x64xi32>
    %swap3A_845 = arith.constant 0 : index
    %swap3A_846 = arith.constant 0 : index
    %swap3A_847 = arith.constant 0 : index
    %swap3A_848 = vector.load %arg5[%swap3A_845, %swap3A_846, %swap3A_847] : memref<32x50x64xi32, #tpu.memory_space<vmem>>, vector<32x50x64xi32>
    tpu.vector_store %arg5[%swap3A_845, %swap3A_846, %swap3A_847], %add3A_844 {strides = array<i32>} : memref<32x50x64xi32, #tpu.memory_space<vmem>>, vector<32x50x64xi32>,
    return
  }
}

module attributes {stable_mosaic.version = 14 : i64} {
  func.func @_tc_gather_body(%arg0: i32, %arg1: i32, %arg2: memref<16x50xi32, #tpu.memory_space<smem>>, %arg3: memref<16x64xf32, #tpu.memory_space<smem>>, %arg4: memref<64x512xf32, #tpu.memory_space<vmem>>, %arg5: memref<1x64x512xf32, #tpu.memory_space<vmem>>, %arg6: memref<1x64x512xf32, #tpu.memory_space<vmem>>) attributes {dimension_semantics = [#tpu.dimension_semantics<arbitrary>, #tpu.dimension_semantics<arbitrary>], iteration_bounds = array<i64: 16, 50>, scalar_prefetch = 2 : i64, scratch_operands = 0 : i64, tpu.core_type = #tpu.core_type<tc>, window_params = [{transform_indices = @transform_0, window_bounds = array<i64: 64, 512>}, {transform_indices = @transform_1, window_bounds = array<i64: 1, 64, 512>}, {transform_indices = @transform_2, window_bounds = array<i64: 1, 64, 512>}]} {
    %get3A = arith.index_cast %arg0 : i32 to index
    %get3A_0 = arith.index_cast %arg1 : i32 to index
    %get3A_1 = memref.load %arg3[%get3A, %get3A_0] : memref<16x64xf32, #tpu.memory_space<smem>>
    %eq3A = arith.constant 0 : i32
    %eq3A_2 = arith.cmpi eq, %arg1, %eq3A : i32
    %convert_element_type3A = arith.extui %eq3A_2 : i1 to i32
    %cond3A = arith.constant 0 : i32
    %cond3A_3 = arith.cmpi ne, %convert_element_type3A, %cond3A : i32
    scf.if %cond3A_3 {
      %get3A_15 = arith.constant 0 : index
      %get3A_16 = arith.constant 0 : index
      %get3A_17 = arith.constant 0 : index
      %get3A_18 = vector.load %arg5[%get3A_15, %get3A_16, %get3A_17] : memref<1x64x512xf32, #tpu.memory_space<vmem>>, vector<1x64x512xf32>
      %get3A_19 = arith.index_cast %arg0 : i32 to index
      %get3A_20 = arith.constant 50 : index
      %get3A_21 = memref.load %arg3[%get3A_19, %get3A_20] : memref<16x64xf32, #tpu.memory_space<smem>>
      %mul3A_22 = vector.broadcast %get3A_21 : f32 to vector<1x64x512xf32>
      %mul3A_23 = arith.mulf %get3A_18, %mul3A_22 : vector<1x64x512xf32>
      %swap3A_24 = arith.constant 0 : index
      %swap3A_25 = arith.constant 0 : index
      %swap3A_26 = arith.constant 0 : index
      %swap3A_27 = vector.load %arg6[%swap3A_24, %swap3A_25, %swap3A_26] : memref<1x64x512xf32, #tpu.memory_space<vmem>>, vector<1x64x512xf32>
      tpu.vector_store %arg6[%swap3A_24, %swap3A_25, %swap3A_26], %mul3A_23 {strides = array<i32>} : memref<1x64x512xf32, #tpu.memory_space<vmem>>, vector<1x64x512xf32>,
    } else {
    }
    %get3A_4 = arith.constant 0 : index
    %get3A_5 = arith.constant 0 : index
    %get3A_6 = arith.constant 0 : index
    %get3A_7 = vector.load %arg6[%get3A_4, %get3A_5, %get3A_6] : memref<1x64x512xf32, #tpu.memory_space<vmem>>, vector<1x64x512xf32>
    %get3A_8 = arith.constant 0 : index
    %get3A_9 = arith.constant 0 : index
    %get3A_10 = vector.load %arg4[%get3A_8, %get3A_9] : memref<64x512xf32, #tpu.memory_space<vmem>>, vector<64x512xf32>
    %mul3A = vector.broadcast %get3A_1 : f32 to vector<64x512xf32>
    %mul3A_11 = arith.mulf %get3A_10, %mul3A : vector<64x512xf32>
    %broadcast_in_dim3A = vector.shape_cast %mul3A_11 : vector<64x512xf32> to vector<1x64x512xf32>
    %add3A = arith.addf %get3A_7, %broadcast_in_dim3A : vector<1x64x512xf32>
    %swap3A = arith.constant 0 : index
    %swap3A_12 = arith.constant 0 : index
    %swap3A_13 = arith.constant 0 : index
    %swap3A_14 = vector.load %arg6[%swap3A, %swap3A_12, %swap3A_13] : memref<1x64x512xf32, #tpu.memory_space<vmem>>, vector<1x64x512xf32>
    tpu.vector_store %arg6[%swap3A, %swap3A_12, %swap3A_13], %add3A {strides = array<i32>} : memref<1x64x512xf32, #tpu.memory_space<vmem>>, vector<1x64x512xf32>,
    return
  }
  func.func @transform_0(%arg0: i32, %arg1: i32, %arg2: memref<16x50xi32, #tpu.memory_space<smem>>, %arg3: memref<16x64xf32, #tpu.memory_space<smem>>) -> (i32, i32) {
    %get3A = arith.index_cast %arg0 : i32 to index
    %get3A_0 = arith.index_cast %arg1 : i32 to index
    %get3A_1 = memref.load %arg2[%get3A, %get3A_0] : memref<16x50xi32, #tpu.memory_space<smem>>
    %c0_i32 = arith.constant 0 : i32
    %c0_i32_2 = arith.constant 0 : i32
    return %get3A_1, %c0_i32 : i32, i32
  }
  func.func @transform_1(%arg0: i32, %arg1: i32, %arg2: memref<16x50xi32, #tpu.memory_space<smem>>, %arg3: memref<16x64xf32, #tpu.memory_space<smem>>) -> (i32, i32, i32) {
    %c0_i32 = arith.constant 0 : i32
    %c0_i32_0 = arith.constant 0 : i32
    %c0_i32_1 = arith.constant 0 : i32
    return %arg0, %c0_i32, %c0_i32_0 : i32, i32, i32
  }
  func.func @transform_2(%arg0: i32, %arg1: i32, %arg2: memref<16x50xi32, #tpu.memory_space<smem>>, %arg3: memref<16x64xf32, #tpu.memory_space<smem>>) -> (i32, i32, i32) {
    %c0_i32 = arith.constant 0 : i32
    %c0_i32_0 = arith.constant 0 : i32
    %c0_i32_1 = arith.constant 0 : i32
    return %arg0, %c0_i32, %c0_i32_0 : i32, i32, i32
  }
}

</mosaic_0001>

<sc_bundles>
// kernel: kernel.5.cloned.1.call-start
scs
__scs_entry_jumppad:
0x0: {  	(pc) =	sbr.rel $0x88, $3  }
0x1: {  	(tag) =	ssettag $0x0;
	lr =	simm.s32 $0x1  }
0x2: {  	[smem:$0x3F9C] =	sst lr;
	_ =	strace $0xD0000000  }
0x3: {  	_ = 	snop  }
0x4: {  	_ = 	snop  }
0x5: {  	_ = 	snop  }
0x6: {  	_ = 	snop  }
0x7: {  	_ = 	snop  }
__scs_overlays_trampoline_lowered:
0x8: {  	[smem:$0x3FAB] =	sst s0  }
0x9: {  	[smem:$0x3FAC] =	sst s1  }
0xa: {  	[smem:$0x3FAD] =	sst s2  }
0xb: {  	[smem:$0x3FAE] =	sst s3  }
0xc: {  	[smem:$0x3FAF] =	sst s4  }
0xd: {  	[smem:$0x3FB0] =	sst s5  }
0xe: {  	[smem:$0x3FB1] =	sst s6  }
0xf: {  	[smem:$0x3FB2] =	sst s7  }
0x10: {  	[smem:$0x3FB3] =	sst s8  }
0x11: {  	[smem:$0x3FB4] =	sst s9;
	s0 =	simm.s32 @!p0 $0x0  }
0x12: {  	s1 =	sld [smem:$0x3F9A];
	s0 =	simm.s32 @p0 $0x1  }
0x13: {  	[smem:$0x3FB5] =	sst s0;
	s0 =	simm.s32 @!p1 $0x0  }
0x14: {  	s2 =	sld [smem:$0x3F99];
	s0 =	simm.s32 @p1 $0x1  }
0x15: {  	[smem:$0x3FB6] =	sst s0;
	s0 =	simm.s32 @!p2 $0x0  }
0x16: {  	s3 =	sld [smem:$0x3FDB];
	s0 =	simm.s32 @p2 $0x1  }
0x17: {  	s4 =	simm.s32 $0x1BF5;
	[smem:$0x3FB8] =	sst s0  }
0x18: {  	s0 =	sld [smem:$0x3F9B];
	_ =	swait.ge [sflag:s4], $0x0  }
0x19: {  	s7 =	sld [smem:$0x3F9C]  }
0x1a: {  	s8 =	sadd.s32 $0xFFFFE003, lr  }
0x1b: {  	s9 =	sadd.s32 $0xFFFFFEF7, lr;
	s5 =	simm.s32 $0xFFFFFFFF;
	p2 =	slt.u32 s8, $0xFFFFF086  }
0x1c: {  	p1 =	slt.u32 s9, $0xF7A;
	s5 =	simm.s32 @!p2 $0x0  }
0x1d: {  	s5 =	simm.s32 @p1 $0x1;
	p0 =	seq.s32 s7, s2  }
0x1e: {  	s7 =	smul.u32 @!p0 $0xF7A, s2;
	p2 =	seq.s32 @!p0 s5, $0x0  }
0x1f: {  	s9 =	smul.u32 $0xF7A, s1;
	s8 =	simm.s32 @!p0 $0x1BF5;
	p2 =	por !p2, p0  }
0x20: {  	[sflag:s8] =	ssyncset.s32 @!p0 $0xFFFFF086;
	s6 =	sadd.s32 @!p0 s3, s7;
	s7 =	simm.s32 @!p0 $0x108  }
0x21: {  	s3 =	sadd.s32 s3, s9;
	s6 =	sadd.s32 @!p0 $0x88, s6;
	s7 =	simm.s32 @p2 $0x1082  }
0x22: {  	[simem:s7], [sflag:s8] =	dma.local @!p0 [hbm:s6], $0xF7A  }
0x23: {  	s9 =	sor.u32 $0xD0000000, s2;
	s6 =	simm.s32 $0x108;
	_ =	swait.ge @!p0 [sflag:s8], $0x0  }
0x24: {  	s3 =	sadd.s32 $0x88, s3;
	s6 =	simm.s32 @!p1 $0x1082;
	[sflag:s4] =	ssyncset.s32 $0xFFFFF086  }
0x25: {  	[simem:s6], [sflag:s4] =	dma.local [hbm:s3], $0xF7A  }
0x26: {  	[smem:$0x3F9C] =	sst s1;
	(tag) =	ssettag s2;
	_ =	strace s9  }
0x27: {  	s1 =	sld [smem:$0x3FAC]  }
0x28: {  	s2 =	sld [smem:$0x3FAD]  }
0x29: {  	s4 =	sld [smem:$0x3FAF]  }
0x2a: {  	p0 =	seq.s32 s5, $0x0;
	s5 =	sld [smem:$0x3FB0]  }
0x2b: {  	s6 =	sld [smem:$0x3FB1]  }
0x2c: {  	s7 =	sld [smem:$0x3FB2]  }
0x2d: {  	s3 =	simm.s32 $0x108;
	s8 =	sld [smem:$0x3FB3]  }
0x2e: {  	s3 =	simm.s32 @!p0 $0x1082;
	s9 =	sld [smem:$0x3FB4]  }
0x2f: {  	lr =	sadd.s32 s0, s3;
	s0 =	sld [smem:$0x3FAB]  }
0x30: {  	s3 =	sld [smem:$0x3FAE]  }
0x31: {  	[smem:$0x3FB7] =	sst s10  }
0x32: {  	s10 =	sld [smem:$0x3FB5];
	_ =	sdelay $0x3  }
0x33: {  	p0 =	seq.s32 s10, $0x1;
	s10 =	sld [smem:$0x3FB7];
	_ =	sdelay $0x3  }
0x34: {  	[smem:$0x3FB7] =	sst s10  }
0x35: {  	s10 =	sld [smem:$0x3FB6];
	_ =	sdelay $0x3  }
0x36: {  	p1 =	seq.s32 s10, $0x1;
	s10 =	sld [smem:$0x3FB7];
	_ =	sdelay $0x3  }
0x37: {  	[smem:$0x3FB7] =	sst s10  }
0x38: {  	s10 =	sld [smem:$0x3FB8]  }
0x39: {  	_ = 	snop;
	(pc) =	sbr.ind lr, $3  }
0x3a: {  	_ = 	snop  }
0x3b: {  	_ = 	snop  }
0x3c: {  	p2 =	seq.s32 s10, $0x1;
	s10 =	sld [smem:$0x3FB7]  }
0x3d: {  	_ =	shalt  }
0x3e: {  	_ =	shalt  }
0x3f: {  	_ =	shalt  }
0x40: {  	_ =	shalt  }
0x41: {  	_ =	shalt  }
0x42: {  	_ =	shalt  }
0x43: {  	_ =	shalt  }
0x44: {  	_ =	shalt  }
0x45: {  	_ =	shalt  }
0x46: {  	_ =	shalt  }
0x47: {  	_ =	shalt  }
0x48: {  	_ =	shalt  }
0x49: {  	_ =	shalt  }
0x4a: {  	_ =	shalt  }
0x4b: {  	_ =	shalt  }
0x4c: {  	_ =	shalt  }
0x4d: {  	_ =	shalt  }
0x4e: {  	_ =	shalt  }
0x4f: {  	_ =	shalt  }
0x50: {  	_ =	shalt  }
0x51: {  	_ =	shalt  }
0x52: {  	_ =	shalt  }
0x53: {  	_ =	shalt  }
0x54: {  	_ =	shalt  }
0x55: {  	_ =	shalt  }
0x56: {  	_ =	shalt  }
0x57: {  	_ =	shalt  }
0x58: {  	_ =	shalt  }
0x59: {  	_ =	shalt  }
0x5a: {  	_ =	shalt  }
0x5b: {  	_ =	shalt  }
0x5c: {  	_ =	shalt  }
0x5d: {  	_ =	shalt  }
0x5e: {  	_ =	shalt  }
0x5f: {  	_ =	shalt  }
0x60: {  	_ =	shalt  }
0x61: {  	_ =	shalt  }
0x62: {  	_ =	shalt  }
0x63: {  	_ =	shalt  }
0x64: {  	_ =	shalt  }
0x65: {  	_ =	shalt  }
0x66: {  	_ =	shalt  }
0x67: {  	_ =	shalt  }
0x68: {  	_ =	shalt  }
0x69: {  	_ =	shalt  }
0x6a: {  	_ =	shalt  }
0x6b: {  	_ =	shalt  }
0x6c: {  	_ =	shalt  }
0x6d: {  	_ =	shalt  }
0x6e: {  	_ =	shalt  }
0x6f: {  	_ =	shalt  }
0x70: {  	_ =	shalt  }
0x71: {  	_ =	shalt  }
0x72: {  	_ =	shalt  }
0x73: {  	_ =	shalt  }
0x74: {  	_ =	shalt  }
0x75: {  	_ =	shalt  }
0x76: {  	_ =	shalt  }
0x77: {  	_ =	shalt  }
0x78: {  	_ =	shalt  }
0x79: {  	_ =	shalt  }
0x7a: {  	_ =	shalt  }
0x7b: {  	_ =	shalt  }
0x7c: {  	_ =	shalt  }
0x7d: {  	_ =	shalt  }
0x7e: {  	_ =	shalt  }
0x7f: {  	_ =	shalt  }
0x80: {  	_ =	shalt  }
0x81: {  	_ =	shalt  }
0x82: {  	_ =	shalt  }
0x83: {  	_ =	shalt  }
0x84: {  	_ =	shalt  }
0x85: {  	_ =	shalt  }
0x86: {  	_ =	shalt  }
0x87: {  	_ =	shalt  }
.Lfunc_end0:
.L_simem_size_0:
called_computation_lowered:
.L_overlay_start_0:
0x88: {  	s2 =	sld [smem:$0x3FD9]  }
0x89: {  	s3 =	sld [smem:$0x3FFE];
	_ =	sdelay $0x1  }
0x8a: {  	s1 =	srdreg.scid  }
0x8b: {  	s0 =	sand.u32 $0x1, s1  }
0x8c: {  	s17 =	sshll.u32 s0, $0xA;
	s2 =	sadd.s32 s3, s2  }
0x8d: {  	s2 =	sadd.s32 s2, s17  }
0x8e: {  	[smem:$0x3FC3] =	sst s2  }
0x8f: {  	_ = 	snop  }
0x90: {  	s2 =	sld [smem:$0x3FC7];
	(tm) =	ssettm $0x1  }
0x91: {  	s18 =	sld [smem:$0x3FFB];
	_ =	sdelay $0x3  }
0x92: {  	_ =	strace s18  }
0x93: {  	s3 =	sld [smem:$0x3FFC];
	_ =	sdelay $0x3  }
0x94: {  	_ =	strace s3  }
0x95: {  	s3 =	sld [smem:$0x3FFD];
	_ =	sdelay $0x3  }
0x96: {  	_ =	strace s3  }
0x97: {  	_ =	strace $0x8FFFFFFF  }
0x98: {  	s19 =	sld [smem:$0x3FDB];
	_ =	sdelay $0x1  }
0x99: {  	s4 =	simm.s32 $_scs_section_size  }
0x9a: {  	s5 =	simm.s32 $_size__tile_overlayer_lowered;
	s6 =	simm.s32 $_tile_overlayer_lowered  }
0x9b: {  	s22 =	simm.s32 $0x1BFF;
	s21 =	sshll.u32 s6, $0x1;
	s3 =	sadd.s32 s4, s19  }
0x9c: {  	s7 =	simm.s32 $0x0;
	s20 =	sshll.u32 s5, $0x1;
	s5 =	sadd.s32 s21, s3  }
0x9d: {  	[timem:s7], [sflag:s22] =	dma.local [hbm:s5], s20  }
0x9e: {  	_ =	swait.ge [sflag:s22], s20  }
0x9f: {  	s4 =	ssub.s32 $0x0, s20;
	[sflag:s22] =	ssyncset.done $0x0  }
0xa0: {  	[sflag:s22] =	ssyncadd.s32 s4;
	_ =	sdelay $0x1  }
0xa1: {  	s23 =	simm.s32 $0x1B8B  }
0xa2: {  	_ =	swait.ge [sflag:s23], $0x1  }
0xa3: {  	[sflag:s23] =	ssyncset.done $0x0  }
0xa4: {  	s25 =	simm.s32 $0x1B8E;
	s24 =	sld [smem:$0x3FFE];
	[sflag:s23] =	ssyncadd.s32 $0xFFFFFFFF  }
0xa5: {  	s26 =	simm.s32 $execute0_lowered;
	[smem:$0x3FD2] =	sst s25  }
0xa6: {  	s5 =	sshll.u32 s26, $0x1;
	_ =	strace $0x80000046;
	[dreg:$0x1] =	wrdreg $0xFFFFFFFF  }
0xa7: {  	s28 =	simm.s32 $_size_execute0_lowered;
	s3 =	sadd.s32 s3, s5;
	[dreg:$0x0] =	wrdreg $0x0  }
0xa8: {  	s5 =	sshll.u32 s28, $0x1;
	[dreg:$0x2] =	wrdreg s3  }
0xa9: {  	[dreg:$0x3] =	wrdreg s5  }
0xaa: {  	[dreg:$0x4] =	wrdreg $0xC0  }
0xab: {  	_ =	task [dreg:s7], $0x5FFFF  }
0xac: {  	[dreg:$0x1] =	wrdreg $0xFFFFFFFF  }
0xad: {  	[dreg:$0x0] =	wrdreg $0x60  }
0xae: {  	[dreg:$0x2] =	wrdreg s2  }
0xaf: {  	[dreg:$0x3] =	wrdreg s24  }
0xb0: {  	[dreg:$0x4] =	wrdreg $0x9  }
0xb1: {  	_ =	task.clear_ibuf [dreg:s7], $0x5FFFF;
	_ =	strace $0x90000046  }
0xb2: {  	s29 =	simm.s32 $0x9;
	_ =	strace $0x80000048  }
0xb3: {  	_ =	swait.ge [sflag:s29], $0x1  }
0xb4: {  	[sflag:s29] =	ssyncadd.s32 $0xFFFFFFFF  }
0xb5: {  	_ =	strace $0x90000048  }
0xb6: {  	_ =	sfence  }
0xb7: {  	s30 =	sld [smem:$0x0];
	_ =	sdelay $0x2  }
0xb8: {  	s31 =	sshll.u32 s1, $0xD;
	s1 =	sshrl.u32 s1, $0x2  }
0xb9: {  	s3 =	sand.u32 $0x4000, s31;
	s1 =	sadd.s32 s1, s30  }
0xba: {  	s0 =	sor.u32 s3, s0;
	s1 =	sshll.u32 s1, $0x11  }
0xbb: {  	s0 =	sor.u32 s1, s0  }
0xbc: {  	s0 =	sadd.s32 $0x8F2B, s0  }
0xbd: {  	[sflag:s0] =	ssyncadd.remote.s32 $0x1  }
0xbe: {  	_ =	sfence.sel $0xFFFF  }
0xbf: {  	[dreg:$0x0] =	wrdreg $0xFFFFFFFF;
	(pc) =	sbr.abs _section_cstart, $3  }
0xc0: {  	[dreg:$0x1] =	wrdreg $0xFFFFFFFF  }
0xc1: {  	_ =	task.clear_ibuf [dreg:s7], $0x2FFFF;
	_ =	strace $0x9FFFFFFF  }
0xc2: {  	(tm) =	ssettm $0x7FFFFFFF  }
0xc3: {  	_ =	shalt  }
tec
execute0_lowered:
.L_overlay_start_1:
0x0: {  	(tag) =	ssettag $0x1  }
0x1: {  	s0 =	srdreg.scid  }
0x2: {  	s3 =	stileid.u32;
	s2 =	simm.s32 $0x1;
	s6 =	rddreg [dreg:$0x1]  }
0x3: {  	s11 =	simm.s32 $0x80;
	s13 =	simm.s32 $0x3;
	s16 =	simm.s32 $0x6000  }
0x4: {  	s28 =	simm.s32 $0xB800;
	s0 =	sand.u32 $0x1, s0;
	s1 =	sshll.u32 s3, $0x1  }
0x5: {  	s29 =	simm.s32 $0xC000;
	s30 =	simm.s32 $0xC800;
	s1 =	sor.u32 s0, s1  }
0x6: {  	s31 =	simm.s32 $0xD000;
	p1 =	seq.s32 s0, $0x1;
	p0 =	seq.s32 s1, $0x0  }
0x7: {  	s23 =	sshll.u32 s0, $0x7;
	s0 =	ssub.s32 $0x2, s0;
	p0 =	por !p0, !p1  }
0x8: {  	s12 =	simm.s32 $0x2000;
	s25 =	sshrl.u32 s0, $0x1;
	p0 =	por !p0, !p0  }
0x9: {  	s14 =	simm.s32 $0x0;
	s0 =	ssub.s32 s0, s25;
	s2 =	simm.s32 @!p0 $0x0  }
0xa: {  	s25 =	simm.s32 $0xA800;
	s10 =	smax.u32 s0, $0x1;
	s5 =	ssub.s32 s3, s2  }
0xb: {  	s0 =	simm.s32 $0x2;
	s2 =	rddreg [dreg:$0x0];
	s3 =	sshll.u32 s5, $0x1  }
0xc: {  	s4 =	smul.u32 $0x3200, s5;
	s8 =	sshll.u32 s5, $0xA;
	s9 =	sshll.u32 s5, $0x7  }
0xd: {  	s5 =	sshll.u32 s5, $0xF;
	s1 =	ssub.s32 s1, s3;
	s3 =	simm.s32 $0x0  }
0xe: {  	s8 =	sand.u32 $0xFFFFE000, s8;
	s9 =	sand.u32 $0x380, s9;
	s7 =	sshll.u32 s1, $0x7  }
0xf: {  	[smem:$0x7FF] =	sst s3;
	s1 =	sshll.u32 s1, $0xE;
	s8 =	sor.u32 s9, s8  }
0x10: {  	s7 =	sand.u32 $0xFFFFFF00, s7;
	_ =	strace $0x80000047;
	s1 =	sadd.s32 s5, s1  }
0x11: {  	s24 =	sshrl.u32 s8, $0x3;
	s8 =	sadd.s32 $0x100, s2;
	s4 =	sadd.s32 s4, s7  }
.Ltmp0:
0x12: {  	s1 =	sshrl.u32 s1, $0x3;
	s26 =	sadd.s32 s24, s6;
	(pc) =	sbr.rel .LBB2_1-.Ltmp0, $4  }
0x13: {  	s24 =	simm.s32 $0xA000;
	s7 =	sor.u32 s23, s4;
	s1 =	sadd.s32 s1, s6  }
0x14: {  	v2 =	vlaneseq.u32;
	s4 =	simm.s32 $0x1;
	s7 =	sshrl.u32 s7, $0x3;
	s9 =	sadd.s32 $0x18800, s1  }
0x15: {  	vm0 =	vmmov $0xffff;
	v1 =	vshrl.u32 v2, $0x3;
	s7 =	sadd.s32 s7, s6;
	s6 =	sadd.s32 $0x8000, s26;
	s26 =	simm.s32 $0xB000  }
0x16: {  	v0 =	vand.u32 $0x7, v2;
	v2 =	vor.u32 $0x8, v2;
	v1 =	vmul.u32 $0x8, v1;
	s5 =	sadd.s32 $0x1C00, s7;
	s7 =	sadd.s32 $0x8800, s1;
	s1 =	simm.s32 $0xD800  }
.LBB2_10:
0x17: {  	s14 =	sadd.s32 $0x1, s14  }
0x18: {  	p0 =	sne.s32 s14, s10  }
.Ltmp1:
0x19: {  	_ = 	snop;
	(pc) =	sbr.rel @!p0 .LBB2_11-.Ltmp1, $4  }
0x1a: {  	[hbm4b:s9+s3] =	stream.linear.scatter [tilespmem:s12], [sflag:$0x3], $0x4000, $0x38;
	[tilespmem:$0xE000] =	vst v63  }
0x1b: {  	_ =	swait.ge [sflag:s13], $0x4000  }
0x1c: {  	[sflag:s13] =	ssyncset.done $0x0  }
0x1d: {  	[sflag:s13] =	ssyncadd.s32 $0xFFFFC000  }
.LBB2_1:
0x1e: {  	s15 =	simm.s32 $0x100  }
0x1f: {  	[tilespmem:s3], [sflag:$0x3] =	stream.strided.gather [hbm4b:s5+s11], $0x1900, s15, s11, $0x38;
	[tilespmem:$0xE000] =	vst v63  }
0x20: {  	_ =	swait.ge [sflag:s13], $0x1900  }
0x21: {  	[sflag:s13] =	ssyncset.done $0x0  }
0x22: {  	s21 =	simm.s32 $0x400;
	s17 =	simm.s32 $0x1C00;
	[sflag:s13] =	ssyncadd.s32 $0xFFFFE700  }
0x23: {  	[tilespmem:s17], [sflag:$0x3] =	stream.strided.gather [hbm4b:s6+s11], $0x400, s21, s11, $0x38;
	[tilespmem:$0xE000] =	vst v63  }
0x24: {  	_ =	swait.ge [sflag:s13], $0x400  }
0x25: {  	[sflag:s13] =	ssyncset.done $0x0  }
0x26: {  	[sflag:s13] =	ssyncadd.s32 $0xFFFFFC00  }
0x27: {  	[tilespmem:s16], [sflag:$0x3] =	stream.linear.gather [hbm4b:s7+s3], $0x4000, $0x38;
	[tilespmem:$0xE000] =	vst v63  }
0x28: {  	_ =	swait.ge [sflag:s13], $0x4000  }
0x29: {  	[sflag:s13] =	ssyncset.done $0x0  }
0x2a: {  	s22 =	sand.u32 $0x3000, s3;
	s23 =	sand.u32 $0x380, s3;
	[sflag:s13] =	ssyncadd.s32 $0xFFFFC000  }
0x2b: {  	s15 =	sor.u32 s23, s22;
	v3 =	vld [tilespmem:$0x1F20]  }
0x2c: {  	v4 =	vld [tilespmem:s15+$0x6C70]  }
0x2d: {  	v5 =	vld [tilespmem:s15+$0x6000]  }
0x2e: {  	v6 =	vld [tilespmem:s15+$0x6010]  }
0x2f: {  	v7 =	vld [tilespmem:s15+$0x6020]  }
0x30: {  	v8 =	vld [tilespmem:s15+$0x6030]  }
0x31: {  	v9 =	vld [tilespmem:s15+$0x6040];
	v4 =	vmul.f32 v4, v3  }
0x32: {  	v10 =	vld [tilespmem:s15+$0x6050];
	v5 =	vmul.f32 v5, v3  }
0x33: {  	v11 =	vld [tilespmem:s15+$0x6060];
	[tilespmem:s15+$0x2C70] =	vst v4;
	v4 =	vmul.f32 v6, v3  }
0x34: {  	[tilespmem:s15+$0x2000] =	vst v5;
	v5 =	vld [tilespmem:s15+$0x6070];
	v6 =	vmul.f32 v7, v3  }
0x35: {  	v7 =	vmul.f32 v8, v3;
	[tilespmem:s15+$0x2010] =	vst v4;
	v4 =	vld [tilespmem:s15+$0x6400]  }
0x36: {  	v8 =	vmul.f32 v9, v3;
	[tilespmem:s15+$0x2020] =	vst v6;
	v6 =	vld [tilespmem:s15+$0x6410]  }
0x37: {  	v9 =	vmul.f32 v10, v3;
	[tilespmem:s15+$0x2030] =	vst v7;
	v7 =	vld [tilespmem:s15+$0x6420]  }
0x38: {  	v10 =	vmul.f32 v11, v3;
	[tilespmem:s15+$0x2040] =	vst v8;
	v8 =	vld [tilespmem:s15+$0x6430]  }
0x39: {  	[tilespmem:s15+$0x2050] =	vst v9;
	v9 =	vld [tilespmem:s15+$0x6440];
	v5 =	vmul.f32 v5, v3  }
0x3a: {  	[tilespmem:s15+$0x2060] =	vst v10;
	v10 =	vld [tilespmem:s15+$0x6450];
	v4 =	vmul.f32 v4, v3  }
0x3b: {  	[tilespmem:s15+$0x2070] =	vst v5;
	v5 =	vld [tilespmem:s15+$0x6460];
	v6 =	vmul.f32 v6, v3  }
0x3c: {  	v7 =	vmul.f32 v7, v3;
	[tilespmem:s15+$0x2400] =	vst v4;
	v4 =	vld [tilespmem:s15+$0x6470]  }
0x3d: {  	v8 =	vmul.f32 v8, v3;
	[tilespmem:s15+$0x2410] =	vst v6;
	v6 =	vld [tilespmem:s15+$0x6800]  }
0x3e: {  	v9 =	vmul.f32 v9, v3;
	[tilespmem:s15+$0x2420] =	vst v7;
	v7 =	vld [tilespmem:s15+$0x6810]  }
0x3f: {  	v10 =	vmul.f32 v10, v3;
	[tilespmem:s15+$0x2430] =	vst v8;
	v8 =	vld [tilespmem:s15+$0x6820]  }
0x40: {  	[tilespmem:s15+$0x2440] =	vst v9;
	v9 =	vld [tilespmem:s15+$0x6830];
	v5 =	vmul.f32 v5, v3  }
0x41: {  	[tilespmem:s15+$0x2450] =	vst v10;
	v10 =	vld [tilespmem:s15+$0x6840];
	v4 =	vmul.f32 v4, v3  }
0x42: {  	[tilespmem:s15+$0x2460] =	vst v5;
	v5 =	vld [tilespmem:s15+$0x6850];
	v6 =	vmul.f32 v6, v3  }
0x43: {  	v11 =	vld [tilespmem:s15+$0x6860];
	[tilespmem:s15+$0x2470] =	vst v4;
	v4 =	vmul.f32 v7, v3  }
0x44: {  	v12 =	vld [tilespmem:s15+$0x6870];
	[tilespmem:s15+$0x2800] =	vst v6;
	v6 =	vmul.f32 v8, v3  }
0x45: {  	v8 =	vld [tilespmem:s15+$0x6C00];
	[tilespmem:s15+$0x2810] =	vst v4;
	v4 =	vmul.f32 v9, v3  }
0x46: {  	v7 =	vld [tilespmem:s15+$0x6C10];
	[tilespmem:s15+$0x2820] =	vst v6;
	v6 =	vmul.f32 v10, v3  }
0x47: {  	v9 =	vmul.f32 v5, v3;
	[tilespmem:s15+$0x2830] =	vst v4;
	v4 =	vld [tilespmem:s15+$0x6C20]  }
0x48: {  	v10 =	vmul.f32 v11, v3;
	v5 =	vld [tilespmem:s15+$0x6C30];
	[tilespmem:s15+$0x2840] =	vst v6  }
0x49: {  	s18 =	simm.s32 $0x200;
	s17 =	simm.s32 $0x80;
	v6 =	vld [tilespmem:s15+$0x6C40];
	[tilespmem:s15+$0x2850] =	vst v9;
	v9 =	vmul.f32 v12, v3  }
0x4a: {  	s19 =	sand.u32 $0x3000, s18;
	s18 =	simm.s32 $0x400;
	s20 =	sand.u32 $0x380, s17;
	[tilespmem:s15+$0x2860] =	vst v10;
	v10 =	vmul.f32 v8, v3;
	v8 =	vld [tilespmem:s15+$0x6C50]  }
.LBB2_2:
0x4b: {  	p0 =	sne.s32 s18, $0x3E00;
	s19 =	sor.u32 s20, s19;
	[tilespmem:s15+$0x2870] =	vst v9;
	v7 =	vmul.f32 v7, v3;
	v9 =	vld [tilespmem:s15+$0x6C60]  }
0x4c: {  	v11 =	vld [tilespmem:s19+$0x6C70];
	[tilespmem:s15+$0x2C00] =	vst v10;
	v4 =	vmul.f32 v4, v3  }
0x4d: {  	v10 =	vld [tilespmem:s19+$0x6000];
	[tilespmem:s15+$0x2C10] =	vst v7;
	v5 =	vmul.f32 v5, v3  }
0x4e: {  	v7 =	vld [tilespmem:s19+$0x6010];
	[tilespmem:s15+$0x2C20] =	vst v4;
	v4 =	vmul.f32 v6, v3  }
0x4f: {  	v6 =	vld [tilespmem:s19+$0x6020];
	[tilespmem:s15+$0x2C30] =	vst v5;
	v5 =	vmul.f32 v8, v3  }
0x50: {  	v8 =	vld [tilespmem:s19+$0x6030];
	[tilespmem:s15+$0x2C40] =	vst v4;
	v4 =	vmul.f32 v9, v3  }
0x51: {  	v9 =	vld [tilespmem:s19+$0x6040];
	v11 =	vmul.f32 v11, v3;
	[tilespmem:s15+$0x2C50] =	vst v5  }
0x52: {  	v5 =	vmul.f32 v10, v3;
	v10 =	vld [tilespmem:s19+$0x6050];
	[tilespmem:s15+$0x2C60] =	vst v4;
	s15 =	smov.u32 s19  }
0x53: {  	v4 =	vmul.f32 v7, v3;
	v7 =	vld [tilespmem:s15+$0x6060];
	[tilespmem:s15+$0x2C70] =	vst v11  }
0x54: {  	[tilespmem:s15+$0x2000] =	vst v5;
	v5 =	vmul.f32 v6, v3;
	v6 =	vld [tilespmem:s15+$0x6070]  }
0x55: {  	[tilespmem:s15+$0x2010] =	vst v4;
	v4 =	vmul.f32 v8, v3;
	v8 =	vld [tilespmem:s15+$0x6400]  }
0x56: {  	[tilespmem:s15+$0x2020] =	vst v5;
	v5 =	vmul.f32 v9, v3;
	v9 =	vld [tilespmem:s15+$0x6410]  }
0x57: {  	[tilespmem:s15+$0x2030] =	vst v4;
	v4 =	vmul.f32 v10, v3;
	v10 =	vld [tilespmem:s15+$0x6420]  }
0x58: {  	[tilespmem:s15+$0x2040] =	vst v5;
	v5 =	vmul.f32 v7, v3;
	v7 =	vld [tilespmem:s15+$0x6430]  }
0x59: {  	[tilespmem:s15+$0x2050] =	vst v4;
	v4 =	vmul.f32 v6, v3;
	v6 =	vld [tilespmem:s15+$0x6440]  }
0x5a: {  	[tilespmem:s15+$0x2060] =	vst v5;
	v5 =	vmul.f32 v8, v3;
	v8 =	vld [tilespmem:s15+$0x6450]  }
0x5b: {  	[tilespmem:s15+$0x2070] =	vst v4;
	v4 =	vmul.f32 v9, v3;
	v9 =	vld [tilespmem:s15+$0x6460]  }
0x5c: {  	[tilespmem:s15+$0x2400] =	vst v5;
	v5 =	vmul.f32 v10, v3;
	v10 =	vld [tilespmem:s15+$0x6470]  }
0x5d: {  	[tilespmem:s15+$0x2410] =	vst v4;
	v4 =	vmul.f32 v7, v3;
	v7 =	vld [tilespmem:s15+$0x6800]  }
0x5e: {  	[tilespmem:s15+$0x2420] =	vst v5;
	v5 =	vmul.f32 v6, v3;
	v6 =	vld [tilespmem:s15+$0x6810]  }
0x5f: {  	[tilespmem:s15+$0x2430] =	vst v4;
	v4 =	vmul.f32 v8, v3;
	v8 =	vld [tilespmem:s15+$0x6820]  }
0x60: {  	[tilespmem:s15+$0x2440] =	vst v5;
	v5 =	vmul.f32 v9, v3;
	v9 =	vld [tilespmem:s15+$0x6830]  }
0x61: {  	[tilespmem:s15+$0x2450] =	vst v4;
	v4 =	vmul.f32 v10, v3;
	v10 =	vld [tilespmem:s15+$0x6840]  }
0x62: {  	[tilespmem:s15+$0x2460] =	vst v5;
	v5 =	vmul.f32 v7, v3;
	v11 =	vld [tilespmem:s15+$0x6850]  }
0x63: {  	[tilespmem:s15+$0x2470] =	vst v4;
	v4 =	vmul.f32 v6, v3;
	v6 =	vld [tilespmem:s15+$0x6860]  }
0x64: {  	[tilespmem:s15+$0x2800] =	vst v5;
	v5 =	vmul.f32 v8, v3;
	v8 =	vld [tilespmem:s15+$0x6870]  }
0x65: {  	[tilespmem:s15+$0x2810] =	vst v4;
	v4 =	vmul.f32 v9, v3;
	v12 =	vld [tilespmem:s15+$0x6C00]  }
.Ltmp2:
0x66: {  	[tilespmem:s15+$0x2820] =	vst v5;
	v5 =	vmul.f32 v10, v3;
	v7 =	vld [tilespmem:s15+$0x6C10];
	(pc) =	sbr.rel @p0 .LBB2_2-.Ltmp2, $4  }
0x67: {  	[tilespmem:s15+$0x2830] =	vst v4;
	v9 =	vmul.f32 v11, v3;
	v4 =	vld [tilespmem:s15+$0x6C20]  }
0x68: {  	[tilespmem:s15+$0x2840] =	vst v5;
	v10 =	vmul.f32 v6, v3;
	v5 =	vld [tilespmem:s15+$0x6C30]  }
0x69: {  	s17 =	sadd.s32 $0x80, s17;
	[tilespmem:s15+$0x2850] =	vst v9;
	v9 =	vmul.f32 v8, v3;
	v6 =	vld [tilespmem:s15+$0x6C40]  }
0x6a: {  	s20 =	sand.u32 $0x380, s17;
	s19 =	sand.u32 $0x3000, s18;
	s18 =	sadd.s32 $0x200, s18;
	[tilespmem:s15+$0x2860] =	vst v10;
	v10 =	vmul.f32 v12, v3;
	v8 =	vld [tilespmem:s15+$0x6C50]  }
0x6b: {  	[tilespmem:s15+$0x2870] =	vst v9;
	s17 =	sor.u32 s20, s19;
	v59 =	vld [tilespmem:s15+$0x6C60];
	v7 =	vmul.f32 v7, v3  }
0x6c: {  	v11 =	vld [tilespmem:s17+$0x6C70];
	[tilespmem:s15+$0x2C00] =	vst v10;
	v4 =	vmul.f32 v4, v3  }
0x6d: {  	v10 =	vld [tilespmem:s17+$0x6000];
	[tilespmem:s15+$0x2C10] =	vst v7;
	v5 =	vmul.f32 v5, v3  }
0x6e: {  	v7 =	vld [tilespmem:s17+$0x6010];
	[tilespmem:s15+$0x2C20] =	vst v4;
	v6 =	vmul.f32 v6, v3  }
0x6f: {  	v4 =	vld [tilespmem:s17+$0x6020];
	[tilespmem:s15+$0x2C30] =	vst v5;
	v8 =	vmul.f32 v8, v3  }
0x70: {  	v5 =	vld [tilespmem:s17+$0x6030];
	[tilespmem:s15+$0x2C40] =	vst v6;
	v9 =	vmul.f32 v59, v3  }
0x71: {  	v6 =	vld [tilespmem:s17+$0x6040];
	[tilespmem:s15+$0x2C50] =	vst v8;
	v60 =	vmul.f32 v11, v3  }
0x72: {  	v61 =	vld [tilespmem:s17+$0x6050];
	v10 =	vmul.f32 v10, v3;
	[tilespmem:s15+$0x2C60] =	vst v9  }
0x73: {  	v7 =	vmul.f32 v7, v3;
	v9 =	vld [tilespmem:s17+$0x6060];
	[tilespmem:s17+$0x2C70] =	vst v60  }
0x74: {  	v62 =	vld [tilespmem:s17+$0x6070];
	[tilespmem:s17+$0x2000] =	vst v10;
	v4 =	vmul.f32 v4, v3  }
0x75: {  	v63 =	vld [tilespmem:s17+$0x6400];
	[tilespmem:s17+$0x2010] =	vst v7;
	v5 =	vmul.f32 v5, v3  }
0x76: {  	v13 =	vld [tilespmem:s17+$0x6410];
	[tilespmem:s17+$0x2020] =	vst v4;
	v12 =	vmul.f32 v6, v3  }
0x77: {  	v15 =	vld [tilespmem:s17+$0x6420];
	[tilespmem:s17+$0x2030] =	vst v5;
	v14 =	vmul.f32 v61, v3  }
0x78: {  	v17 =	vld [tilespmem:s17+$0x6430];
	[tilespmem:s17+$0x2040] =	vst v12;
	v16 =	vmul.f32 v9, v3  }
0x79: {  	v19 =	vld [tilespmem:s17+$0x6440];
	v18 =	vmul.f32 v62, v3;
	[tilespmem:s17+$0x2050] =	vst v14  }
0x7a: {  	v21 =	vld [tilespmem:s17+$0x6450];
	v20 =	vmul.f32 v63, v3;
	[tilespmem:s17+$0x2060] =	vst v16  }
0x7b: {  	v23 =	vld [tilespmem:s17+$0x6460];
	v22 =	vmul.f32 v13, v3;
	[tilespmem:s17+$0x2070] =	vst v18  }
0x7c: {  	v25 =	vld [tilespmem:s17+$0x6470];
	v24 =	vmul.f32 v15, v3;
	[tilespmem:s17+$0x2400] =	vst v20  }
0x7d: {  	v27 =	vld [tilespmem:s17+$0x6800];
	v26 =	vmul.f32 v17, v3;
	[tilespmem:s17+$0x2410] =	vst v22  }
0x7e: {  	v29 =	vld [tilespmem:s17+$0x6810];
	v28 =	vmul.f32 v19, v3;
	[tilespmem:s17+$0x2420] =	vst v24  }
0x7f: {  	v31 =	vld [tilespmem:s17+$0x6820];
	v30 =	vmul.f32 v21, v3;
	[tilespmem:s17+$0x2430] =	vst v26  }
0x80: {  	v33 =	vld [tilespmem:s17+$0x6830];
	v32 =	vmul.f32 v23, v3;
	[tilespmem:s17+$0x2440] =	vst v28  }
0x81: {  	v35 =	vld [tilespmem:s17+$0x6840];
	v34 =	vmul.f32 v25, v3;
	[tilespmem:s17+$0x2450] =	vst v30  }
0x82: {  	v37 =	vld [tilespmem:s17+$0x6850];
	v36 =	vmul.f32 v27, v3;
	[tilespmem:s17+$0x2460] =	vst v32  }
0x83: {  	v39 =	vld [tilespmem:s17+$0x6860];
	v38 =	vmul.f32 v29, v3;
	[tilespmem:s17+$0x2470] =	vst v34  }
0x84: {  	v41 =	vld [tilespmem:s17+$0x6870];
	v40 =	vmul.f32 v31, v3;
	[tilespmem:s17+$0x2800] =	vst v36  }
0x85: {  	v43 =	vld [tilespmem:s17+$0x6C00];
	v42 =	vmul.f32 v33, v3;
	[tilespmem:s17+$0x2810] =	vst v38  }
0x86: {  	v45 =	vld [tilespmem:s17+$0x6C10];
	v44 =	vmul.f32 v35, v3;
	[tilespmem:s17+$0x2820] =	vst v40  }
0x87: {  	v47 =	vld [tilespmem:s17+$0x6C20];
	v46 =	vmul.f32 v37, v3;
	[tilespmem:s17+$0x2830] =	vst v42  }
0x88: {  	v49 =	vld [tilespmem:s17+$0x6C30];
	v48 =	vmul.f32 v39, v3;
	[tilespmem:s17+$0x2840] =	vst v44  }
0x89: {  	v51 =	vld [tilespmem:s17+$0x6C40];
	v50 =	vmul.f32 v41, v3;
	[tilespmem:s17+$0x2850] =	vst v46  }
0x8a: {  	v53 =	vld [tilespmem:s17+$0x6C50];
	v52 =	vmul.f32 v43, v3;
	[tilespmem:s17+$0x2860] =	vst v48  }
0x8b: {  	v55 =	vld [tilespmem:s17+$0x6C60];
	v54 =	vmul.f32 v45, v3;
	[tilespmem:s17+$0x2870] =	vst v50  }
0x8c: {  	v56 =	vmul.f32 v47, v3;
	[tilespmem:s17+$0x2C00] =	vst v52  }
0x8d: {  	v57 =	vmul.f32 v49, v3;
	[tilespmem:s17+$0x2C10] =	vst v54  }
0x8e: {  	v58 =	vmul.f32 v51, v3;
	[tilespmem:s17+$0x2C20] =	vst v56  }
0x8f: {  	v59 =	vmul.f32 v53, v3;
	[tilespmem:s17+$0x2C30] =	vst v57  }
0x90: {  	v3 =	vmul.f32 v55, v3;
	[tilespmem:s17+$0x2C40] =	vst v58  }
0x91: {  	[tilespmem:s17+$0x2C50] =	vst v59  }
0x92: {  	[tilespmem:s17+$0x2C60] =	vst v3  }
0x93: {  	v3 =	vld [tilespmem:$0x0];
	_ =	sdelay $0x4  }
0x94: {  	v60 =	vshll.u32 v3, $0x2  }
0x95: {  	v3 =	vand.u32 $0x7, v3;
	v4 =	vand.u32 $0xFFFFFFE0, v60  }
0x96: {  	v3 =	vor.u32 v3, v4  }
0x97: {  	v4 =	vperm.xlane v3, v0;
	_ =	sdelay $0x1  }
0x98: {  	v4 =	vadd.s32 v1, v4;
	_ =	sdelay $0x1  }
0x99: {  	v3 =	vperm.xlane v3, v2;
	_ =	sdelay $0x1  }
0x9a: {  	s15 =	simm.s32 $0x0;
	v3 =	vadd.s32 v1, v3  }
0x9b: {  	[tilespmem:s16], [sflag:$0x1] =	stream.indirect_vreg.gather [hbm4b:s2+s15], $0x80, v4, vm0, $0xb8;
	[tilespmem:$0xE000] =	vst v63  }
0x9c: {  	s23 =	simm.s32 $0x6800  }
0x9d: {  	[tilespmem:s23], [sflag:$0x1] =	stream.indirect_vreg.gather [hbm4b:s8+s15], $0x80, v4, vm0, $0xb8;
	[tilespmem:$0xE000] =	vst v63  }
0x9e: {  	s18 =	simm.s32 $0x7000  }
0x9f: {  	[tilespmem:s18], [sflag:$0x1] =	stream.indirect_vreg.gather [hbm4b:s2+s15], $0x80, v3, vm0, $0xb8;
	[tilespmem:$0xE000] =	vst v63  }
0xa0: {  	s19 =	simm.s32 $0x7800  }
0xa1: {  	[tilespmem:s19], [sflag:$0x1] =	stream.indirect_vreg.gather [hbm4b:s8+s15], $0x80, v3, vm0, $0xb8;
	[tilespmem:$0xE000] =	vst v63  }
0xa2: {  	v3 =	vld [tilespmem:$0x10];
	_ =	sdelay $0x4  }
0xa3: {  	v61 =	vshll.u32 v3, $0x2  }
0xa4: {  	v3 =	vand.u32 $0x7, v3;
	v4 =	vand.u32 $0xFFFFFFE0, v61  }
0xa5: {  	v3 =	vor.u32 v3, v4  }
0xa6: {  	v4 =	vperm.xlane v3, v0;
	_ =	sdelay $0x1  }
0xa7: {  	v4 =	vadd.s32 v1, v4;
	_ =	sdelay $0x1  }
0xa8: {  	v3 =	vperm.xlane v3, v2;
	_ =	sdelay $0x1  }
0xa9: {  	s20 =	simm.s32 $0x8000;
	v3 =	vadd.s32 v1, v3  }
0xaa: {  	[tilespmem:s20], [sflag:$0x1] =	stream.indirect_vreg.gather [hbm4b:s2+s15], $0x80, v4, vm0, $0xb8;
	[tilespmem:$0xE000] =	vst v63  }
0xab: {  	s21 =	simm.s32 $0x8800  }
0xac: {  	[tilespmem:s21], [sflag:$0x1] =	stream.indirect_vreg.gather [hbm4b:s8+s15], $0x80, v4, vm0, $0xb8;
	[tilespmem:$0xE000] =	vst v63  }
0xad: {  	s22 =	simm.s32 $0x9000  }
0xae: {  	[tilespmem:s22], [sflag:$0x1] =	stream.indirect_vreg.gather [hbm4b:s2+s15], $0x80, v3, vm0, $0xb8;
	[tilespmem:$0xE000] =	vst v63  }
0xaf: {  	s23 =	simm.s32 $0x9800  }
0xb0: {  	[tilespmem:s23], [sflag:$0x1] =	stream.indirect_vreg.gather [hbm4b:s8+s15], $0x80, v3, vm0, $0xb8;
	[tilespmem:$0xE000] =	vst v63  }
0xb1: {  	v3 =	vld [tilespmem:$0x80];
	_ =	sdelay $0x4  }
0xb2: {  	v62 =	vshll.u32 v3, $0x2  }
0xb3: {  	v3 =	vand.u32 $0x7, v3;
	v4 =	vand.u32 $0xFFFFFFE0, v62  }
0xb4: {  	v3 =	vor.u32 v3, v4  }
0xb5: {  	v4 =	vperm.xlane v3, v0;
	_ =	sdelay $0x1  }
0xb6: {  	v4 =	vadd.s32 v1, v4;
	_ =	sdelay $0x1  }
0xb7: {  	v3 =	vperm.xlane v3, v2;
	_ =	sdelay $0x1  }
0xb8: {  	v3 =	vadd.s32 v1, v3  }
0xb9: {  	[tilespmem:s24], [sflag:$0x2] =	stream.indirect_vreg.gather [hbm4b:s2+s15], $0x80, v4, vm0, $0xb8;
	[tilespmem:$0xE000] =	vst v63  }
0xba: {  	_ = 	snop  }
0xbb: {  	[tilespmem:s25], [sflag:$0x2] =	stream.indirect_vreg.gather [hbm4b:s8+s15], $0x80, v4, vm0, $0xb8;
	[tilespmem:$0xE000] =	vst v63  }
0xbc: {  	_ = 	snop  }
0xbd: {  	[tilespmem:s26], [sflag:$0x2] =	stream.indirect_vreg.gather [hbm4b:s2+s15], $0x80, v3, vm0, $0xb8;
	[tilespmem:$0xE000] =	vst v63  }
0xbe: {  	_ = 	snop  }
0xbf: {  	[tilespmem:s28], [sflag:$0x2] =	stream.indirect_vreg.gather [hbm4b:s8+s15], $0x80, v3, vm0, $0xb8;
	[tilespmem:$0xE000] =	vst v63  }
0xc0: {  	v3 =	vld [tilespmem:$0x90];
	_ =	sdelay $0x4  }
0xc1: {  	v63 =	vshll.u32 v3, $0x2  }
0xc2: {  	v3 =	vand.u32 $0x7, v3;
	v4 =	vand.u32 $0xFFFFFFE0, v63  }
0xc3: {  	v3 =	vor.u32 v3, v4  }
0xc4: {  	v4 =	vperm.xlane v3, v0;
	_ =	sdelay $0x1  }
0xc5: {  	v4 =	vadd.s32 v1, v4;
	_ =	sdelay $0x1  }
0xc6: {  	v3 =	vperm.xlane v3, v2;
	_ =	sdelay $0x1  }
0xc7: {  	v3 =	vadd.s32 v1, v3  }
0xc8: {  	[tilespmem:s29], [sflag:$0x2] =	stream.indirect_vreg.gather [hbm4b:s2+s15], $0x80, v4, vm0, $0xb8;
	[tilespmem:$0xE000] =	vst v63  }
0xc9: {  	_ = 	snop  }
0xca: {  	[tilespmem:s30], [sflag:$0x2] =	stream.indirect_vreg.gather [hbm4b:s8+s15], $0x80, v4, vm0, $0xb8;
	[tilespmem:$0xE000] =	vst v63  }
0xcb: {  	_ = 	snop  }
0xcc: {  	[tilespmem:s31], [sflag:$0x2] =	stream.indirect_vreg.gather [hbm4b:s2+s15], $0x80, v3, vm0, $0xb8;
	[tilespmem:$0xE000] =	vst v63  }
0xcd: {  	s17 =	simm.s32 $0x0  }
0xce: {  	[tilespmem:s1], [sflag:$0x2] =	stream.indirect_vreg.gather [hbm4b:s8+s15], $0x80, v3, vm0, $0xb8;
	[tilespmem:$0xE000] =	vst v63  }
.LBB2_4:
0xcf: {  	_ =	swait.ge [sflag:s4], $0x4000  }
0xd0: {  	s18 =	sshll.u32 s17, $0x5;
	s19 =	sand.u32 $0x3000, s15;
	[sflag:s4] =	ssyncset.done $0x0  }
0xd1: {  	s20 =	sand.u32 $0x380, s15;
	s18 =	sand.u32 $0x3FFFFFE0, s18;
	[sflag:s4] =	ssyncadd.s32 $0xFFFFC000  }
0xd2: {  	s19 =	sor.u32 s20, s19;
	v3 =	vld [tilespmem:s18+$0x1C00]  }
0xd3: {  	v4 =	vld [tilespmem:s19+$0x6C70]  }
0xd4: {  	v5 =	vld [tilespmem:s19+$0x6000]  }
0xd5: {  	v6 =	vld [tilespmem:s19+$0x6010]  }
0xd6: {  	v7 =	vld [tilespmem:s19+$0x6020]  }
0xd7: {  	v8 =	vld [tilespmem:s19+$0x6030]  }
0xd8: {  	v9 =	vld [tilespmem:s19+$0x6040]  }
0xd9: {  	v10 =	vld [tilespmem:s19+$0x6050]  }
0xda: {  	v11 =	vld [tilespmem:s19+$0x6070]  }
0xdb: {  	v12 =	vld [tilespmem:s19+$0x6400]  }
0xdc: {  	v13 =	vld [tilespmem:s19+$0x6410]  }
0xdd: {  	v14 =	vld [tilespmem:s19+$0x6420]  }
0xde: {  	v15 =	vld [tilespmem:s19+$0x6430]  }
0xdf: {  	v16 =	vld [tilespmem:s19+$0x6440]  }
0xe0: {  	v17 =	vld [tilespmem:s19+$0x6450]  }
0xe1: {  	v18 =	vld [tilespmem:s19+$0x6460]  }
0xe2: {  	v19 =	vld [tilespmem:s19+$0x6470]  }
0xe3: {  	v20 =	vld [tilespmem:s19+$0x6800]  }
0xe4: {  	v21 =	vld [tilespmem:s19+$0x6810]  }
0xe5: {  	v22 =	vld [tilespmem:s19+$0x6820]  }
0xe6: {  	v23 =	vld [tilespmem:s19+$0x6830]  }
0xe7: {  	v24 =	vld [tilespmem:s19+$0x6840]  }
0xe8: {  	v25 =	vld [tilespmem:s19+$0x6850]  }
0xe9: {  	v26 =	vld [tilespmem:s19+$0x6860]  }
0xea: {  	v27 =	vld [tilespmem:s19+$0x6870]  }
0xeb: {  	v28 =	vld [tilespmem:s19+$0x6C00]  }
0xec: {  	v29 =	vld [tilespmem:s19+$0x6C10]  }
0xed: {  	v30 =	vld [tilespmem:s19+$0x6C20]  }
0xee: {  	v31 =	vld [tilespmem:s19+$0x6C30]  }
0xef: {  	v32 =	vld [tilespmem:s19+$0x6C40]  }
0xf0: {  	v33 =	vld [tilespmem:s19+$0x6C50];
	v4 =	vmul.f32 v4, v3  }
0xf1: {  	v34 =	vld [tilespmem:s19+$0x6C60]  }
0xf2: {  	v5 =	vmul.f32 v5, v3;
	[tilespmem:s19+$0x2C70] =	vst.add.f32.msk $0xffff, v4  }
0xf3: {  	v6 =	vmul.f32 v6, v3;
	v4 =	vld [tilespmem:s19+$0x6060]  }
0xf4: {  	v7 =	vmul.f32 v7, v3;
	[tilespmem:s19+$0x2000] =	vst.add.f32.msk $0xffff, v5  }
0xf5: {  	v5 =	vmul.f32 v8, v3;
	[tilespmem:s19+$0x2010] =	vst.add.f32.msk $0xffff, v6  }
0xf6: {  	v6 =	vmul.f32 v9, v3;
	[tilespmem:s19+$0x2020] =	vst.add.f32.msk $0xffff, v7  }
0xf7: {  	v7 =	vmul.f32 v10, v3;
	[tilespmem:s19+$0x2030] =	vst.add.f32.msk $0xffff, v5  }
0xf8: {  	[tilespmem:s19+$0x2040] =	vst.add.f32.msk $0xffff, v6;
	v5 =	vmul.f32 v11, v3  }
0xf9: {  	[tilespmem:s19+$0x2050] =	vst.add.f32.msk $0xffff, v7;
	v6 =	vmul.f32 v12, v3  }
0xfa: {  	[tilespmem:s19+$0x2070] =	vst.add.f32.msk $0xffff, v5;
	v5 =	vmul.f32 v14, v3  }
0xfb: {  	[tilespmem:s19+$0x2400] =	vst.add.f32.msk $0xffff, v6;
	v6 =	vmul.f32 v15, v3  }
0xfc: {  	v4 =	vmul.f32 v4, v3;
	[tilespmem:s19+$0x2420] =	vst.add.f32.msk $0xffff, v5  }
0xfd: {  	v5 =	vmul.f32 v17, v3;
	[tilespmem:s19+$0x2430] =	vst.add.f32.msk $0xffff, v6  }
0xfe: {  	v6 =	vmul.f32 v18, v3;
	[tilespmem:s19+$0x2060] =	vst.add.f32.msk $0xffff, v4  }
0xff: {  	v4 =	vmul.f32 v13, v3;
	[tilespmem:s19+$0x2450] =	vst.add.f32.msk $0xffff, v5  }
0x100: {  	v5 =	vmul.f32 v20, v3;
	[tilespmem:s19+$0x2460] =	vst.add.f32.msk $0xffff, v6  }
0x101: {  	v6 =	vmul.f32 v21, v3;
	[tilespmem:s19+$0x2410] =	vst.add.f32.msk $0xffff, v4  }
0x102: {  	v4 =	vmul.f32 v16, v3;
	[tilespmem:s19+$0x2800] =	vst.add.f32.msk $0xffff, v5  }
0x103: {  	v5 =	vmul.f32 v23, v3;
	[tilespmem:s19+$0x2810] =	vst.add.f32.msk $0xffff, v6  }
0x104: {  	v6 =	vmul.f32 v24, v3;
	[tilespmem:s19+$0x2440] =	vst.add.f32.msk $0xffff, v4  }
0x105: {  	v4 =	vmul.f32 v19, v3;
	[tilespmem:s19+$0x2830] =	vst.add.f32.msk $0xffff, v5  }
0x106: {  	v5 =	vmul.f32 v26, v3;
	[tilespmem:s19+$0x2840] =	vst.add.f32.msk $0xffff, v6  }
0x107: {  	v6 =	vmul.f32 v27, v3;
	[tilespmem:s19+$0x2470] =	vst.add.f32.msk $0xffff, v4  }
0x108: {  	v4 =	vmul.f32 v22, v3;
	[tilespmem:s19+$0x2860] =	vst.add.f32.msk $0xffff, v5  }
0x109: {  	v5 =	vmul.f32 v29, v3;
	[tilespmem:s19+$0x2870] =	vst.add.f32.msk $0xffff, v6  }
0x10a: {  	[tilespmem:s19+$0x2820] =	vst.add.f32.msk $0xffff, v4;
	v4 =	vmul.f32 v25, v3  }
0x10b: {  	v6 =	vmul.f32 v30, v3;
	[tilespmem:s19+$0x2C10] =	vst.add.f32.msk $0xffff, v5  }
0x10c: {  	[tilespmem:s19+$0x2850] =	vst.add.f32.msk $0xffff, v4;
	v4 =	vmul.f32 v28, v3  }
0x10d: {  	v5 =	vmul.f32 v32, v3;
	[tilespmem:s19+$0x2C20] =	vst.add.f32.msk $0xffff, v6  }
0x10e: {  	[tilespmem:s19+$0x2C00] =	vst.add.f32.msk $0xffff, v4;
	v4 =	vmul.f32 v31, v3  }
0x10f: {  	v6 =	vmul.f32 v33, v3;
	[tilespmem:s19+$0x2C40] =	vst.add.f32.msk $0xffff, v5  }
0x110: {  	s21 =	simm.s32 $0x200;
	s20 =	simm.s32 $0x80;
	[tilespmem:s19+$0x2C30] =	vst.add.f32.msk $0xffff, v4;
	v4 =	vmul.f32 v34, v3  }
0x111: {  	s22 =	sand.u32 $0x3000, s21;
	s21 =	simm.s32 $0x400;
	s23 =	sand.u32 $0x380, s20;
	[tilespmem:s19+$0x2C50] =	vst.add.f32.msk $0xffff, v6  }
.LBB2_5:
0x112: {  	p0 =	sne.s32 s21, $0x3E00;
	[tilespmem:s19+$0x2C60] =	vst.add.f32.msk $0xffff, v4;
	s19 =	sor.u32 s23, s22  }
0x113: {  	v4 =	vld [tilespmem:s19+$0x6C70]  }
0x114: {  	v5 =	vld [tilespmem:s19+$0x6000]  }
0x115: {  	v6 =	vld [tilespmem:s19+$0x6010]  }
0x116: {  	v7 =	vld [tilespmem:s19+$0x6020]  }
0x117: {  	v8 =	vld [tilespmem:s19+$0x6030]  }
0x118: {  	v9 =	vld [tilespmem:s19+$0x6040];
	v4 =	vmul.f32 v4, v3  }
0x119: {  	v5 =	vmul.f32 v5, v3;
	v10 =	vld [tilespmem:s19+$0x6050]  }
0x11a: {  	v6 =	vmul.f32 v6, v3;
	[tilespmem:s19+$0x2C70] =	vst.add.f32.msk $0xffff, v4  }
0x11b: {  	v4 =	vmul.f32 v7, v3;
	v7 =	vld [tilespmem:s19+$0x6060]  }
0x11c: {  	v8 =	vmul.f32 v8, v3;
	v11 =	vld [tilespmem:s19+$0x6070]  }
0x11d: {  	v9 =	vmul.f32 v9, v3;
	v12 =	vld [tilespmem:s19+$0x6400]  }
0x11e: {  	v10 =	vmul.f32 v10, v3;
	v13 =	vld [tilespmem:s19+$0x6410]  }
0x11f: {  	v14 =	vld [tilespmem:s19+$0x6420]  }
0x120: {  	v7 =	vmul.f32 v7, v3;
	v15 =	vld [tilespmem:s19+$0x6430]  }
0x121: {  	v11 =	vmul.f32 v11, v3;
	v16 =	vld [tilespmem:s19+$0x6440]  }
0x122: {  	v12 =	vmul.f32 v12, v3;
	v17 =	vld [tilespmem:s19+$0x6450]  }
0x123: {  	v13 =	vmul.f32 v13, v3;
	v18 =	vld [tilespmem:s19+$0x6460]  }
0x124: {  	v14 =	vmul.f32 v14, v3;
	v19 =	vld [tilespmem:s19+$0x6470]  }
0x125: {  	v15 =	vmul.f32 v15, v3;
	v20 =	vld [tilespmem:s19+$0x6800]  }
0x126: {  	v16 =	vmul.f32 v16, v3;
	v21 =	vld [tilespmem:s19+$0x6810]  }
0x127: {  	v17 =	vmul.f32 v17, v3;
	v22 =	vld [tilespmem:s19+$0x6820]  }
0x128: {  	v18 =	vmul.f32 v18, v3;
	v23 =	vld [tilespmem:s19+$0x6830]  }
0x129: {  	v19 =	vmul.f32 v19, v3;
	v24 =	vld [tilespmem:s19+$0x6840]  }
0x12a: {  	v20 =	vmul.f32 v20, v3;
	v25 =	vld [tilespmem:s19+$0x6850]  }
0x12b: {  	v21 =	vmul.f32 v21, v3;
	v26 =	vld [tilespmem:s19+$0x6860]  }
0x12c: {  	v22 =	vmul.f32 v22, v3;
	v27 =	vld [tilespmem:s19+$0x6870]  }
0x12d: {  	v23 =	vmul.f32 v23, v3;
	v28 =	vld [tilespmem:s19+$0x6C00]  }
0x12e: {  	v24 =	vmul.f32 v24, v3;
	v29 =	vld [tilespmem:s19+$0x6C10]  }
0x12f: {  	v25 =	vmul.f32 v25, v3;
	v30 =	vld [tilespmem:s19+$0x6C20]  }
0x130: {  	v26 =	vmul.f32 v26, v3;
	v31 =	vld [tilespmem:s19+$0x6C30]  }
0x131: {  	v27 =	vmul.f32 v27, v3;
	v32 =	vld [tilespmem:s19+$0x6C40]  }
0x132: {  	v28 =	vmul.f32 v28, v3;
	v33 =	vld [tilespmem:s19+$0x6C50]  }
0x133: {  	v29 =	vmul.f32 v29, v3;
	v34 =	vld [tilespmem:s19+$0x6C60]  }
0x134: {  	[tilespmem:s19+$0x2000] =	vst.add.f32.msk $0xffff, v5;
	v5 =	vmul.f32 v30, v3  }
0x135: {  	[tilespmem:s19+$0x2010] =	vst.add.f32.msk $0xffff, v6;
	v6 =	vmul.f32 v31, v3  }
0x136: {  	[tilespmem:s19+$0x2020] =	vst.add.f32.msk $0xffff, v4;
	v30 =	vmul.f32 v32, v3  }
0x137: {  	[tilespmem:s19+$0x2030] =	vst.add.f32.msk $0xffff, v8;
	v8 =	vmul.f32 v33, v3  }
0x138: {  	[tilespmem:s19+$0x2040] =	vst.add.f32.msk $0xffff, v9;
	v4 =	vmul.f32 v34, v3  }
0x139: {  	[tilespmem:s19+$0x2050] =	vst.add.f32.msk $0xffff, v10  }
0x13a: {  	[tilespmem:s19+$0x2060] =	vst.add.f32.msk $0xffff, v7  }
0x13b: {  	[tilespmem:s19+$0x2070] =	vst.add.f32.msk $0xffff, v11  }
0x13c: {  	[tilespmem:s19+$0x2400] =	vst.add.f32.msk $0xffff, v12  }
0x13d: {  	[tilespmem:s19+$0x2410] =	vst.add.f32.msk $0xffff, v13  }
0x13e: {  	[tilespmem:s19+$0x2420] =	vst.add.f32.msk $0xffff, v14  }
0x13f: {  	[tilespmem:s19+$0x2430] =	vst.add.f32.msk $0xffff, v15  }
0x140: {  	[tilespmem:s19+$0x2440] =	vst.add.f32.msk $0xffff, v16  }
0x141: {  	[tilespmem:s19+$0x2450] =	vst.add.f32.msk $0xffff, v17  }
0x142: {  	[tilespmem:s19+$0x2460] =	vst.add.f32.msk $0xffff, v18  }
0x143: {  	[tilespmem:s19+$0x2470] =	vst.add.f32.msk $0xffff, v19  }
0x144: {  	[tilespmem:s19+$0x2800] =	vst.add.f32.msk $0xffff, v20  }
0x145: {  	[tilespmem:s19+$0x2810] =	vst.add.f32.msk $0xffff, v21  }
0x146: {  	[tilespmem:s19+$0x2820] =	vst.add.f32.msk $0xffff, v22  }
0x147: {  	[tilespmem:s19+$0x2830] =	vst.add.f32.msk $0xffff, v23  }
0x148: {  	[tilespmem:s19+$0x2840] =	vst.add.f32.msk $0xffff, v24  }
0x149: {  	[tilespmem:s19+$0x2850] =	vst.add.f32.msk $0xffff, v25  }
0x14a: {  	[tilespmem:s19+$0x2860] =	vst.add.f32.msk $0xffff, v26  }
0x14b: {  	[tilespmem:s19+$0x2870] =	vst.add.f32.msk $0xffff, v27  }
0x14c: {  	[tilespmem:s19+$0x2C00] =	vst.add.f32.msk $0xffff, v28  }
.Ltmp3:
0x14d: {  	[tilespmem:s19+$0x2C10] =	vst.add.f32.msk $0xffff, v29;
	(pc) =	sbr.rel @p0 .LBB2_5-.Ltmp3, $4  }
0x14e: {  	[tilespmem:s19+$0x2C20] =	vst.add.f32.msk $0xffff, v5  }
0x14f: {  	[tilespmem:s19+$0x2C30] =	vst.add.f32.msk $0xffff, v6  }
0x150: {  	s20 =	sadd.s32 $0x80, s20;
	[tilespmem:s19+$0x2C40] =	vst.add.f32.msk $0xffff, v30  }
0x151: {  	s22 =	sand.u32 $0x3000, s21;
	s21 =	sadd.s32 $0x200, s21;
	s23 =	sand.u32 $0x380, s20;
	[tilespmem:s19+$0x2C50] =	vst.add.f32.msk $0xffff, v8  }
0x152: {  	s20 =	sor.u32 s23, s22;
	[tilespmem:s19+$0x2C60] =	vst.add.f32.msk $0xffff, v4  }
0x153: {  	v4 =	vld [tilespmem:s20+$0x6C70]  }
0x154: {  	v5 =	vld [tilespmem:s20+$0x6000]  }
0x155: {  	v6 =	vld [tilespmem:s20+$0x6010]  }
0x156: {  	v7 =	vld [tilespmem:s20+$0x6020]  }
0x157: {  	v8 =	vld [tilespmem:s20+$0x6030]  }
0x158: {  	v9 =	vld [tilespmem:s20+$0x6040]  }
0x159: {  	v10 =	vld [tilespmem:s20+$0x6050]  }
0x15a: {  	v11 =	vld [tilespmem:s20+$0x6070]  }
0x15b: {  	v12 =	vld [tilespmem:s20+$0x6400]  }
0x15c: {  	v13 =	vld [tilespmem:s20+$0x6410]  }
0x15d: {  	v14 =	vld [tilespmem:s20+$0x6420]  }
0x15e: {  	v15 =	vld [tilespmem:s20+$0x6430]  }
0x15f: {  	v16 =	vld [tilespmem:s20+$0x6440]  }
0x160: {  	v17 =	vld [tilespmem:s20+$0x6450]  }
0x161: {  	v18 =	vld [tilespmem:s20+$0x6460]  }
0x162: {  	v19 =	vld [tilespmem:s20+$0x6470]  }
0x163: {  	v20 =	vld [tilespmem:s20+$0x6800]  }
0x164: {  	v21 =	vld [tilespmem:s20+$0x6810]  }
0x165: {  	v22 =	vld [tilespmem:s20+$0x6820]  }
0x166: {  	v23 =	vld [tilespmem:s20+$0x6830]  }
0x167: {  	v24 =	vld [tilespmem:s20+$0x6840]  }
0x168: {  	v25 =	vld [tilespmem:s20+$0x6850]  }
0x169: {  	v26 =	vld [tilespmem:s20+$0x6860]  }
0x16a: {  	v27 =	vld [tilespmem:s20+$0x6870]  }
0x16b: {  	v28 =	vld [tilespmem:s20+$0x6C00]  }
0x16c: {  	v29 =	vld [tilespmem:s20+$0x6C10]  }
0x16d: {  	v30 =	vld [tilespmem:s20+$0x6C20]  }
0x16e: {  	v31 =	vld [tilespmem:s20+$0x6C30]  }
0x16f: {  	v32 =	vld [tilespmem:s20+$0x6C40]  }
0x170: {  	v33 =	vld [tilespmem:s20+$0x6C50];
	v4 =	vmul.f32 v4, v3  }
0x171: {  	v34 =	vld [tilespmem:s20+$0x6C60]  }
0x172: {  	v5 =	vmul.f32 v5, v3;
	[tilespmem:s20+$0x2C70] =	vst.add.f32.msk $0xffff, v4  }
0x173: {  	v6 =	vmul.f32 v6, v3;
	v4 =	vld [tilespmem:s20+$0x6060]  }
0x174: {  	v7 =	vmul.f32 v7, v3;
	[tilespmem:s20+$0x2000] =	vst.add.f32.msk $0xffff, v5  }
0x175: {  	v5 =	vmul.f32 v8, v3;
	[tilespmem:s20+$0x2010] =	vst.add.f32.msk $0xffff, v6  }
0x176: {  	v6 =	vmul.f32 v9, v3;
	[tilespmem:s20+$0x2020] =	vst.add.f32.msk $0xffff, v7  }
0x177: {  	v7 =	vmul.f32 v10, v3;
	[tilespmem:s20+$0x2030] =	vst.add.f32.msk $0xffff, v5  }
0x178: {  	[tilespmem:s20+$0x2040] =	vst.add.f32.msk $0xffff, v6;
	v5 =	vmul.f32 v11, v3  }
0x179: {  	[tilespmem:s20+$0x2050] =	vst.add.f32.msk $0xffff, v7;
	v6 =	vmul.f32 v12, v3  }
0x17a: {  	[tilespmem:s20+$0x2070] =	vst.add.f32.msk $0xffff, v5;
	v5 =	vmul.f32 v14, v3  }
0x17b: {  	[tilespmem:s20+$0x2400] =	vst.add.f32.msk $0xffff, v6;
	v6 =	vmul.f32 v15, v3  }
0x17c: {  	v4 =	vmul.f32 v4, v3;
	[tilespmem:s20+$0x2420] =	vst.add.f32.msk $0xffff, v5  }
0x17d: {  	v5 =	vmul.f32 v17, v3;
	[tilespmem:s20+$0x2430] =	vst.add.f32.msk $0xffff, v6  }
0x17e: {  	v6 =	vmul.f32 v18, v3;
	[tilespmem:s20+$0x2060] =	vst.add.f32.msk $0xffff, v4  }
0x17f: {  	v4 =	vmul.f32 v13, v3;
	[tilespmem:s20+$0x2450] =	vst.add.f32.msk $0xffff, v5  }
0x180: {  	v5 =	vmul.f32 v20, v3;
	[tilespmem:s20+$0x2460] =	vst.add.f32.msk $0xffff, v6  }
0x181: {  	v6 =	vmul.f32 v21, v3;
	[tilespmem:s20+$0x2410] =	vst.add.f32.msk $0xffff, v4  }
0x182: {  	v4 =	vmul.f32 v16, v3;
	[tilespmem:s20+$0x2800] =	vst.add.f32.msk $0xffff, v5  }
0x183: {  	v5 =	vmul.f32 v23, v3;
	[tilespmem:s20+$0x2810] =	vst.add.f32.msk $0xffff, v6  }
0x184: {  	v6 =	vmul.f32 v24, v3;
	[tilespmem:s20+$0x2440] =	vst.add.f32.msk $0xffff, v4  }
0x185: {  	v4 =	vmul.f32 v19, v3;
	[tilespmem:s20+$0x2830] =	vst.add.f32.msk $0xffff, v5  }
0x186: {  	v5 =	vmul.f32 v26, v3;
	[tilespmem:s20+$0x2840] =	vst.add.f32.msk $0xffff, v6  }
0x187: {  	v6 =	vmul.f32 v27, v3;
	[tilespmem:s20+$0x2470] =	vst.add.f32.msk $0xffff, v4  }
0x188: {  	v4 =	vmul.f32 v22, v3;
	[tilespmem:s20+$0x2860] =	vst.add.f32.msk $0xffff, v5  }
0x189: {  	v5 =	vmul.f32 v29, v3;
	[tilespmem:s20+$0x2870] =	vst.add.f32.msk $0xffff, v6  }
0x18a: {  	v6 =	vmul.f32 v30, v3;
	[tilespmem:s20+$0x2820] =	vst.add.f32.msk $0xffff, v4  }
0x18b: {  	v4 =	vmul.f32 v25, v3;
	[tilespmem:s20+$0x2C10] =	vst.add.f32.msk $0xffff, v5  }
0x18c: {  	v5 =	vmul.f32 v32, v3;
	[tilespmem:s20+$0x2C20] =	vst.add.f32.msk $0xffff, v6  }
0x18d: {  	[tilespmem:s20+$0x2850] =	vst.add.f32.msk $0xffff, v4;
	v4 =	vmul.f32 v28, v3  }
0x18e: {  	v6 =	vmul.f32 v33, v3;
	[tilespmem:s20+$0x2C40] =	vst.add.f32.msk $0xffff, v5  }
0x18f: {  	[tilespmem:s20+$0x2C00] =	vst.add.f32.msk $0xffff, v4;
	v4 =	vmul.f32 v31, v3  }
0x190: {  	p0 =	seq.s32 s17, $0x18;
	[tilespmem:s20+$0x2C50] =	vst.add.f32.msk $0xffff, v6;
	v3 =	vmul.f32 v34, v3  }
0x191: {  	s19 =	sshll.u32 @!p0 s17, $0x8;
	[tilespmem:s20+$0x2C30] =	vst.add.f32.msk $0xffff, v4  }
0x192: {  	s19 =	sand.u32 @!p0 $0x3FFFFF00, s19;
	[tilespmem:s20+$0x2C60] =	vst.add.f32.msk $0xffff, v3  }
0x193: {  	v3 =	vld @!p0 [tilespmem:s19+$0x100];
	_ =	sdelay $0x4  }
0x194: {  	v4 =	vshll.u32 @!p0 v3, $0x2  }
0x195: {  	v5 =	vlaneseq.u32 @!p0;
	v3 =	vand.u32 @!p0 $0x7, v3;
	v4 =	vand.u32 @!p0 $0xFFFFFFE0, v4  }
0x196: {  	v6 =	vshrl.u32 @!p0 v5, $0x3;
	v3 =	vor.u32 @!p0 v3, v4;
	v4 =	vand.u32 @!p0 $0x7, v5  }
0x197: {  	v6 =	vmul.u32 @!p0 $0x8, v6;
	v7 =	vperm.xlane @!p0 v3, v4;
	_ =	sdelay $0x1  }
0x198: {  	v7 =	vadd.s32 @!p0 v6, v7  }
0x199: {  	v5 =	vor.u32 @!p0 $0x8, v5  }
0x19a: {  	v3 =	vperm.xlane @!p0 v3, v5;
	_ =	sdelay $0x1  }
0x19b: {  	vm1 =	vmmov @!p0 $0xffff;
	s21 =	simm.s32 @!p0 $0x6000;
	s20 =	simm.s32 @!p0 $0x0;
	v3 =	vadd.s32 @!p0 v6, v3  }
0x19c: {  	[tilespmem:s21], [sflag:$0x1] =	stream.indirect_vreg.gather @!p0 [hbm4b:s2+s20], $0x80, v7, vm1, $0xb8;
	[tilespmem:$0xE000] =	vst v63  }
0x19d: {  	s21 =	simm.s32 @!p0 $0x6800  }
0x19e: {  	[tilespmem:s21], [sflag:$0x1] =	stream.indirect_vreg.gather @!p0 [hbm4b:s8+s20], $0x80, v7, vm1, $0xb8;
	[tilespmem:$0xE000] =	vst v63  }
0x19f: {  	s21 =	simm.s32 @!p0 $0x7000  }
0x1a0: {  	[tilespmem:s21], [sflag:$0x1] =	stream.indirect_vreg.gather @!p0 [hbm4b:s2+s20], $0x80, v3, vm1, $0xb8;
	[tilespmem:$0xE000] =	vst v63  }
0x1a1: {  	s21 =	simm.s32 @!p0 $0x7800  }
0x1a2: {  	[tilespmem:s21], [sflag:$0x1] =	stream.indirect_vreg.gather @!p0 [hbm4b:s8+s20], $0x80, v3, vm1, $0xb8;
	[tilespmem:$0xE000] =	vst v63  }
0x1a3: {  	v3 =	vld @!p0 [tilespmem:s19+$0x110];
	_ =	sdelay $0x4  }
0x1a4: {  	v7 =	vshll.u32 @!p0 v3, $0x2  }
0x1a5: {  	v3 =	vand.u32 @!p0 $0x7, v3;
	v7 =	vand.u32 @!p0 $0xFFFFFFE0, v7  }
0x1a6: {  	v3 =	vor.u32 @!p0 v3, v7  }
0x1a7: {  	v4 =	vperm.xlane @!p0 v3, v4;
	_ =	sdelay $0x1  }
0x1a8: {  	v4 =	vadd.s32 @!p0 v6, v4;
	_ =	sdelay $0x1  }
0x1a9: {  	v3 =	vperm.xlane @!p0 v3, v5;
	_ =	sdelay $0x1  }
0x1aa: {  	s19 =	simm.s32 @!p0 $0x8000;
	v3 =	vadd.s32 @!p0 v6, v3  }
0x1ab: {  	[tilespmem:s19], [sflag:$0x1] =	stream.indirect_vreg.gather @!p0 [hbm4b:s2+s20], $0x80, v4, vm1, $0xb8;
	[tilespmem:$0xE000] =	vst v63  }
0x1ac: {  	s19 =	simm.s32 @!p0 $0x8800  }
0x1ad: {  	[tilespmem:s19], [sflag:$0x1] =	stream.indirect_vreg.gather @!p0 [hbm4b:s8+s20], $0x80, v4, vm1, $0xb8;
	[tilespmem:$0xE000] =	vst v63  }
0x1ae: {  	s19 =	simm.s32 @!p0 $0x9000  }
0x1af: {  	[tilespmem:s19], [sflag:$0x1] =	stream.indirect_vreg.gather @!p0 [hbm4b:s2+s20], $0x80, v3, vm1, $0xb8;
	[tilespmem:$0xE000] =	vst v63  }
0x1b0: {  	s19 =	simm.s32 @!p0 $0x9800  }
0x1b1: {  	[tilespmem:s19], [sflag:$0x1] =	stream.indirect_vreg.gather @!p0 [hbm4b:s8+s20], $0x80, v3, vm1, $0xb8;
	[tilespmem:$0xE000] =	vst v63  }
0x1b2: {  	_ =	swait.ge [sflag:s0], $0x4000  }
0x1b3: {  	s21 =	simm.s32 $0x0;
	[sflag:s0] =	ssyncset.done $0x0  }
0x1b4: {  	s22 =	sand.u32 $0x3000, s21;
	s19 =	sand.u32 $0x380, s21;
	[sflag:s0] =	ssyncadd.s32 $0xFFFFC000  }
0x1b5: {  	v3 =	vld [tilespmem:s18+$0x1C10];
	s18 =	sor.u32 s19, s22  }
0x1b6: {  	v4 =	vld [tilespmem:s18+$0xAC70]  }
0x1b7: {  	v5 =	vld [tilespmem:s18+$0xA000]  }
0x1b8: {  	v6 =	vld [tilespmem:s18+$0xA010]  }
0x1b9: {  	v7 =	vld [tilespmem:s18+$0xA020]  }
0x1ba: {  	v37 =	vld [tilespmem:s18+$0xA030]  }
0x1bb: {  	v38 =	vld [tilespmem:s18+$0xA040]  }
0x1bc: {  	v39 =	vld [tilespmem:s18+$0xA050]  }
0x1bd: {  	v40 =	vld [tilespmem:s18+$0xA070]  }
0x1be: {  	v41 =	vld [tilespmem:s18+$0xA400]  }
0x1bf: {  	v42 =	vld [tilespmem:s18+$0xA410]  }
0x1c0: {  	v43 =	vld [tilespmem:s18+$0xA420]  }
0x1c1: {  	v44 =	vld [tilespmem:s18+$0xA430]  }
0x1c2: {  	v45 =	vld [tilespmem:s18+$0xA440]  }
0x1c3: {  	v46 =	vld [tilespmem:s18+$0xA450]  }
0x1c4: {  	v47 =	vld [tilespmem:s18+$0xA460]  }
0x1c5: {  	v48 =	vld [tilespmem:s18+$0xA470]  }
0x1c6: {  	v49 =	vld [tilespmem:s18+$0xA800]  }
0x1c7: {  	v50 =	vld [tilespmem:s18+$0xA810]  }
0x1c8: {  	v51 =	vld [tilespmem:s18+$0xA820]  }
0x1c9: {  	v52 =	vld [tilespmem:s18+$0xA830]  }
0x1ca: {  	v53 =	vld [tilespmem:s18+$0xA840]  }
0x1cb: {  	v54 =	vld [tilespmem:s18+$0xA850]  }
0x1cc: {  	v55 =	vld [tilespmem:s18+$0xA860]  }
0x1cd: {  	v56 =	vld [tilespmem:s18+$0xA870]  }
0x1ce: {  	v57 =	vld [tilespmem:s18+$0xAC00]  }
0x1cf: {  	v58 =	vld [tilespmem:s18+$0xAC10]  }
0x1d0: {  	v59 =	vld [tilespmem:s18+$0xAC20]  }
0x1d1: {  	v60 =	vld [tilespmem:s18+$0xAC30]  }
0x1d2: {  	v61 =	vld [tilespmem:s18+$0xAC40]  }
0x1d3: {  	v62 =	vld [tilespmem:s18+$0xAC50];
	v4 =	vmul.f32 v4, v3  }
0x1d4: {  	v63 =	vld [tilespmem:s18+$0xAC60]  }
0x1d5: {  	v5 =	vmul.f32 v5, v3;
	[tilespmem:s18+$0x2C70] =	vst.add.f32.msk $0xffff, v4  }
0x1d6: {  	v6 =	vmul.f32 v6, v3;
	v4 =	vld [tilespmem:s18+$0xA060]  }
0x1d7: {  	v7 =	vmul.f32 v7, v3;
	[tilespmem:s18+$0x2000] =	vst.add.f32.msk $0xffff, v5  }
0x1d8: {  	v5 =	vmul.f32 v37, v3;
	[tilespmem:s18+$0x2010] =	vst.add.f32.msk $0xffff, v6  }
0x1d9: {  	v6 =	vmul.f32 v38, v3;
	[tilespmem:s18+$0x2020] =	vst.add.f32.msk $0xffff, v7  }
0x1da: {  	v7 =	vmul.f32 v39, v3;
	[tilespmem:s18+$0x2030] =	vst.add.f32.msk $0xffff, v5  }
0x1db: {  	[tilespmem:s18+$0x2040] =	vst.add.f32.msk $0xffff, v6;
	v5 =	vmul.f32 v40, v3  }
0x1dc: {  	[tilespmem:s18+$0x2050] =	vst.add.f32.msk $0xffff, v7;
	v6 =	vmul.f32 v41, v3  }
0x1dd: {  	[tilespmem:s18+$0x2070] =	vst.add.f32.msk $0xffff, v5;
	v5 =	vmul.f32 v43, v3  }
0x1de: {  	[tilespmem:s18+$0x2400] =	vst.add.f32.msk $0xffff, v6;
	v6 =	vmul.f32 v44, v3  }
0x1df: {  	v4 =	vmul.f32 v4, v3;
	[tilespmem:s18+$0x2420] =	vst.add.f32.msk $0xffff, v5  }
0x1e0: {  	v5 =	vmul.f32 v46, v3;
	[tilespmem:s18+$0x2430] =	vst.add.f32.msk $0xffff, v6  }
0x1e1: {  	v6 =	vmul.f32 v47, v3;
	[tilespmem:s18+$0x2060] =	vst.add.f32.msk $0xffff, v4  }
0x1e2: {  	v4 =	vmul.f32 v42, v3;
	[tilespmem:s18+$0x2450] =	vst.add.f32.msk $0xffff, v5  }
0x1e3: {  	v5 =	vmul.f32 v49, v3;
	[tilespmem:s18+$0x2460] =	vst.add.f32.msk $0xffff, v6  }
0x1e4: {  	v6 =	vmul.f32 v50, v3;
	[tilespmem:s18+$0x2410] =	vst.add.f32.msk $0xffff, v4  }
0x1e5: {  	v4 =	vmul.f32 v45, v3;
	[tilespmem:s18+$0x2800] =	vst.add.f32.msk $0xffff, v5  }
0x1e6: {  	v5 =	vmul.f32 v52, v3;
	[tilespmem:s18+$0x2810] =	vst.add.f32.msk $0xffff, v6  }
0x1e7: {  	v6 =	vmul.f32 v53, v3;
	[tilespmem:s18+$0x2440] =	vst.add.f32.msk $0xffff, v4  }
0x1e8: {  	v4 =	vmul.f32 v48, v3;
	[tilespmem:s18+$0x2830] =	vst.add.f32.msk $0xffff, v5  }
0x1e9: {  	v5 =	vmul.f32 v55, v3;
	[tilespmem:s18+$0x2840] =	vst.add.f32.msk $0xffff, v6  }
0x1ea: {  	v6 =	vmul.f32 v56, v3;
	[tilespmem:s18+$0x2470] =	vst.add.f32.msk $0xffff, v4  }
0x1eb: {  	v4 =	vmul.f32 v51, v3;
	[tilespmem:s18+$0x2860] =	vst.add.f32.msk $0xffff, v5  }
0x1ec: {  	v5 =	vmul.f32 v58, v3;
	[tilespmem:s18+$0x2870] =	vst.add.f32.msk $0xffff, v6  }
0x1ed: {  	[tilespmem:s18+$0x2820] =	vst.add.f32.msk $0xffff, v4;
	v4 =	vmul.f32 v54, v3  }
0x1ee: {  	v6 =	vmul.f32 v59, v3;
	[tilespmem:s18+$0x2C10] =	vst.add.f32.msk $0xffff, v5  }
0x1ef: {  	[tilespmem:s18+$0x2850] =	vst.add.f32.msk $0xffff, v4;
	v4 =	vmul.f32 v57, v3  }
0x1f0: {  	v5 =	vmul.f32 v61, v3;
	[tilespmem:s18+$0x2C20] =	vst.add.f32.msk $0xffff, v6  }
0x1f1: {  	[tilespmem:s18+$0x2C00] =	vst.add.f32.msk $0xffff, v4;
	v4 =	vmul.f32 v60, v3  }
0x1f2: {  	v6 =	vmul.f32 v62, v3;
	[tilespmem:s18+$0x2C40] =	vst.add.f32.msk $0xffff, v5  }
0x1f3: {  	s23 =	simm.s32 $0x200;
	s19 =	simm.s32 $0x80;
	[tilespmem:s18+$0x2C30] =	vst.add.f32.msk $0xffff, v4;
	v4 =	vmul.f32 v63, v3  }
0x1f4: {  	s21 =	sand.u32 $0x3000, s23;
	s20 =	simm.s32 $0x400;
	s22 =	sand.u32 $0x380, s19;
	[tilespmem:s18+$0x2C50] =	vst.add.f32.msk $0xffff, v6  }
.LBB2_7:
0x1f5: {  	p1 =	sne.s32 s20, $0x3E00;
	[tilespmem:s18+$0x2C60] =	vst.add.f32.msk $0xffff, v4;
	s18 =	sor.u32 s22, s21  }
0x1f6: {  	v4 =	vld [tilespmem:s18+$0xAC70]  }
0x1f7: {  	v5 =	vld [tilespmem:s18+$0xA000]  }
0x1f8: {  	v6 =	vld [tilespmem:s18+$0xA010]  }
0x1f9: {  	v7 =	vld [tilespmem:s18+$0xA020]  }
0x1fa: {  	v8 =	vld [tilespmem:s18+$0xA030]  }
0x1fb: {  	v9 =	vld [tilespmem:s18+$0xA040];
	v4 =	vmul.f32 v4, v3  }
0x1fc: {  	v5 =	vmul.f32 v5, v3;
	v10 =	vld [tilespmem:s18+$0xA050]  }
0x1fd: {  	v6 =	vmul.f32 v6, v3;
	[tilespmem:s18+$0x2C70] =	vst.add.f32.msk $0xffff, v4  }
0x1fe: {  	v4 =	vmul.f32 v7, v3;
	v7 =	vld [tilespmem:s18+$0xA060]  }
0x1ff: {  	v8 =	vmul.f32 v8, v3;
	v11 =	vld [tilespmem:s18+$0xA070]  }
0x200: {  	v9 =	vmul.f32 v9, v3;
	v12 =	vld [tilespmem:s18+$0xA400]  }
0x201: {  	v10 =	vmul.f32 v10, v3;
	v13 =	vld [tilespmem:s18+$0xA410]  }
0x202: {  	v14 =	vld [tilespmem:s18+$0xA420]  }
0x203: {  	v7 =	vmul.f32 v7, v3;
	v15 =	vld [tilespmem:s18+$0xA430]  }
0x204: {  	v11 =	vmul.f32 v11, v3;
	v16 =	vld [tilespmem:s18+$0xA440]  }
0x205: {  	v12 =	vmul.f32 v12, v3;
	v17 =	vld [tilespmem:s18+$0xA450]  }
0x206: {  	v13 =	vmul.f32 v13, v3;
	v18 =	vld [tilespmem:s18+$0xA460]  }
0x207: {  	v14 =	vmul.f32 v14, v3;
	v19 =	vld [tilespmem:s18+$0xA470]  }
0x208: {  	v15 =	vmul.f32 v15, v3;
	v20 =	vld [tilespmem:s18+$0xA800]  }
0x209: {  	v16 =	vmul.f32 v16, v3;
	v21 =	vld [tilespmem:s18+$0xA810]  }
0x20a: {  	v17 =	vmul.f32 v17, v3;
	v22 =	vld [tilespmem:s18+$0xA820]  }
0x20b: {  	v18 =	vmul.f32 v18, v3;
	v23 =	vld [tilespmem:s18+$0xA830]  }
0x20c: {  	v19 =	vmul.f32 v19, v3;
	v24 =	vld [tilespmem:s18+$0xA840]  }
0x20d: {  	v20 =	vmul.f32 v20, v3;
	v25 =	vld [tilespmem:s18+$0xA850]  }
0x20e: {  	v21 =	vmul.f32 v21, v3;
	v26 =	vld [tilespmem:s18+$0xA860]  }
0x20f: {  	v22 =	vmul.f32 v22, v3;
	v27 =	vld [tilespmem:s18+$0xA870]  }
0x210: {  	v23 =	vmul.f32 v23, v3;
	v28 =	vld [tilespmem:s18+$0xAC00]  }
0x211: {  	v24 =	vmul.f32 v24, v3;
	v29 =	vld [tilespmem:s18+$0xAC10]  }
0x212: {  	v25 =	vmul.f32 v25, v3;
	v30 =	vld [tilespmem:s18+$0xAC20]  }
0x213: {  	v26 =	vmul.f32 v26, v3;
	v31 =	vld [tilespmem:s18+$0xAC30]  }
0x214: {  	v27 =	vmul.f32 v27, v3;
	v32 =	vld [tilespmem:s18+$0xAC40]  }
0x215: {  	v28 =	vmul.f32 v28, v3;
	v33 =	vld [tilespmem:s18+$0xAC50]  }
0x216: {  	v29 =	vmul.f32 v29, v3;
	v34 =	vld [tilespmem:s18+$0xAC60]  }
0x217: {  	[tilespmem:s18+$0x2000] =	vst.add.f32.msk $0xffff, v5;
	v5 =	vmul.f32 v30, v3  }
0x218: {  	[tilespmem:s18+$0x2010] =	vst.add.f32.msk $0xffff, v6;
	v6 =	vmul.f32 v31, v3  }
0x219: {  	[tilespmem:s18+$0x2020] =	vst.add.f32.msk $0xffff, v4;
	v30 =	vmul.f32 v32, v3  }
0x21a: {  	[tilespmem:s18+$0x2030] =	vst.add.f32.msk $0xffff, v8;
	v8 =	vmul.f32 v33, v3  }
0x21b: {  	[tilespmem:s18+$0x2040] =	vst.add.f32.msk $0xffff, v9;
	v4 =	vmul.f32 v34, v3  }
0x21c: {  	[tilespmem:s18+$0x2050] =	vst.add.f32.msk $0xffff, v10  }
0x21d: {  	[tilespmem:s18+$0x2060] =	vst.add.f32.msk $0xffff, v7  }
0x21e: {  	[tilespmem:s18+$0x2070] =	vst.add.f32.msk $0xffff, v11  }
0x21f: {  	[tilespmem:s18+$0x2400] =	vst.add.f32.msk $0xffff, v12  }
0x220: {  	[tilespmem:s18+$0x2410] =	vst.add.f32.msk $0xffff, v13  }
0x221: {  	[tilespmem:s18+$0x2420] =	vst.add.f32.msk $0xffff, v14  }
0x222: {  	[tilespmem:s18+$0x2430] =	vst.add.f32.msk $0xffff, v15  }
0x223: {  	[tilespmem:s18+$0x2440] =	vst.add.f32.msk $0xffff, v16  }
0x224: {  	[tilespmem:s18+$0x2450] =	vst.add.f32.msk $0xffff, v17  }
0x225: {  	[tilespmem:s18+$0x2460] =	vst.add.f32.msk $0xffff, v18  }
0x226: {  	[tilespmem:s18+$0x2470] =	vst.add.f32.msk $0xffff, v19  }
0x227: {  	[tilespmem:s18+$0x2800] =	vst.add.f32.msk $0xffff, v20  }
0x228: {  	[tilespmem:s18+$0x2810] =	vst.add.f32.msk $0xffff, v21  }
0x229: {  	[tilespmem:s18+$0x2820] =	vst.add.f32.msk $0xffff, v22  }
0x22a: {  	[tilespmem:s18+$0x2830] =	vst.add.f32.msk $0xffff, v23  }
0x22b: {  	[tilespmem:s18+$0x2840] =	vst.add.f32.msk $0xffff, v24  }
0x22c: {  	[tilespmem:s18+$0x2850] =	vst.add.f32.msk $0xffff, v25  }
0x22d: {  	[tilespmem:s18+$0x2860] =	vst.add.f32.msk $0xffff, v26  }
0x22e: {  	[tilespmem:s18+$0x2870] =	vst.add.f32.msk $0xffff, v27  }
0x22f: {  	[tilespmem:s18+$0x2C00] =	vst.add.f32.msk $0xffff, v28  }
.Ltmp4:
0x230: {  	[tilespmem:s18+$0x2C10] =	vst.add.f32.msk $0xffff, v29;
	(pc) =	sbr.rel @p1 .LBB2_7-.Ltmp4, $4  }
0x231: {  	[tilespmem:s18+$0x2C20] =	vst.add.f32.msk $0xffff, v5  }
0x232: {  	[tilespmem:s18+$0x2C30] =	vst.add.f32.msk $0xffff, v6  }
0x233: {  	s19 =	sadd.s32 $0x80, s19;
	[tilespmem:s18+$0x2C40] =	vst.add.f32.msk $0xffff, v30  }
0x234: {  	s21 =	sand.u32 $0x3000, s20;
	s20 =	sadd.s32 $0x200, s20;
	s22 =	sand.u32 $0x380, s19;
	[tilespmem:s18+$0x2C50] =	vst.add.f32.msk $0xffff, v8  }
0x235: {  	s19 =	sor.u32 s22, s21;
	[tilespmem:s18+$0x2C60] =	vst.add.f32.msk $0xffff, v4  }
0x236: {  	v4 =	vld [tilespmem:s19+$0xAC70]  }
0x237: {  	v5 =	vld [tilespmem:s19+$0xA000]  }
0x238: {  	v6 =	vld [tilespmem:s19+$0xA010]  }
0x239: {  	v7 =	vld [tilespmem:s19+$0xA020]  }
0x23a: {  	v8 =	vld [tilespmem:s19+$0xA030]  }
0x23b: {  	v9 =	vld [tilespmem:s19+$0xA040]  }
0x23c: {  	v10 =	vld [tilespmem:s19+$0xA050]  }
0x23d: {  	v37 =	vld [tilespmem:s19+$0xA060]  }
0x23e: {  	v11 =	vld [tilespmem:s19+$0xA070]  }
0x23f: {  	v12 =	vld [tilespmem:s19+$0xA400]  }
0x240: {  	v13 =	vld [tilespmem:s19+$0xA410]  }
0x241: {  	v14 =	vld [tilespmem:s19+$0xA420]  }
0x242: {  	v15 =	vld [tilespmem:s19+$0xA430]  }
0x243: {  	v16 =	vld [tilespmem:s19+$0xA440]  }
0x244: {  	v17 =	vld [tilespmem:s19+$0xA450]  }
0x245: {  	v18 =	vld [tilespmem:s19+$0xA460]  }
0x246: {  	v19 =	vld [tilespmem:s19+$0xA470]  }
0x247: {  	v20 =	vld [tilespmem:s19+$0xA800]  }
0x248: {  	v21 =	vld [tilespmem:s19+$0xA810]  }
0x249: {  	v22 =	vld [tilespmem:s19+$0xA820]  }
0x24a: {  	v23 =	vld [tilespmem:s19+$0xA830]  }
0x24b: {  	v24 =	vld [tilespmem:s19+$0xA840]  }
0x24c: {  	v25 =	vld [tilespmem:s19+$0xA850]  }
0x24d: {  	v26 =	vld [tilespmem:s19+$0xA860]  }
0x24e: {  	v27 =	vld [tilespmem:s19+$0xA870]  }
0x24f: {  	v28 =	vld [tilespmem:s19+$0xAC00]  }
0x250: {  	v29 =	vld [tilespmem:s19+$0xAC10]  }
0x251: {  	v30 =	vld [tilespmem:s19+$0xAC20]  }
0x252: {  	v31 =	vld [tilespmem:s19+$0xAC30]  }
0x253: {  	v32 =	vld [tilespmem:s19+$0xAC40]  }
0x254: {  	v33 =	vld [tilespmem:s19+$0xAC50];
	v4 =	vmul.f32 v4, v3  }
0x255: {  	v34 =	vld [tilespmem:s19+$0xAC60];
	v5 =	vmul.f32 v5, v3  }
0x256: {  	v6 =	vmul.f32 v6, v3;
	[tilespmem:s19+$0x2C70] =	vst.add.f32.msk $0xffff, v4  }
0x257: {  	v7 =	vmul.f32 v7, v3;
	[tilespmem:s19+$0x2000] =	vst.add.f32.msk $0xffff, v5  }
0x258: {  	v38 =	vmul.f32 v8, v3;
	[tilespmem:s19+$0x2010] =	vst.add.f32.msk $0xffff, v6  }
0x259: {  	v39 =	vmul.f32 v9, v3;
	[tilespmem:s19+$0x2020] =	vst.add.f32.msk $0xffff, v7  }
0x25a: {  	v40 =	vmul.f32 v10, v3;
	[tilespmem:s19+$0x2030] =	vst.add.f32.msk $0xffff, v38  }
0x25b: {  	v41 =	vmul.f32 v11, v3;
	[tilespmem:s19+$0x2040] =	vst.add.f32.msk $0xffff, v39  }
0x25c: {  	v42 =	vmul.f32 v12, v3;
	[tilespmem:s19+$0x2050] =	vst.add.f32.msk $0xffff, v40  }
0x25d: {  	v43 =	vmul.f32 v13, v3;
	[tilespmem:s19+$0x2070] =	vst.add.f32.msk $0xffff, v41  }
0x25e: {  	v44 =	vmul.f32 v14, v3;
	[tilespmem:s19+$0x2400] =	vst.add.f32.msk $0xffff, v42  }
0x25f: {  	v45 =	vmul.f32 v15, v3;
	[tilespmem:s19+$0x2410] =	vst.add.f32.msk $0xffff, v43  }
0x260: {  	v46 =	vmul.f32 v16, v3;
	[tilespmem:s19+$0x2420] =	vst.add.f32.msk $0xffff, v44  }
0x261: {  	v47 =	vmul.f32 v17, v3;
	[tilespmem:s19+$0x2430] =	vst.add.f32.msk $0xffff, v45  }
0x262: {  	v48 =	vmul.f32 v18, v3;
	[tilespmem:s19+$0x2440] =	vst.add.f32.msk $0xffff, v46  }
0x263: {  	v49 =	vmul.f32 v19, v3;
	[tilespmem:s19+$0x2450] =	vst.add.f32.msk $0xffff, v47  }
0x264: {  	v50 =	vmul.f32 v20, v3;
	[tilespmem:s19+$0x2460] =	vst.add.f32.msk $0xffff, v48  }
0x265: {  	v51 =	vmul.f32 v21, v3;
	[tilespmem:s19+$0x2470] =	vst.add.f32.msk $0xffff, v49  }
0x266: {  	v52 =	vmul.f32 v22, v3;
	[tilespmem:s19+$0x2800] =	vst.add.f32.msk $0xffff, v50  }
0x267: {  	v53 =	vmul.f32 v23, v3;
	[tilespmem:s19+$0x2810] =	vst.add.f32.msk $0xffff, v51  }
0x268: {  	v54 =	vmul.f32 v24, v3;
	[tilespmem:s19+$0x2820] =	vst.add.f32.msk $0xffff, v52  }
0x269: {  	v55 =	vmul.f32 v25, v3;
	[tilespmem:s19+$0x2830] =	vst.add.f32.msk $0xffff, v53  }
0x26a: {  	v56 =	vmul.f32 v26, v3;
	[tilespmem:s19+$0x2840] =	vst.add.f32.msk $0xffff, v54  }
0x26b: {  	v57 =	vmul.f32 v27, v3;
	[tilespmem:s19+$0x2850] =	vst.add.f32.msk $0xffff, v55  }
0x26c: {  	v58 =	vmul.f32 v28, v3;
	[tilespmem:s19+$0x2860] =	vst.add.f32.msk $0xffff, v56  }
0x26d: {  	v59 =	vmul.f32 v29, v3;
	[tilespmem:s19+$0x2870] =	vst.add.f32.msk $0xffff, v57  }
0x26e: {  	v60 =	vmul.f32 v30, v3;
	[tilespmem:s19+$0x2C00] =	vst.add.f32.msk $0xffff, v58  }
0x26f: {  	v61 =	vmul.f32 v31, v3;
	[tilespmem:s19+$0x2C10] =	vst.add.f32.msk $0xffff, v59  }
0x270: {  	v62 =	vmul.f32 v32, v3;
	[tilespmem:s19+$0x2C20] =	vst.add.f32.msk $0xffff, v60  }
.Ltmp5:
0x271: {  	v63 =	vmul.f32 v33, v3;
	[tilespmem:s19+$0x2C30] =	vst.add.f32.msk $0xffff, v61;
	(pc) =	sbr.rel @p0 .LBB2_10-.Ltmp5, $4  }
0x272: {  	v4 =	vmul.f32 v37, v3;
	[tilespmem:s19+$0x2C40] =	vst.add.f32.msk $0xffff, v62  }
0x273: {  	v3 =	vmul.f32 v34, v3;
	[tilespmem:s19+$0x2C50] =	vst.add.f32.msk $0xffff, v63  }
0x274: {  	[tilespmem:s19+$0x2060] =	vst.add.f32.msk $0xffff, v4  }
0x275: {  	[tilespmem:s19+$0x2C60] =	vst.add.f32.msk $0xffff, v3  }
0x276: {  	s18 =	sshll.u32 s17, $0x8  }
0x277: {  	s18 =	sand.u32 $0x3FFFFF00, s18  }
0x278: {  	v3 =	vld [tilespmem:s18+$0x180];
	_ =	sdelay $0x4  }
0x279: {  	v4 =	vshll.u32 v3, $0x2  }
0x27a: {  	v3 =	vand.u32 $0x7, v3;
	v4 =	vand.u32 $0xFFFFFFE0, v4  }
0x27b: {  	v3 =	vor.u32 v3, v4  }
0x27c: {  	v4 =	vperm.xlane v3, v0;
	_ =	sdelay $0x1  }
0x27d: {  	v4 =	vadd.s32 v1, v4;
	_ =	sdelay $0x1  }
0x27e: {  	v3 =	vperm.xlane v3, v2;
	_ =	sdelay $0x1  }
0x27f: {  	v3 =	vadd.s32 v1, v3  }
0x280: {  	[tilespmem:s24], [sflag:$0x2] =	stream.indirect_vreg.gather [hbm4b:s2+s3], $0x80, v4, vm0, $0xb8;
	[tilespmem:$0xE000] =	vst v63  }
0x281: {  	_ = 	snop  }
0x282: {  	[tilespmem:s25], [sflag:$0x2] =	stream.indirect_vreg.gather [hbm4b:s8+s3], $0x80, v4, vm0, $0xb8;
	[tilespmem:$0xE000] =	vst v63  }
0x283: {  	_ = 	snop  }
0x284: {  	[tilespmem:s26], [sflag:$0x2] =	stream.indirect_vreg.gather [hbm4b:s2+s3], $0x80, v3, vm0, $0xb8;
	[tilespmem:$0xE000] =	vst v63  }
0x285: {  	_ = 	snop  }
0x286: {  	[tilespmem:s28], [sflag:$0x2] =	stream.indirect_vreg.gather [hbm4b:s8+s3], $0x80, v3, vm0, $0xb8;
	[tilespmem:$0xE000] =	vst v63  }
0x287: {  	v3 =	vld [tilespmem:s18+$0x190];
	_ =	sdelay $0x4  }
0x288: {  	v63 =	vshll.u32 v3, $0x2  }
0x289: {  	v3 =	vand.u32 $0x7, v3;
	v4 =	vand.u32 $0xFFFFFFE0, v63  }
0x28a: {  	v3 =	vor.u32 v3, v4  }
0x28b: {  	v4 =	vperm.xlane v3, v0;
	_ =	sdelay $0x1  }
0x28c: {  	v4 =	vadd.s32 v1, v4;
	_ =	sdelay $0x2  }
0x28d: {  	v3 =	vperm.xlane v3, v2;
	_ =	sdelay $0x1  }
0x28e: {  	v3 =	vadd.s32 v1, v3;
	[tilespmem:s29], [sflag:$0x2] =	stream.indirect_vreg.gather [hbm4b:s2+s3], $0x80, v4, vm0, $0xb8;
	[tilespmem:$0xE000] =	vst v63  }
0x28f: {  	_ = 	snop  }
0x290: {  	[tilespmem:s30], [sflag:$0x2] =	stream.indirect_vreg.gather [hbm4b:s8+s3], $0x80, v4, vm0, $0xb8;
	[tilespmem:$0xE000] =	vst v63  }
.Ltmp6:
0x291: {  	_ = 	snop;
	(pc) =	sbr.rel .LBB2_4-.Ltmp6, $4  }
0x292: {  	_ = 	snop  }
0x293: {  	[tilespmem:s31], [sflag:$0x2] =	stream.indirect_vreg.gather [hbm4b:s2+s3], $0x80, v3, vm0, $0xb8;
	[tilespmem:$0xE000] =	vst v63  }
0x294: {  	s17 =	sadd.s32 $0x1, s17  }
0x295: {  	[tilespmem:s1], [sflag:$0x2] =	stream.indirect_vreg.gather [hbm4b:s8+s3], $0x80, v3, vm0, $0xb8;
	[tilespmem:$0xE000] =	vst v63  }
.LBB2_11:
0x296: {  	_ =	sfence.sel $0x180000  }
0x297: {  	[bflag:$0x0] =	sbarrier.arrive $0xFFFF  }
0x298: {  	_ =	strace $0x90000047  }
0x299: {  	s0 =	stileid.u32;
	[bflag:$0x2] =	sbarrier.arrive $0xFFFF  }
0x29a: {  	p0 =	sne.s32 s0, $0x0;
	s0 =	rddreg [dreg:$0x2]  }
0x29b: {  	s0 =	sadd.s32 @!p0 $0x100000, s0  }
0x29c: {  	[sflag:s0] =	ssyncadd.tile.s32 @!p0 $0x1;
	_ =	shalt  }
.Lfunc_end2:
_tile_overlayer_lowered:
.L_overlay_start_2:
0x29d: {  	(tag) =	ssettag $0x2  }
0x29e: {  	s0 =	rddreg [dreg:$0x0];
	s2 =	stileid.u32  }
0x29f: {  	s1 =	rddreg [dreg:$0x1];
	p0 =	sne.s32 s2, $0x0  }
0x2a0: {  	s3 =	rddreg [dreg:$0x2];
	[bflag:$0x3] =	sbarrier.arrive $0xFFFF;
	s2 =	simm.s32 @!p0 $0x1C03  }
0x2a1: {  	[timem:s3], [sflag:s2] =	dma.local @!p0 [hbm:s0], s1  }
0x2a2: {  	s0 =	simm.s32 @!p0 $0x3  }
0x2a3: {  	_ =	swait.ge @!p0 [sflag:s0], s1  }
0x2a4: {  	s1 =	ssub.s32 @!p0 $0x0, s1;
	[sflag:s0] =	ssyncset.done @!p0 $0x0  }
0x2a5: {  	[sflag:s0] =	ssyncadd.s32 @!p0 s1  }
0x2a6: {  	[bflag:$0x3] =	sbarrier.arrive $0xFFFF  }
0x2a7: {  	_ =	shalt  }

</sc_bundles>
